<compile_context>
chip_gen: v7x
topology: tpu7x:2x2x1
jax: 0.10.2.dev20260603
libtpu: 0.0.44.dev20260713+nightly
codegen_flags: <defaults>
</compile_context>

<pallas_src>
import functools

import jax
import jax.numpy as jnp
from jax import lax
from jax.experimental import pallas as pl
from jax.experimental.pallas import tpu as pltpu
from jax.experimental.pallas import tpu_sc as plsc

N = 10000
E = 320000
D = 128
D_OUT = 64

NC = 2
NS = 16
NW = NC * NS
CHUNK = 128
NCHUNK = E // CHUNK
CPW = NCHUNK // NW
NEXTRA = NCHUNK - CPW * NW
EXBASE = CPW * NW
RPW = 624
RTAIL = N - NS * RPW
NSLOT = 3


def _agg_sc(h, src, dst, zeros):
    mesh = plsc.VectorSubcoreMesh(core_axis_name="c", subcore_axis_name="s")

    @functools.partial(
        pl.kernel,
        out_type=jax.ShapeDtypeStruct((NC, N, D), jnp.float32),
        mesh=mesh,
        scratch_types=(
            [pltpu.VMEM((CHUNK,), jnp.int32)] * NSLOT
            + [pltpu.VMEM((CHUNK,), jnp.int32)] * NSLOT
            + [pltpu.VMEM((CHUNK, D), jnp.float32)] * NSLOT
            + [pltpu.SemaphoreType.DMA] * (3 * NSLOT)
            + [pltpu.VMEM_SHARED((N, D), jnp.float32)]
        ),
    )
    def body(h_hbm, src_hbm, dst_hbm, z_hbm, out_hbm, *sc_refs):
        sv = sc_refs[0:3]
        dv = sc_refs[3:6]
        rows = sc_refs[6:9]
        sis = sc_refs[9:12]
        sid = sc_refs[12:15]
        sg = sc_refs[15:18]
        acc_sh = sc_refs[18]

        c_ax = lax.axis_index("c")
        s_ax = lax.axis_index("s")
        wid = c_ax * NS + s_ax
        base = wid * CPW

        def fire_idx(ch, k):
            off = pl.multiple_of(ch * CHUNK, 8)
            pltpu.async_copy(src_hbm.at[pl.ds(off, CHUNK)], sv[k], sis[k])
            pltpu.async_copy(dst_hbm.at[pl.ds(off, CHUNK)], dv[k], sid[k])

        def wait_is(k):
            pltpu.make_async_copy(src_hbm.at[pl.ds(0, CHUNK)], sv[k], sis[k]).wait()

        def wait_id(k):
            pltpu.make_async_copy(dst_hbm.at[pl.ds(0, CHUNK)], dv[k], sid[k]).wait()

        def fire_gather(k):
            pltpu.async_copy(h_hbm.at[sv[k]], rows[k], sg[k])

        def wait_gather(k):
            pltpu.make_async_copy(h_hbm.at[sv[k]], rows[k], sg[k]).wait()

        fire_idx(base, 0)
        fire_idx(base + 1, 1)
        wait_is(0)
        fire_gather(0)

        pltpu.sync_copy(z_hbm.at[pl.ds(s_ax * RPW, RPW)],
                        acc_sh.at[pl.ds(s_ax * RPW, RPW)])

        @pl.when(s_ax == 0)
        def _():
            pltpu.sync_copy(z_hbm.at[pl.ds(NS * RPW, RTAIL)],
                            acc_sh.at[pl.ds(NS * RPW, RTAIL)])

        plsc.subcore_barrier()

        def outer(o, carry):
            for k in range(NSLOT):
                c = o * NSLOT + k
                k1 = (k + 1) % NSLOT
                k2 = (k + 2) % NSLOT

                @pl.when(c + 2 < CPW)
                def _():
                    fire_idx(base + c + 2, k2)

                @pl.when(c + 1 < CPW)
                def _():
                    wait_is(k1)
                    fire_gather(k1)

                wait_gather(k)
                wait_id(k)
                pltpu.sync_copy(rows[k], acc_sh.at[dv[k]], add=True)
            return carry

        lax.fori_loop(0, CPW // NSLOT, outer, 0)

        @pl.when(wid < NEXTRA)
        def _():
            fire_idx(EXBASE + wid, 0)
            wait_is(0)
            fire_gather(0)
            wait_gather(0)
            wait_id(0)
            pltpu.sync_copy(rows[0], acc_sh.at[dv[0]], add=True)

        plsc.subcore_barrier()
        pltpu.sync_copy(acc_sh.at[pl.ds(s_ax * RPW, RPW)],
                        out_hbm.at[c_ax].at[pl.ds(s_ax * RPW, RPW)])

        @pl.when(s_ax == 0)
        def _():
            pltpu.sync_copy(acc_sh.at[pl.ds(NS * RPW, RTAIL)],
                            out_hbm.at[c_ax].at[pl.ds(NS * RPW, RTAIL)])

    return body(h, src, dst, zeros)


BLK = 1000


def _mlp_body(x_ref, a_ref, w1_ref, b1_ref, w2_ref, b2_ref, sc_ref, sh_ref,
              out_ref):
    h = x_ref[...] + a_ref[0] + a_ref[1]
    t = jnp.dot(h, w1_ref[...], preferred_element_type=jnp.float32) + b1_ref[...]
    t = jnp.maximum(t, 0.0)
    t = jnp.dot(t, w2_ref[...], preferred_element_type=jnp.float32) + b2_ref[...]
    out_ref[...] = jnp.maximum(t * sc_ref[...] + sh_ref[...], 0.0)


def _mlp_tc(x, agg, w1, b1, w2, b2, scale, shift):
    grid = N // BLK
    full = lambda *_: (0, 0)
    return pl.pallas_call(
        _mlp_body,
        grid=(grid,),
        in_specs=[
            pl.BlockSpec((BLK, D), lambda i: (i, 0)),
            pl.BlockSpec((NC, BLK, D), lambda i: (0, i, 0)),
            pl.BlockSpec((D, D), full),
            pl.BlockSpec((1, D), full),
            pl.BlockSpec((D, D), full),
            pl.BlockSpec((1, D), full),
            pl.BlockSpec((1, D), full),
            pl.BlockSpec((1, D), full),
        ],
        out_specs=pl.BlockSpec((BLK, D), lambda i: (i, 0)),
        out_shape=jax.ShapeDtypeStruct((N, D), jnp.float32),
    )(x, agg, w1, b1, w2, b2, scale, shift)


def _mlp3_body(x_ref, a_ref, w1_ref, b1_ref, w2_ref, b2_ref, sc_ref, sh_ref,
               wc_ref, bc_ref, out_ref, acc_ref):
    i = pl.program_id(0)
    h = x_ref[...] + a_ref[0] + a_ref[1]
    t = jnp.dot(h, w1_ref[...], preferred_element_type=jnp.float32) + b1_ref[...]
    t = jnp.maximum(t, 0.0)
    t = jnp.dot(t, w2_ref[...], preferred_element_type=jnp.float32) + b2_ref[...]
    t = jnp.maximum(t * sc_ref[...] + sh_ref[...], 0.0)
    psum = jnp.sum(t, axis=0, keepdims=True)

    @pl.when(i == 0)
    def _():
        acc_ref[...] = psum

    @pl.when(i > 0)
    def _():
        acc_ref[...] += psum

    @pl.when(i == pl.num_programs(0) - 1)
    def _():
        out_ref[...] = (jnp.dot(acc_ref[...], wc_ref[...],
                                preferred_element_type=jnp.float32)
                        + bc_ref[...])


def _mlp3_tc(x, agg, w1, b1, w2, b2, scale, shift, wc, bc):
    grid = N // BLK
    full = lambda *_: (0, 0)
    return pl.pallas_call(
        _mlp3_body,
        grid=(grid,),
        in_specs=[
            pl.BlockSpec((BLK, D), lambda i: (i, 0)),
            pl.BlockSpec((NC, BLK, D), lambda i: (0, i, 0)),
            pl.BlockSpec((D, D), full),
            pl.BlockSpec((1, D), full),
            pl.BlockSpec((D, D), full),
            pl.BlockSpec((1, D), full),
            pl.BlockSpec((1, D), full),
            pl.BlockSpec((1, D), full),
            pl.BlockSpec((D, D_OUT), full),
            pl.BlockSpec((1, D_OUT), full),
        ],
        out_specs=pl.BlockSpec((1, D_OUT), full),
        out_shape=jax.ShapeDtypeStruct((1, D_OUT), jnp.float32),
        scratch_shapes=[pltpu.VMEM((1, D), jnp.float32)],
    )(x, agg, w1, b1, w2, b2, scale, shift, wc, bc)


def kernel(x, edge_index,
           W1_0, b1_0, W2_0, b2_0, gamma_0, beta_0, mean_0, var_0,
           W1_1, b1_1, W2_1, b2_1, gamma_1, beta_1, mean_1, var_1,
           W1_2, b1_2, W2_2, b2_2, gamma_2, beta_2, mean_2, var_2,
           Wc, bc):
    src = edge_index[0]
    dst = edge_index[1]
    zeros = jnp.zeros((N, D), jnp.float32)

    def fold_bn(gamma, beta, mean, var):
        scale = gamma / jnp.sqrt(var + 1e-5)
        shift = beta - mean * scale
        return scale.reshape(1, D), shift.reshape(1, D)

    sc0, sh0 = fold_bn(gamma_0, beta_0, mean_0, var_0)
    sc1, sh1 = fold_bn(gamma_1, beta_1, mean_1, var_1)
    sc2, sh2 = fold_bn(gamma_2, beta_2, mean_2, var_2)

    h = x
    agg = _agg_sc(h, src, dst, zeros)
    h = _mlp_tc(h, agg, W1_0, b1_0.reshape(1, D), W2_0, b2_0.reshape(1, D), sc0, sh0)
    agg = _agg_sc(h, src, dst, zeros)
    h = _mlp_tc(h, agg, W1_1, b1_1.reshape(1, D), W2_1, b2_1.reshape(1, D), sc1, sh1)
    agg = _agg_sc(h, src, dst, zeros)
    return _mlp3_tc(h, agg, W1_2, b1_2.reshape(1, D), W2_2, b2_2.reshape(1, D),
                    sc2, sh2, Wc, bc.reshape(1, D_OUT))

# --- scband reference (transcript-rebuilt; emitter-appended) ---
"""Pipeline reference for scband-gin-32066225832278 (READ-ONLY COPY).

The authoritative reference and input builder live on the scoring server;
editing this copy changes nothing except your own understanding.
"""

import jax, jax.numpy as jnp
import numpy as np

N = 10000
E = 320000
D_IN = 128
D_H = 128
D_OUT = 64


def setup_inputs(seed: int = 0):
    key = jax.random.key(seed)
    ks = jax.random.split(key, 40)
    inp = {}
    inp["x"] = jax.random.normal(ks[0], (N, D_IN), dtype=jnp.float32)
    inp["edge_index"] = jax.random.randint(ks[1], (2, E), 0, N, dtype=jnp.int32)
    dims = [D_IN, D_H, D_H]
    j = 2
    for i in range(3):
        d_in = dims[i]
        inp[f"W1_{i}"] = jax.random.normal(ks[j], (d_in, D_H), dtype=jnp.float32) * 0.05; j += 1
        inp[f"b1_{i}"] = jnp.zeros((D_H,), dtype=jnp.float32)
        inp[f"W2_{i}"] = jax.random.normal(ks[j], (D_H, D_H), dtype=jnp.float32) * 0.05; j += 1
        inp[f"b2_{i}"] = jnp.zeros((D_H,), dtype=jnp.float32)
        inp[f"gamma_{i}"] = jnp.ones((D_H,), dtype=jnp.float32)
        inp[f"beta_{i}"] = jnp.zeros((D_H,), dtype=jnp.float32)
        inp[f"mean_{i}"] = jnp.zeros((D_H,), dtype=jnp.float32)
        inp[f"var_{i}"] = jnp.ones((D_H,), dtype=jnp.float32)
    inp["Wc"] = jax.random.normal(ks[j], (D_H, D_OUT), dtype=jnp.float32) * 0.05; j += 1
    inp["bc"] = jnp.zeros((D_OUT,), dtype=jnp.float32)
    return inp


def _gin_layer(x, src, dst, W1, b1, W2, b2, gamma, beta, mean, var):
    # GINConv: h = MLP((1 + eps) * x + sum_{j in N(i)} x_j), eps = 0 (default, not trained)
    agg = jax.ops.segment_sum(x[src], dst, num_segments=x.shape[0])
    h = x + agg
    h = jnp.maximum(h @ W1 + b1, 0.0)
    h = h @ W2 + b2
    # BatchNorm1d in eval mode with running stats
    h = (h - mean) / jnp.sqrt(var + 1e-5) * gamma + beta
    # ReLU; dropout is identity in eval mode
    return jnp.maximum(h, 0.0)


def reference(x, edge_index, W1_0, b1_0, W2_0, b2_0, gamma_0, beta_0, mean_0, var_0, W1_1, b1_1, W2_1, b2_1, gamma_1, beta_1, mean_1, var_1, W1_2, b1_2, W2_2, b2_2, gamma_2, beta_2, mean_2, var_2, Wc, bc):
    src = edge_index[0]
    dst = edge_index[1]
    h = _gin_layer(x, src, dst, W1_0, b1_0, W2_0, b2_0, gamma_0, beta_0, mean_0, var_0)
    h = _gin_layer(h, src, dst, W1_1, b1_1, W2_1, b2_1, gamma_1, beta_1, mean_1, var_1)
    h = _gin_layer(h, src, dst, W1_2, b1_2, W2_2, b2_2, gamma_2, beta_2, mean_2, var_2)
    # batch is None -> all nodes belong to graph 0 -> global_add_pool is a full sum
    pooled = jnp.sum(h, axis=0, keepdims=True)
    logits = pooled @ Wc + bc
    return logits

if __name__ == "__main__":
    import jax
    _d = setup_inputs()
    print(jax.jit(kernel)(*tuple(_d.values())))

</pallas_src>

<mosaic_0001>
#map = affine_map<(d0, d1) -> (0, 0)>
#map1 = affine_map<(d0, d1) -> (0)>
#map2 = affine_map<(d0, d1) -> (0, 0, 0)>
module attributes {stable_mosaic.version = 14 : i64} {
  func.func @body(%arg0: i32, %arg1: i32, %arg2: memref<10000x128xf32, #tpu.memory_space<hbm>>, %arg3: memref<320000xi32, #tpu.memory_space<hbm>>, %arg4: memref<320000xi32, #tpu.memory_space<hbm>>, %arg5: memref<10000x128xf32, #tpu.memory_space<hbm>>, %arg6: memref<2x10000x128xf32, #tpu.memory_space<hbm>>, %arg7: memref<128xi32, #tpu.memory_space<vmem>>, %arg8: memref<128xi32, #tpu.memory_space<vmem>>, %arg9: memref<128xi32, #tpu.memory_space<vmem>>, %arg10: memref<128xi32, #tpu.memory_space<vmem>>, %arg11: memref<128xi32, #tpu.memory_space<vmem>>, %arg12: memref<128xi32, #tpu.memory_space<vmem>>, %arg13: memref<128x128xf32, #tpu.memory_space<vmem>>, %arg14: memref<128x128xf32, #tpu.memory_space<vmem>>, %arg15: memref<128x128xf32, #tpu.memory_space<vmem>>, %arg16: memref<!tpu.dma_semaphore, #tpu.memory_space<semaphore_mem>>, %arg17: memref<!tpu.dma_semaphore, #tpu.memory_space<semaphore_mem>>, %arg18: memref<!tpu.dma_semaphore, #tpu.memory_space<semaphore_mem>>, %arg19: memref<!tpu.dma_semaphore, #tpu.memory_space<semaphore_mem>>, %arg20: memref<!tpu.dma_semaphore, #tpu.memory_space<semaphore_mem>>, %arg21: memref<!tpu.dma_semaphore, #tpu.memory_space<semaphore_mem>>, %arg22: memref<!tpu.dma_semaphore, #tpu.memory_space<semaphore_mem>>, %arg23: memref<!tpu.dma_semaphore, #tpu.memory_space<semaphore_mem>>, %arg24: memref<!tpu.dma_semaphore, #tpu.memory_space<semaphore_mem>>, %arg25: memref<10000x128xf32, #tpu.memory_space<vmem_shared>>) attributes {dimension_semantics = [#tpu.dimension_semantics<core_parallel>, #tpu.dimension_semantics<subcore_parallel>], iteration_bounds = array<i64: 2, 16>, scalar_prefetch = 0 : i64, scratch_operands = 19 : i64, tpu.core_type = #tpu.core_type<sc_vector_subcore>, window_params = [{transform_indices = #map}, {transform_indices = #map1}, {transform_indices = #map1}, {transform_indices = #map}, {transform_indices = #map2}]} {
    %mul3A = arith.constant 16 : i32
    %mul3A_0 = arith.muli %arg0, %mul3A : i32
    %add3A = arith.addi %mul3A_0, %arg1 : i32
    %mul3A_1 = arith.constant 78 : i32
    %mul3A_2 = arith.muli %add3A, %mul3A_1 : i32
    %mul3A_3 = arith.constant 128 : i32
    %mul3A_4 = arith.muli %mul3A_2, %mul3A_3 : i32
    %multiple_of3A = tpu.assume_multiple %mul3A_4, 8 : i32
    %dma_start3A = tpu.memref_slice %arg3[%multiple_of3A] : memref<320000xi32, #tpu.memory_space<hbm>> -> memref<128xi32, #tpu.memory_space<hbm>>
    %dma_start3A_5 = tpu.memref_slice %arg3[%multiple_of3A] : memref<320000xi32, #tpu.memory_space<hbm>> -> memref<128xi32, #tpu.memory_space<hbm>>
    tpu.enqueue_dma source(%dma_start3A_5 : memref<128xi32, #tpu.memory_space<hbm>>) target(%arg7 : memref<128xi32, #tpu.memory_space<vmem>>) target_semaphore(%arg16 : memref<!tpu.dma_semaphore, #tpu.memory_space<semaphore_mem>>)
    %dma_start3A_6 = tpu.memref_slice %arg4[%multiple_of3A] : memref<320000xi32, #tpu.memory_space<hbm>> -> memref<128xi32, #tpu.memory_space<hbm>>
    %dma_start3A_7 = tpu.memref_slice %arg4[%multiple_of3A] : memref<320000xi32, #tpu.memory_space<hbm>> -> memref<128xi32, #tpu.memory_space<hbm>>
    tpu.enqueue_dma source(%dma_start3A_7 : memref<128xi32, #tpu.memory_space<hbm>>) target(%arg10 : memref<128xi32, #tpu.memory_space<vmem>>) target_semaphore(%arg19 : memref<!tpu.dma_semaphore, #tpu.memory_space<semaphore_mem>>)
    %add3A_8 = arith.constant 1 : i32
    %add3A_9 = arith.addi %mul3A_2, %add3A_8 : i32
    %mul3A_10 = arith.constant 128 : i32
    %mul3A_11 = arith.muli %add3A_9, %mul3A_10 : i32
    %multiple_of3A_12 = tpu.assume_multiple %mul3A_11, 8 : i32
    %dma_start3A_13 = tpu.memref_slice %arg3[%multiple_of3A_12] : memref<320000xi32, #tpu.memory_space<hbm>> -> memref<128xi32, #tpu.memory_space<hbm>>
    %dma_start3A_14 = tpu.memref_slice %arg3[%multiple_of3A_12] : memref<320000xi32, #tpu.memory_space<hbm>> -> memref<128xi32, #tpu.memory_space<hbm>>
    tpu.enqueue_dma source(%dma_start3A_14 : memref<128xi32, #tpu.memory_space<hbm>>) target(%arg8 : memref<128xi32, #tpu.memory_space<vmem>>) target_semaphore(%arg17 : memref<!tpu.dma_semaphore, #tpu.memory_space<semaphore_mem>>)
    %dma_start3A_15 = tpu.memref_slice %arg4[%multiple_of3A_12] : memref<320000xi32, #tpu.memory_space<hbm>> -> memref<128xi32, #tpu.memory_space<hbm>>
    %dma_start3A_16 = tpu.memref_slice %arg4[%multiple_of3A_12] : memref<320000xi32, #tpu.memory_space<hbm>> -> memref<128xi32, #tpu.memory_space<hbm>>
    tpu.enqueue_dma source(%dma_start3A_16 : memref<128xi32, #tpu.memory_space<hbm>>) target(%arg11 : memref<128xi32, #tpu.memory_space<vmem>>) target_semaphore(%arg20 : memref<!tpu.dma_semaphore, #tpu.memory_space<semaphore_mem>>)
    %dma_wait3A = arith.constant 0 : i32
    %dma_wait3A_17 = tpu.memref_slice %arg3[%dma_wait3A] : memref<320000xi32, #tpu.memory_space<hbm>> -> memref<128xi32, #tpu.memory_space<hbm>>
    %dma_wait3A_18 = arith.constant 0 : i32
    %dma_wait3A_19 = tpu.memref_slice %arg3[%dma_wait3A_18] : memref<320000xi32, #tpu.memory_space<hbm>> -> memref<128xi32, #tpu.memory_space<hbm>>
    tpu.wait_dma2 semaphore(%arg16 : memref<!tpu.dma_semaphore, #tpu.memory_space<semaphore_mem>>) src(%dma_wait3A_19 : memref<128xi32, #tpu.memory_space<hbm>>) dst(%arg7 : memref<128xi32, #tpu.memory_space<vmem>>)
    %dma_start3A_20 = arith.constant 0 : i32
    %dma_start3A_21 = arith.constant 0 : i32
    %dma_start3A_22 = tpu.memref_slice %arg2[%dma_start3A_20, %dma_start3A_21] : memref<10000x128xf32, #tpu.memory_space<hbm>> -> memref<10000x128xf32, #tpu.memory_space<hbm>>
    tpu.enqueue_indirect_dma source(%dma_start3A_22 : memref<10000x128xf32, #tpu.memory_space<hbm>>) target(%arg13 : memref<128x128xf32, #tpu.memory_space<vmem>>) offsets(%arg7 : memref<128xi32, #tpu.memory_space<vmem>>) semaphore(%arg22 : memref<!tpu.dma_semaphore, #tpu.memory_space<semaphore_mem>>)
    %mul3A_23 = arith.constant 624 : i32
    %mul3A_24 = arith.muli %arg1, %mul3A_23 : i32
    %mul3A_25 = arith.constant 624 : i32
    %mul3A_26 = arith.muli %arg1, %mul3A_25 : i32
    "tpu.region"() ({
      %run_scoped3A = tpu.sem_alloc : memref<!tpu.dma_semaphore, #tpu.memory_space<semaphore_mem>>
      %dma_start3A_48 = arith.constant 0 : i32
      %dma_start3A_49 = tpu.memref_slice %arg25[%mul3A_26, %dma_start3A_48] : memref<10000x128xf32, #tpu.memory_space<vmem_shared>> -> memref<624x128xf32, #tpu.memory_space<vmem_shared>>
      %dma_start3A_50 = arith.constant 0 : i32
      %dma_start3A_51 = tpu.memref_slice %arg5[%mul3A_24, %dma_start3A_50] : memref<10000x128xf32, #tpu.memory_space<hbm>> -> memref<624x128xf32, #tpu.memory_space<hbm>>
      tpu.enqueue_dma source(%dma_start3A_51 : memref<624x128xf32, #tpu.memory_space<hbm>>) target(%dma_start3A_49 : memref<624x128xf32, #tpu.memory_space<vmem_shared>>) target_semaphore(%run_scoped3A : memref<!tpu.dma_semaphore, #tpu.memory_space<semaphore_mem>>)
      %dma_wait3A_52 = arith.constant 0 : i32
      %dma_wait3A_53 = tpu.memref_slice %arg25[%mul3A_26, %dma_wait3A_52] : memref<10000x128xf32, #tpu.memory_space<vmem_shared>> -> memref<624x128xf32, #tpu.memory_space<vmem_shared>>
      %dma_wait3A_54 = arith.constant 0 : i32
      %dma_wait3A_55 = tpu.memref_slice %arg5[%mul3A_24, %dma_wait3A_54] : memref<10000x128xf32, #tpu.memory_space<hbm>> -> memref<624x128xf32, #tpu.memory_space<hbm>>
      tpu.wait_dma2 semaphore(%run_scoped3A : memref<!tpu.dma_semaphore, #tpu.memory_space<semaphore_mem>>) src(%dma_wait3A_55 : memref<624x128xf32, #tpu.memory_space<hbm>>) dst(%dma_wait3A_53 : memref<624x128xf32, #tpu.memory_space<vmem_shared>>)
      tpu.yield
    }) : () -> ()
    %eq3A = arith.constant 0 : i32
    %eq3A_27 = arith.cmpi eq, %arg1, %eq3A : i32
    %convert_element_type3A = arith.extui %eq3A_27 : i1 to i32
    %cond3A = arith.constant 0 : i32
    %cond3A_28 = arith.cmpi ne, %convert_element_type3A, %cond3A : i32
    scf.if %cond3A_28 {
      "tpu.region"() ({
        %run_scoped3A = tpu.sem_alloc : memref<!tpu.dma_semaphore, #tpu.memory_space<semaphore_mem>>
        %dma_start3A_48 = arith.constant 9984 : i32
        %dma_start3A_49 = arith.constant 0 : i32
        %dma_start3A_50 = tpu.memref_slice %arg25[%dma_start3A_48, %dma_start3A_49] : memref<10000x128xf32, #tpu.memory_space<vmem_shared>> -> memref<16x128xf32, #tpu.memory_space<vmem_shared>>
        %dma_start3A_51 = arith.constant 9984 : i32
        %dma_start3A_52 = arith.constant 0 : i32
        %dma_start3A_53 = tpu.memref_slice %arg5[%dma_start3A_51, %dma_start3A_52] : memref<10000x128xf32, #tpu.memory_space<hbm>> -> memref<16x128xf32, #tpu.memory_space<hbm>>
        tpu.enqueue_dma source(%dma_start3A_53 : memref<16x128xf32, #tpu.memory_space<hbm>>) target(%dma_start3A_50 : memref<16x128xf32, #tpu.memory_space<vmem_shared>>) target_semaphore(%run_scoped3A : memref<!tpu.dma_semaphore, #tpu.memory_space<semaphore_mem>>)
        %dma_wait3A_54 = arith.constant 9984 : i32
        %dma_wait3A_55 = arith.constant 0 : i32
        %dma_wait3A_56 = tpu.memref_slice %arg25[%dma_wait3A_54, %dma_wait3A_55] : memref<10000x128xf32, #tpu.memory_space<vmem_shared>> -> memref<16x128xf32, #tpu.memory_space<vmem_shared>>
        %dma_wait3A_57 = arith.constant 9984 : i32
        %dma_wait3A_58 = arith.constant 0 : i32
        %dma_wait3A_59 = tpu.memref_slice %arg5[%dma_wait3A_57, %dma_wait3A_58] : memref<10000x128xf32, #tpu.memory_space<hbm>> -> memref<16x128xf32, #tpu.memory_space<hbm>>
        tpu.wait_dma2 semaphore(%run_scoped3A : memref<!tpu.dma_semaphore, #tpu.memory_space<semaphore_mem>>) src(%dma_wait3A_59 : memref<16x128xf32, #tpu.memory_space<hbm>>) dst(%dma_wait3A_56 : memref<16x128xf32, #tpu.memory_space<vmem_shared>>)
        tpu.yield
      }) : () -> ()
    } else {
    }
    %barrier3A = arith.constant 0 : index
    tpu.barrier barrier_id(%barrier3A)
    %scan3A = arith.constant 0 : i32
    %scan3A_29 = arith.constant 0 : i32
    %scan3A_30 = arith.constant 26 : i32
    %scan3A_31 = arith.addi %scan3A_29, %scan3A_30 : i32
    %scan3A_32 = arith.constant 1 : i32
    scf.for %scan3A_48 = %scan3A_29 to %scan3A_31 step %scan3A_32  : i32 {
      %mul3A_49 = arith.constant 3 : i32
      %mul3A_50 = arith.muli %scan3A_48, %mul3A_49 : i32
      %add3A_51 = arith.constant 0 : i32
      %add3A_52 = arith.addi %mul3A_50, %add3A_51 : i32
      %add3A_53 = arith.constant 2 : i32
      %add3A_54 = arith.addi %add3A_52, %add3A_53 : i32
      %lt3A_55 = arith.constant 78 : i32
      %lt3A_56 = arith.cmpi slt, %add3A_54, %lt3A_55 : i32
      %convert_element_type3A_57 = arith.extui %lt3A_56 : i1 to i32
      %cond3A_58 = arith.constant 0 : i32
      %cond3A_59 = arith.cmpi ne, %convert_element_type3A_57, %cond3A_58 : i32
      scf.if %cond3A_59 {
        %add3A_124 = arith.addi %mul3A_2, %add3A_52 : i32
        %add3A_125 = arith.constant 2 : i32
        %add3A_126 = arith.addi %add3A_124, %add3A_125 : i32
        %mul3A_127 = arith.constant 128 : i32
        %mul3A_128 = arith.muli %add3A_126, %mul3A_127 : i32
        %multiple_of3A_129 = tpu.assume_multiple %mul3A_128, 8 : i32
        %dma_start3A_130 = tpu.memref_slice %arg3[%multiple_of3A_129] : memref<320000xi32, #tpu.memory_space<hbm>> -> memref<128xi32, #tpu.memory_space<hbm>>
        %dma_start3A_131 = tpu.memref_slice %arg3[%multiple_of3A_129] : memref<320000xi32, #tpu.memory_space<hbm>> -> memref<128xi32, #tpu.memory_space<hbm>>
        tpu.enqueue_dma source(%dma_start3A_131 : memref<128xi32, #tpu.memory_space<hbm>>) target(%arg9 : memref<128xi32, #tpu.memory_space<vmem>>) target_semaphore(%arg18 : memref<!tpu.dma_semaphore, #tpu.memory_space<semaphore_mem>>)
        %dma_start3A_132 = tpu.memref_slice %arg4[%multiple_of3A_129] : memref<320000xi32, #tpu.memory_space<hbm>> -> memref<128xi32, #tpu.memory_space<hbm>>
        %dma_start3A_133 = tpu.memref_slice %arg4[%multiple_of3A_129] : memref<320000xi32, #tpu.memory_space<hbm>> -> memref<128xi32, #tpu.memory_space<hbm>>
        tpu.enqueue_dma source(%dma_start3A_133 : memref<128xi32, #tpu.memory_space<hbm>>) target(%arg12 : memref<128xi32, #tpu.memory_space<vmem>>) target_semaphore(%arg21 : memref<!tpu.dma_semaphore, #tpu.memory_space<semaphore_mem>>)
      } else {
      }
      %add3A_60 = arith.constant 1 : i32
      %add3A_61 = arith.addi %add3A_52, %add3A_60 : i32
      %lt3A_62 = arith.constant 78 : i32
      %lt3A_63 = arith.cmpi slt, %add3A_61, %lt3A_62 : i32
      %convert_element_type3A_64 = arith.extui %lt3A_63 : i1 to i32
      %cond3A_65 = arith.constant 0 : i32
      %cond3A_66 = arith.cmpi ne, %convert_element_type3A_64, %cond3A_65 : i32
      scf.if %cond3A_66 {
        %dma_wait3A_124 = arith.constant 0 : i32
        %dma_wait3A_125 = tpu.memref_slice %arg3[%dma_wait3A_124] : memref<320000xi32, #tpu.memory_space<hbm>> -> memref<128xi32, #tpu.memory_space<hbm>>
        %dma_wait3A_126 = arith.constant 0 : i32
        %dma_wait3A_127 = tpu.memref_slice %arg3[%dma_wait3A_126] : memref<320000xi32, #tpu.memory_space<hbm>> -> memref<128xi32, #tpu.memory_space<hbm>>
        tpu.wait_dma2 semaphore(%arg17 : memref<!tpu.dma_semaphore, #tpu.memory_space<semaphore_mem>>) src(%dma_wait3A_127 : memref<128xi32, #tpu.memory_space<hbm>>) dst(%arg8 : memref<128xi32, #tpu.memory_space<vmem>>)
        %dma_start3A_128 = arith.constant 0 : i32
        %dma_start3A_129 = arith.constant 0 : i32
        %dma_start3A_130 = tpu.memref_slice %arg2[%dma_start3A_128, %dma_start3A_129] : memref<10000x128xf32, #tpu.memory_space<hbm>> -> memref<10000x128xf32, #tpu.memory_space<hbm>>
        tpu.enqueue_indirect_dma source(%dma_start3A_130 : memref<10000x128xf32, #tpu.memory_space<hbm>>) target(%arg14 : memref<128x128xf32, #tpu.memory_space<vmem>>) offsets(%arg8 : memref<128xi32, #tpu.memory_space<vmem>>) semaphore(%arg23 : memref<!tpu.dma_semaphore, #tpu.memory_space<semaphore_mem>>)
      } else {
      }
      %dma_wait3A_67 = arith.constant 0 : i32
      %dma_wait3A_68 = arith.constant 0 : i32
      %dma_wait3A_69 = tpu.memref_slice %arg2[%dma_wait3A_67, %dma_wait3A_68] : memref<10000x128xf32, #tpu.memory_space<hbm>> -> memref<10000x128xf32, #tpu.memory_space<hbm>>
      tpu.wait_indirect_dma semaphore(%arg22 : memref<!tpu.dma_semaphore, #tpu.memory_space<semaphore_mem>>) src(%dma_wait3A_69 : memref<10000x128xf32, #tpu.memory_space<hbm>>) dst(%arg13 : memref<128x128xf32, #tpu.memory_space<vmem>>)
      %dma_wait3A_70 = arith.constant 0 : i32
      %dma_wait3A_71 = tpu.memref_slice %arg4[%dma_wait3A_70] : memref<320000xi32, #tpu.memory_space<hbm>> -> memref<128xi32, #tpu.memory_space<hbm>>
      %dma_wait3A_72 = arith.constant 0 : i32
      %dma_wait3A_73 = tpu.memref_slice %arg4[%dma_wait3A_72] : memref<320000xi32, #tpu.memory_space<hbm>> -> memref<128xi32, #tpu.memory_space<hbm>>
      tpu.wait_dma2 semaphore(%arg19 : memref<!tpu.dma_semaphore, #tpu.memory_space<semaphore_mem>>) src(%dma_wait3A_73 : memref<128xi32, #tpu.memory_space<hbm>>) dst(%arg10 : memref<128xi32, #tpu.memory_space<vmem>>)
      "tpu.region"() ({
        %run_scoped3A = tpu.sem_alloc : memref<!tpu.dma_semaphore, #tpu.memory_space<semaphore_mem>>
        %dma_start3A_124 = arith.constant 0 : i32
        %dma_start3A_125 = arith.constant 0 : i32
        %dma_start3A_126 = tpu.memref_slice %arg25[%dma_start3A_124, %dma_start3A_125] : memref<10000x128xf32, #tpu.memory_space<vmem_shared>> -> memref<10000x128xf32, #tpu.memory_space<vmem_shared>>
        tpu.enqueue_indirect_dma source(%arg13 : memref<128x128xf32, #tpu.memory_space<vmem>>) target(%dma_start3A_126 : memref<10000x128xf32, #tpu.memory_space<vmem_shared>>) offsets(%arg10 : memref<128xi32, #tpu.memory_space<vmem>>) semaphore(%run_scoped3A : memref<!tpu.dma_semaphore, #tpu.memory_space<semaphore_mem>>) {add = true}
        %dma_wait3A_127 = arith.constant 0 : i32
        %dma_wait3A_128 = arith.constant 0 : i32
        %dma_wait3A_129 = tpu.memref_slice %arg25[%dma_wait3A_127, %dma_wait3A_128] : memref<10000x128xf32, #tpu.memory_space<vmem_shared>> -> memref<10000x128xf32, #tpu.memory_space<vmem_shared>>
        tpu.wait_indirect_dma semaphore(%run_scoped3A : memref<!tpu.dma_semaphore, #tpu.memory_space<semaphore_mem>>) src(%arg13 : memref<128x128xf32, #tpu.memory_space<vmem>>) dst(%dma_wait3A_129 : memref<10000x128xf32, #tpu.memory_space<vmem_shared>>)
        tpu.yield
      }) : () -> ()
      %mul3A_74 = arith.constant 3 : i32
      %mul3A_75 = arith.muli %scan3A_48, %mul3A_74 : i32
      %add3A_76 = arith.constant 1 : i32
      %add3A_77 = arith.addi %mul3A_75, %add3A_76 : i32
      %add3A_78 = arith.constant 2 : i32
      %add3A_79 = arith.addi %add3A_77, %add3A_78 : i32
      %lt3A_80 = arith.constant 78 : i32
      %lt3A_81 = arith.cmpi slt, %add3A_79, %lt3A_80 : i32
      %convert_element_type3A_82 = arith.extui %lt3A_81 : i1 to i32
      %cond3A_83 = arith.constant 0 : i32
      %cond3A_84 = arith.cmpi ne, %convert_element_type3A_82, %cond3A_83 : i32
      scf.if %cond3A_84 {
        %add3A_124 = arith.addi %mul3A_2, %add3A_77 : i32
        %add3A_125 = arith.constant 2 : i32
        %add3A_126 = arith.addi %add3A_124, %add3A_125 : i32
        %mul3A_127 = arith.constant 128 : i32
        %mul3A_128 = arith.muli %add3A_126, %mul3A_127 : i32
        %multiple_of3A_129 = tpu.assume_multiple %mul3A_128, 8 : i32
        %dma_start3A_130 = tpu.memref_slice %arg3[%multiple_of3A_129] : memref<320000xi32, #tpu.memory_space<hbm>> -> memref<128xi32, #tpu.memory_space<hbm>>
        %dma_start3A_131 = tpu.memref_slice %arg3[%multiple_of3A_129] : memref<320000xi32, #tpu.memory_space<hbm>> -> memref<128xi32, #tpu.memory_space<hbm>>
        tpu.enqueue_dma source(%dma_start3A_131 : memref<128xi32, #tpu.memory_space<hbm>>) target(%arg7 : memref<128xi32, #tpu.memory_space<vmem>>) target_semaphore(%arg16 : memref<!tpu.dma_semaphore, #tpu.memory_space<semaphore_mem>>)
        %dma_start3A_132 = tpu.memref_slice %arg4[%multiple_of3A_129] : memref<320000xi32, #tpu.memory_space<hbm>> -> memref<128xi32, #tpu.memory_space<hbm>>
        %dma_start3A_133 = tpu.memref_slice %arg4[%multiple_of3A_129] : memref<320000xi32, #tpu.memory_space<hbm>> -> memref<128xi32, #tpu.memory_space<hbm>>
        tpu.enqueue_dma source(%dma_start3A_133 : memref<128xi32, #tpu.memory_space<hbm>>) target(%arg10 : memref<128xi32, #tpu.memory_space<vmem>>) target_semaphore(%arg19 : memref<!tpu.dma_semaphore, #tpu.memory_space<semaphore_mem>>)
      } else {
      }
      %add3A_85 = arith.constant 1 : i32
      %add3A_86 = arith.addi %add3A_77, %add3A_85 : i32
      %lt3A_87 = arith.constant 78 : i32
      %lt3A_88 = arith.cmpi slt, %add3A_86, %lt3A_87 : i32
      %convert_element_type3A_89 = arith.extui %lt3A_88 : i1 to i32
      %cond3A_90 = arith.constant 0 : i32
      %cond3A_91 = arith.cmpi ne, %convert_element_type3A_89, %cond3A_90 : i32
      scf.if %cond3A_91 {
        %dma_wait3A_124 = arith.constant 0 : i32
        %dma_wait3A_125 = tpu.memref_slice %arg3[%dma_wait3A_124] : memref<320000xi32, #tpu.memory_space<hbm>> -> memref<128xi32, #tpu.memory_space<hbm>>
        %dma_wait3A_126 = arith.constant 0 : i32
        %dma_wait3A_127 = tpu.memref_slice %arg3[%dma_wait3A_126] : memref<320000xi32, #tpu.memory_space<hbm>> -> memref<128xi32, #tpu.memory_space<hbm>>
        tpu.wait_dma2 semaphore(%arg18 : memref<!tpu.dma_semaphore, #tpu.memory_space<semaphore_mem>>) src(%dma_wait3A_127 : memref<128xi32, #tpu.memory_space<hbm>>) dst(%arg9 : memref<128xi32, #tpu.memory_space<vmem>>)
        %dma_start3A_128 = arith.constant 0 : i32
        %dma_start3A_129 = arith.constant 0 : i32
        %dma_start3A_130 = tpu.memref_slice %arg2[%dma_start3A_128, %dma_start3A_129] : memref<10000x128xf32, #tpu.memory_space<hbm>> -> memref<10000x128xf32, #tpu.memory_space<hbm>>
        tpu.enqueue_indirect_dma source(%dma_start3A_130 : memref<10000x128xf32, #tpu.memory_space<hbm>>) target(%arg15 : memref<128x128xf32, #tpu.memory_space<vmem>>) offsets(%arg9 : memref<128xi32, #tpu.memory_space<vmem>>) semaphore(%arg24 : memref<!tpu.dma_semaphore, #tpu.memory_space<semaphore_mem>>)
      } else {
      }
      %dma_wait3A_92 = arith.constant 0 : i32
      %dma_wait3A_93 = arith.constant 0 : i32
      %dma_wait3A_94 = tpu.memref_slice %arg2[%dma_wait3A_92, %dma_wait3A_93] : memref<10000x128xf32, #tpu.memory_space<hbm>> -> memref<10000x128xf32, #tpu.memory_space<hbm>>
      tpu.wait_indirect_dma semaphore(%arg23 : memref<!tpu.dma_semaphore, #tpu.memory_space<semaphore_mem>>) src(%dma_wait3A_94 : memref<10000x128xf32, #tpu.memory_space<hbm>>) dst(%arg14 : memref<128x128xf32, #tpu.memory_space<vmem>>)
      %dma_wait3A_95 = arith.constant 0 : i32
      %dma_wait3A_96 = tpu.memref_slice %arg4[%dma_wait3A_95] : memref<320000xi32, #tpu.memory_space<hbm>> -> memref<128xi32, #tpu.memory_space<hbm>>
      %dma_wait3A_97 = arith.constant 0 : i32
      %dma_wait3A_98 = tpu.memref_slice %arg4[%dma_wait3A_97] : memref<320000xi32, #tpu.memory_space<hbm>> -> memref<128xi32, #tpu.memory_space<hbm>>
      tpu.wait_dma2 semaphore(%arg20 : memref<!tpu.dma_semaphore, #tpu.memory_space<semaphore_mem>>) src(%dma_wait3A_98 : memref<128xi32, #tpu.memory_space<hbm>>) dst(%arg11 : memref<128xi32, #tpu.memory_space<vmem>>)
      "tpu.region"() ({
        %run_scoped3A = tpu.sem_alloc : memref<!tpu.dma_semaphore, #tpu.memory_space<semaphore_mem>>
        %dma_start3A_124 = arith.constant 0 : i32
        %dma_start3A_125 = arith.constant 0 : i32
        %dma_start3A_126 = tpu.memref_slice %arg25[%dma_start3A_124, %dma_start3A_125] : memref<10000x128xf32, #tpu.memory_space<vmem_shared>> -> memref<10000x128xf32, #tpu.memory_space<vmem_shared>>
        tpu.enqueue_indirect_dma source(%arg14 : memref<128x128xf32, #tpu.memory_space<vmem>>) target(%dma_start3A_126 : memref<10000x128xf32, #tpu.memory_space<vmem_shared>>) offsets(%arg11 : memref<128xi32, #tpu.memory_space<vmem>>) semaphore(%run_scoped3A : memref<!tpu.dma_semaphore, #tpu.memory_space<semaphore_mem>>) {add = true}
        %dma_wait3A_127 = arith.constant 0 : i32
        %dma_wait3A_128 = arith.constant 0 : i32
        %dma_wait3A_129 = tpu.memref_slice %arg25[%dma_wait3A_127, %dma_wait3A_128] : memref<10000x128xf32, #tpu.memory_space<vmem_shared>> -> memref<10000x128xf32, #tpu.memory_space<vmem_shared>>
        tpu.wait_indirect_dma semaphore(%run_scoped3A : memref<!tpu.dma_semaphore, #tpu.memory_space<semaphore_mem>>) src(%arg14 : memref<128x128xf32, #tpu.memory_space<vmem>>) dst(%dma_wait3A_129 : memref<10000x128xf32, #tpu.memory_space<vmem_shared>>)
        tpu.yield
      }) : () -> ()
      %mul3A_99 = arith.constant 3 : i32
      %mul3A_100 = arith.muli %scan3A_48, %mul3A_99 : i32
      %add3A_101 = arith.constant 2 : i32
      %add3A_102 = arith.addi %mul3A_100, %add3A_101 : i32
      %add3A_103 = arith.constant 2 : i32
      %add3A_104 = arith.addi %add3A_102, %add3A_103 : i32
      %lt3A_105 = arith.constant 78 : i32
      %lt3A_106 = arith.cmpi slt, %add3A_104, %lt3A_105 : i32
      %convert_element_type3A_107 = arith.extui %lt3A_106 : i1 to i32
      %cond3A_108 = arith.constant 0 : i32
      %cond3A_109 = arith.cmpi ne, %convert_element_type3A_107, %cond3A_108 : i32
      scf.if %cond3A_109 {
        %add3A_124 = arith.addi %mul3A_2, %add3A_102 : i32
        %add3A_125 = arith.constant 2 : i32
        %add3A_126 = arith.addi %add3A_124, %add3A_125 : i32
        %mul3A_127 = arith.constant 128 : i32
        %mul3A_128 = arith.muli %add3A_126, %mul3A_127 : i32
        %multiple_of3A_129 = tpu.assume_multiple %mul3A_128, 8 : i32
        %dma_start3A_130 = tpu.memref_slice %arg3[%multiple_of3A_129] : memref<320000xi32, #tpu.memory_space<hbm>> -> memref<128xi32, #tpu.memory_space<hbm>>
        %dma_start3A_131 = tpu.memref_slice %arg3[%multiple_of3A_129] : memref<320000xi32, #tpu.memory_space<hbm>> -> memref<128xi32, #tpu.memory_space<hbm>>
        tpu.enqueue_dma source(%dma_start3A_131 : memref<128xi32, #tpu.memory_space<hbm>>) target(%arg8 : memref<128xi32, #tpu.memory_space<vmem>>) target_semaphore(%arg17 : memref<!tpu.dma_semaphore, #tpu.memory_space<semaphore_mem>>)
        %dma_start3A_132 = tpu.memref_slice %arg4[%multiple_of3A_129] : memref<320000xi32, #tpu.memory_space<hbm>> -> memref<128xi32, #tpu.memory_space<hbm>>
        %dma_start3A_133 = tpu.memref_slice %arg4[%multiple_of3A_129] : memref<320000xi32, #tpu.memory_space<hbm>> -> memref<128xi32, #tpu.memory_space<hbm>>
        tpu.enqueue_dma source(%dma_start3A_133 : memref<128xi32, #tpu.memory_space<hbm>>) target(%arg11 : memref<128xi32, #tpu.memory_space<vmem>>) target_semaphore(%arg20 : memref<!tpu.dma_semaphore, #tpu.memory_space<semaphore_mem>>)
      } else {
      }
      %add3A_110 = arith.constant 1 : i32
      %add3A_111 = arith.addi %add3A_102, %add3A_110 : i32
      %lt3A_112 = arith.constant 78 : i32
      %lt3A_113 = arith.cmpi slt, %add3A_111, %lt3A_112 : i32
      %convert_element_type3A_114 = arith.extui %lt3A_113 : i1 to i32
      %cond3A_115 = arith.constant 0 : i32
      %cond3A_116 = arith.cmpi ne, %convert_element_type3A_114, %cond3A_115 : i32
      scf.if %cond3A_116 {
        %dma_wait3A_124 = arith.constant 0 : i32
        %dma_wait3A_125 = tpu.memref_slice %arg3[%dma_wait3A_124] : memref<320000xi32, #tpu.memory_space<hbm>> -> memref<128xi32, #tpu.memory_space<hbm>>
        %dma_wait3A_126 = arith.constant 0 : i32
        %dma_wait3A_127 = tpu.memref_slice %arg3[%dma_wait3A_126] : memref<320000xi32, #tpu.memory_space<hbm>> -> memref<128xi32, #tpu.memory_space<hbm>>
        tpu.wait_dma2 semaphore(%arg16 : memref<!tpu.dma_semaphore, #tpu.memory_space<semaphore_mem>>) src(%dma_wait3A_127 : memref<128xi32, #tpu.memory_space<hbm>>) dst(%arg7 : memref<128xi32, #tpu.memory_space<vmem>>)
        %dma_start3A_128 = arith.constant 0 : i32
        %dma_start3A_129 = arith.constant 0 : i32
        %dma_start3A_130 = tpu.memref_slice %arg2[%dma_start3A_128, %dma_start3A_129] : memref<10000x128xf32, #tpu.memory_space<hbm>> -> memref<10000x128xf32, #tpu.memory_space<hbm>>
        tpu.enqueue_indirect_dma source(%dma_start3A_130 : memref<10000x128xf32, #tpu.memory_space<hbm>>) target(%arg13 : memref<128x128xf32, #tpu.memory_space<vmem>>) offsets(%arg7 : memref<128xi32, #tpu.memory_space<vmem>>) semaphore(%arg22 : memref<!tpu.dma_semaphore, #tpu.memory_space<semaphore_mem>>)
      } else {
      }
      %dma_wait3A_117 = arith.constant 0 : i32
      %dma_wait3A_118 = arith.constant 0 : i32
      %dma_wait3A_119 = tpu.memref_slice %arg2[%dma_wait3A_117, %dma_wait3A_118] : memref<10000x128xf32, #tpu.memory_space<hbm>> -> memref<10000x128xf32, #tpu.memory_space<hbm>>
      tpu.wait_indirect_dma semaphore(%arg24 : memref<!tpu.dma_semaphore, #tpu.memory_space<semaphore_mem>>) src(%dma_wait3A_119 : memref<10000x128xf32, #tpu.memory_space<hbm>>) dst(%arg15 : memref<128x128xf32, #tpu.memory_space<vmem>>)
      %dma_wait3A_120 = arith.constant 0 : i32
      %dma_wait3A_121 = tpu.memref_slice %arg4[%dma_wait3A_120] : memref<320000xi32, #tpu.memory_space<hbm>> -> memref<128xi32, #tpu.memory_space<hbm>>
      %dma_wait3A_122 = arith.constant 0 : i32
      %dma_wait3A_123 = tpu.memref_slice %arg4[%dma_wait3A_122] : memref<320000xi32, #tpu.memory_space<hbm>> -> memref<128xi32, #tpu.memory_space<hbm>>
      tpu.wait_dma2 semaphore(%arg21 : memref<!tpu.dma_semaphore, #tpu.memory_space<semaphore_mem>>) src(%dma_wait3A_123 : memref<128xi32, #tpu.memory_space<hbm>>) dst(%arg12 : memref<128xi32, #tpu.memory_space<vmem>>)
      "tpu.region"() ({
        %run_scoped3A = tpu.sem_alloc : memref<!tpu.dma_semaphore, #tpu.memory_space<semaphore_mem>>
        %dma_start3A_124 = arith.constant 0 : i32
        %dma_start3A_125 = arith.constant 0 : i32
        %dma_start3A_126 = tpu.memref_slice %arg25[%dma_start3A_124, %dma_start3A_125] : memref<10000x128xf32, #tpu.memory_space<vmem_shared>> -> memref<10000x128xf32, #tpu.memory_space<vmem_shared>>
        tpu.enqueue_indirect_dma source(%arg15 : memref<128x128xf32, #tpu.memory_space<vmem>>) target(%dma_start3A_126 : memref<10000x128xf32, #tpu.memory_space<vmem_shared>>) offsets(%arg12 : memref<128xi32, #tpu.memory_space<vmem>>) semaphore(%run_scoped3A : memref<!tpu.dma_semaphore, #tpu.memory_space<semaphore_mem>>) {add = true}
        %dma_wait3A_127 = arith.constant 0 : i32
        %dma_wait3A_128 = arith.constant 0 : i32
        %dma_wait3A_129 = tpu.memref_slice %arg25[%dma_wait3A_127, %dma_wait3A_128] : memref<10000x128xf32, #tpu.memory_space<vmem_shared>> -> memref<10000x128xf32, #tpu.memory_space<vmem_shared>>
        tpu.wait_indirect_dma semaphore(%run_scoped3A : memref<!tpu.dma_semaphore, #tpu.memory_space<semaphore_mem>>) src(%arg15 : memref<128x128xf32, #tpu.memory_space<vmem>>) dst(%dma_wait3A_129 : memref<10000x128xf32, #tpu.memory_space<vmem_shared>>)
        tpu.yield
      }) : () -> ()
    }
    %scan3A_33 = arith.constant 26 : i32
    %lt3A = arith.constant 4 : i32
    %lt3A_34 = arith.cmpi slt, %add3A, %lt3A : i32
    %convert_element_type3A_35 = arith.extui %lt3A_34 : i1 to i32
    %cond3A_36 = arith.constant 0 : i32
    %cond3A_37 = arith.cmpi ne, %convert_element_type3A_35, %cond3A_36 : i32
    scf.if %cond3A_37 {
      %add3A_48 = arith.constant 2496 : i32
      %add3A_49 = arith.addi %add3A_48, %add3A : i32
      %mul3A_50 = arith.constant 128 : i32
      %mul3A_51 = arith.muli %add3A_49, %mul3A_50 : i32
      %multiple_of3A_52 = tpu.assume_multiple %mul3A_51, 8 : i32
      %dma_start3A_53 = tpu.memref_slice %arg3[%multiple_of3A_52] : memref<320000xi32, #tpu.memory_space<hbm>> -> memref<128xi32, #tpu.memory_space<hbm>>
      %dma_start3A_54 = tpu.memref_slice %arg3[%multiple_of3A_52] : memref<320000xi32, #tpu.memory_space<hbm>> -> memref<128xi32, #tpu.memory_space<hbm>>
      tpu.enqueue_dma source(%dma_start3A_54 : memref<128xi32, #tpu.memory_space<hbm>>) target(%arg7 : memref<128xi32, #tpu.memory_space<vmem>>) target_semaphore(%arg16 : memref<!tpu.dma_semaphore, #tpu.memory_space<semaphore_mem>>)
      %dma_start3A_55 = tpu.memref_slice %arg4[%multiple_of3A_52] : memref<320000xi32, #tpu.memory_space<hbm>> -> memref<128xi32, #tpu.memory_space<hbm>>
      %dma_start3A_56 = tpu.memref_slice %arg4[%multiple_of3A_52] : memref<320000xi32, #tpu.memory_space<hbm>> -> memref<128xi32, #tpu.memory_space<hbm>>
      tpu.enqueue_dma source(%dma_start3A_56 : memref<128xi32, #tpu.memory_space<hbm>>) target(%arg10 : memref<128xi32, #tpu.memory_space<vmem>>) target_semaphore(%arg19 : memref<!tpu.dma_semaphore, #tpu.memory_space<semaphore_mem>>)
      %dma_wait3A_57 = arith.constant 0 : i32
      %dma_wait3A_58 = tpu.memref_slice %arg3[%dma_wait3A_57] : memref<320000xi32, #tpu.memory_space<hbm>> -> memref<128xi32, #tpu.memory_space<hbm>>
      %dma_wait3A_59 = arith.constant 0 : i32
      %dma_wait3A_60 = tpu.memref_slice %arg3[%dma_wait3A_59] : memref<320000xi32, #tpu.memory_space<hbm>> -> memref<128xi32, #tpu.memory_space<hbm>>
      tpu.wait_dma2 semaphore(%arg16 : memref<!tpu.dma_semaphore, #tpu.memory_space<semaphore_mem>>) src(%dma_wait3A_60 : memref<128xi32, #tpu.memory_space<hbm>>) dst(%arg7 : memref<128xi32, #tpu.memory_space<vmem>>)
      %dma_start3A_61 = arith.constant 0 : i32
      %dma_start3A_62 = arith.constant 0 : i32
      %dma_start3A_63 = tpu.memref_slice %arg2[%dma_start3A_61, %dma_start3A_62] : memref<10000x128xf32, #tpu.memory_space<hbm>> -> memref<10000x128xf32, #tpu.memory_space<hbm>>
      tpu.enqueue_indirect_dma source(%dma_start3A_63 : memref<10000x128xf32, #tpu.memory_space<hbm>>) target(%arg13 : memref<128x128xf32, #tpu.memory_space<vmem>>) offsets(%arg7 : memref<128xi32, #tpu.memory_space<vmem>>) semaphore(%arg22 : memref<!tpu.dma_semaphore, #tpu.memory_space<semaphore_mem>>)
      %dma_wait3A_64 = arith.constant 0 : i32
      %dma_wait3A_65 = arith.constant 0 : i32
      %dma_wait3A_66 = tpu.memref_slice %arg2[%dma_wait3A_64, %dma_wait3A_65] : memref<10000x128xf32, #tpu.memory_space<hbm>> -> memref<10000x128xf32, #tpu.memory_space<hbm>>
      tpu.wait_indirect_dma semaphore(%arg22 : memref<!tpu.dma_semaphore, #tpu.memory_space<semaphore_mem>>) src(%dma_wait3A_66 : memref<10000x128xf32, #tpu.memory_space<hbm>>) dst(%arg13 : memref<128x128xf32, #tpu.memory_space<vmem>>)
      %dma_wait3A_67 = arith.constant 0 : i32
      %dma_wait3A_68 = tpu.memref_slice %arg4[%dma_wait3A_67] : memref<320000xi32, #tpu.memory_space<hbm>> -> memref<128xi32, #tpu.memory_space<hbm>>
      %dma_wait3A_69 = arith.constant 0 : i32
      %dma_wait3A_70 = tpu.memref_slice %arg4[%dma_wait3A_69] : memref<320000xi32, #tpu.memory_space<hbm>> -> memref<128xi32, #tpu.memory_space<hbm>>
      tpu.wait_dma2 semaphore(%arg19 : memref<!tpu.dma_semaphore, #tpu.memory_space<semaphore_mem>>) src(%dma_wait3A_70 : memref<128xi32, #tpu.memory_space<hbm>>) dst(%arg10 : memref<128xi32, #tpu.memory_space<vmem>>)
      "tpu.region"() ({
        %run_scoped3A = tpu.sem_alloc : memref<!tpu.dma_semaphore, #tpu.memory_space<semaphore_mem>>
        %dma_start3A_71 = arith.constant 0 : i32
        %dma_start3A_72 = arith.constant 0 : i32
        %dma_start3A_73 = tpu.memref_slice %arg25[%dma_start3A_71, %dma_start3A_72] : memref<10000x128xf32, #tpu.memory_space<vmem_shared>> -> memref<10000x128xf32, #tpu.memory_space<vmem_shared>>
        tpu.enqueue_indirect_dma source(%arg13 : memref<128x128xf32, #tpu.memory_space<vmem>>) target(%dma_start3A_73 : memref<10000x128xf32, #tpu.memory_space<vmem_shared>>) offsets(%arg10 : memref<128xi32, #tpu.memory_space<vmem>>) semaphore(%run_scoped3A : memref<!tpu.dma_semaphore, #tpu.memory_space<semaphore_mem>>) {add = true}
        %dma_wait3A_74 = arith.constant 0 : i32
        %dma_wait3A_75 = arith.constant 0 : i32
        %dma_wait3A_76 = tpu.memref_slice %arg25[%dma_wait3A_74, %dma_wait3A_75] : memref<10000x128xf32, #tpu.memory_space<vmem_shared>> -> memref<10000x128xf32, #tpu.memory_space<vmem_shared>>
        tpu.wait_indirect_dma semaphore(%run_scoped3A : memref<!tpu.dma_semaphore, #tpu.memory_space<semaphore_mem>>) src(%arg13 : memref<128x128xf32, #tpu.memory_space<vmem>>) dst(%dma_wait3A_76 : memref<10000x128xf32, #tpu.memory_space<vmem_shared>>)
        tpu.yield
      }) : () -> ()
    } else {
    }
    %barrier3A_38 = arith.constant 0 : index
    tpu.barrier barrier_id(%barrier3A_38)
    %mul3A_39 = arith.constant 624 : i32
    %mul3A_40 = arith.muli %arg1, %mul3A_39 : i32
    %mul3A_41 = arith.constant 624 : i32
    %mul3A_42 = arith.muli %arg1, %mul3A_41 : i32
    "tpu.region"() ({
      %run_scoped3A = tpu.sem_alloc : memref<!tpu.dma_semaphore, #tpu.memory_space<semaphore_mem>>
      %dma_start3A_48 = arith.constant 0 : i32
      %dma_start3A_49 = arith.constant 0 : i32
      %dma_start3A_50 = tpu.memref_slice %arg6[%arg0, %dma_start3A_48, %dma_start3A_49] : memref<2x10000x128xf32, #tpu.memory_space<hbm>> -> memref<1x10000x128xf32, #tpu.memory_space<hbm>>
      %dma_start3A_51 = tpu.memref_squeeze %dma_start3A_50 : memref<1x10000x128xf32, #tpu.memory_space<hbm>> -> memref<10000x128xf32, #tpu.memory_space<hbm>>
      %dma_start3A_52 = arith.constant 0 : i32
      %dma_start3A_53 = tpu.memref_slice %dma_start3A_51[%mul3A_42, %dma_start3A_52] : memref<10000x128xf32, #tpu.memory_space<hbm>> -> memref<624x128xf32, #tpu.memory_space<hbm>>
      %dma_start3A_54 = arith.constant 0 : i32
      %dma_start3A_55 = tpu.memref_slice %arg25[%mul3A_40, %dma_start3A_54] : memref<10000x128xf32, #tpu.memory_space<vmem_shared>> -> memref<624x128xf32, #tpu.memory_space<vmem_shared>>
      tpu.enqueue_dma source(%dma_start3A_55 : memref<624x128xf32, #tpu.memory_space<vmem_shared>>) target(%dma_start3A_53 : memref<624x128xf32, #tpu.memory_space<hbm>>) target_semaphore(%run_scoped3A : memref<!tpu.dma_semaphore, #tpu.memory_space<semaphore_mem>>)
      %dma_wait3A_56 = arith.constant 0 : i32
      %dma_wait3A_57 = arith.constant 0 : i32
      %dma_wait3A_58 = tpu.memref_slice %arg6[%arg0, %dma_wait3A_56, %dma_wait3A_57] : memref<2x10000x128xf32, #tpu.memory_space<hbm>> -> memref<1x10000x128xf32, #tpu.memory_space<hbm>>
      %dma_wait3A_59 = tpu.memref_squeeze %dma_wait3A_58 : memref<1x10000x128xf32, #tpu.memory_space<hbm>> -> memref<10000x128xf32, #tpu.memory_space<hbm>>
      %dma_wait3A_60 = arith.constant 0 : i32
      %dma_wait3A_61 = tpu.memref_slice %dma_wait3A_59[%mul3A_42, %dma_wait3A_60] : memref<10000x128xf32, #tpu.memory_space<hbm>> -> memref<624x128xf32, #tpu.memory_space<hbm>>
      %dma_wait3A_62 = arith.constant 0 : i32
      %dma_wait3A_63 = tpu.memref_slice %arg25[%mul3A_40, %dma_wait3A_62] : memref<10000x128xf32, #tpu.memory_space<vmem_shared>> -> memref<624x128xf32, #tpu.memory_space<vmem_shared>>
      tpu.wait_dma2 semaphore(%run_scoped3A : memref<!tpu.dma_semaphore, #tpu.memory_space<semaphore_mem>>) src(%dma_wait3A_63 : memref<624x128xf32, #tpu.memory_space<vmem_shared>>) dst(%dma_wait3A_61 : memref<624x128xf32, #tpu.memory_space<hbm>>)
      tpu.yield
    }) : () -> ()
    %eq3A_43 = arith.constant 0 : i32
    %eq3A_44 = arith.cmpi eq, %arg1, %eq3A_43 : i32
    %convert_element_type3A_45 = arith.extui %eq3A_44 : i1 to i32
    %cond3A_46 = arith.constant 0 : i32
    %cond3A_47 = arith.cmpi ne, %convert_element_type3A_45, %cond3A_46 : i32
    scf.if %cond3A_47 {
      "tpu.region"() ({
        %run_scoped3A = tpu.sem_alloc : memref<!tpu.dma_semaphore, #tpu.memory_space<semaphore_mem>>
        %dma_start3A_48 = arith.constant 0 : i32
        %dma_start3A_49 = arith.constant 0 : i32
        %dma_start3A_50 = tpu.memref_slice %arg6[%arg0, %dma_start3A_48, %dma_start3A_49] : memref<2x10000x128xf32, #tpu.memory_space<hbm>> -> memref<1x10000x128xf32, #tpu.memory_space<hbm>>
        %dma_start3A_51 = tpu.memref_squeeze %dma_start3A_50 : memref<1x10000x128xf32, #tpu.memory_space<hbm>> -> memref<10000x128xf32, #tpu.memory_space<hbm>>
        %dma_start3A_52 = arith.constant 9984 : i32
        %dma_start3A_53 = arith.constant 0 : i32
        %dma_start3A_54 = tpu.memref_slice %dma_start3A_51[%dma_start3A_52, %dma_start3A_53] : memref<10000x128xf32, #tpu.memory_space<hbm>> -> memref<16x128xf32, #tpu.memory_space<hbm>>
        %dma_start3A_55 = arith.constant 9984 : i32
        %dma_start3A_56 = arith.constant 0 : i32
        %dma_start3A_57 = tpu.memref_slice %arg25[%dma_start3A_55, %dma_start3A_56] : memref<10000x128xf32, #tpu.memory_space<vmem_shared>> -> memref<16x128xf32, #tpu.memory_space<vmem_shared>>
        tpu.enqueue_dma source(%dma_start3A_57 : memref<16x128xf32, #tpu.memory_space<vmem_shared>>) target(%dma_start3A_54 : memref<16x128xf32, #tpu.memory_space<hbm>>) target_semaphore(%run_scoped3A : memref<!tpu.dma_semaphore, #tpu.memory_space<semaphore_mem>>)
        %dma_wait3A_58 = arith.constant 0 : i32
        %dma_wait3A_59 = arith.constant 0 : i32
        %dma_wait3A_60 = tpu.memref_slice %arg6[%arg0, %dma_wait3A_58, %dma_wait3A_59] : memref<2x10000x128xf32, #tpu.memory_space<hbm>> -> memref<1x10000x128xf32, #tpu.memory_space<hbm>>
        %dma_wait3A_61 = tpu.memref_squeeze %dma_wait3A_60 : memref<1x10000x128xf32, #tpu.memory_space<hbm>> -> memref<10000x128xf32, #tpu.memory_space<hbm>>
        %dma_wait3A_62 = arith.constant 9984 : i32
        %dma_wait3A_63 = arith.constant 0 : i32
        %dma_wait3A_64 = tpu.memref_slice %dma_wait3A_61[%dma_wait3A_62, %dma_wait3A_63] : memref<10000x128xf32, #tpu.memory_space<hbm>> -> memref<16x128xf32, #tpu.memory_space<hbm>>
        %dma_wait3A_65 = arith.constant 9984 : i32
        %dma_wait3A_66 = arith.constant 0 : i32
        %dma_wait3A_67 = tpu.memref_slice %arg25[%dma_wait3A_65, %dma_wait3A_66] : memref<10000x128xf32, #tpu.memory_space<vmem_shared>> -> memref<16x128xf32, #tpu.memory_space<vmem_shared>>
        tpu.wait_dma2 semaphore(%run_scoped3A : memref<!tpu.dma_semaphore, #tpu.memory_space<semaphore_mem>>) src(%dma_wait3A_67 : memref<16x128xf32, #tpu.memory_space<vmem_shared>>) dst(%dma_wait3A_64 : memref<16x128xf32, #tpu.memory_space<hbm>>)
        tpu.yield
      }) : () -> ()
    } else {
    }
    return
  }
}

#map = affine_map<(d0, d1) -> (0, 0)>
#map1 = affine_map<(d0, d1) -> (0)>
#map2 = affine_map<(d0, d1) -> (0, 0, 0)>
module attributes {stable_mosaic.version = 14 : i64} {
  func.func @body(%arg0: i32, %arg1: i32, %arg2: memref<10000x128xf32, #tpu.memory_space<hbm>>, %arg3: memref<320000xi32, #tpu.memory_space<hbm>>, %arg4: memref<320000xi32, #tpu.memory_space<hbm>>, %arg5: memref<10000x128xf32, #tpu.memory_space<hbm>>, %arg6: memref<2x10000x128xf32, #tpu.memory_space<hbm>>, %arg7: memref<128xi32, #tpu.memory_space<vmem>>, %arg8: memref<128xi32, #tpu.memory_space<vmem>>, %arg9: memref<128xi32, #tpu.memory_space<vmem>>, %arg10: memref<128xi32, #tpu.memory_space<vmem>>, %arg11: memref<128xi32, #tpu.memory_space<vmem>>, %arg12: memref<128xi32, #tpu.memory_space<vmem>>, %arg13: memref<128x128xf32, #tpu.memory_space<vmem>>, %arg14: memref<128x128xf32, #tpu.memory_space<vmem>>, %arg15: memref<128x128xf32, #tpu.memory_space<vmem>>, %arg16: memref<!tpu.dma_semaphore, #tpu.memory_space<semaphore_mem>>, %arg17: memref<!tpu.dma_semaphore, #tpu.memory_space<semaphore_mem>>, %arg18: memref<!tpu.dma_semaphore, #tpu.memory_space<semaphore_mem>>, %arg19: memref<!tpu.dma_semaphore, #tpu.memory_space<semaphore_mem>>, %arg20: memref<!tpu.dma_semaphore, #tpu.memory_space<semaphore_mem>>, %arg21: memref<!tpu.dma_semaphore, #tpu.memory_space<semaphore_mem>>, %arg22: memref<!tpu.dma_semaphore, #tpu.memory_space<semaphore_mem>>, %arg23: memref<!tpu.dma_semaphore, #tpu.memory_space<semaphore_mem>>, %arg24: memref<!tpu.dma_semaphore, #tpu.memory_space<semaphore_mem>>, %arg25: memref<10000x128xf32, #tpu.memory_space<vmem_shared>>) attributes {dimension_semantics = [#tpu.dimension_semantics<core_parallel>, #tpu.dimension_semantics<subcore_parallel>], iteration_bounds = array<i64: 2, 16>, scalar_prefetch = 0 : i64, scratch_operands = 19 : i64, tpu.core_type = #tpu.core_type<sc_vector_subcore>, window_params = [{transform_indices = #map}, {transform_indices = #map1}, {transform_indices = #map1}, {transform_indices = #map}, {transform_indices = #map2}]} {
    %mul3A = arith.constant 16 : i32
    %mul3A_0 = arith.muli %arg0, %mul3A : i32
    %add3A = arith.addi %mul3A_0, %arg1 : i32
    %mul3A_1 = arith.constant 78 : i32
    %mul3A_2 = arith.muli %add3A, %mul3A_1 : i32
    %mul3A_3 = arith.constant 128 : i32
    %mul3A_4 = arith.muli %mul3A_2, %mul3A_3 : i32
    %multiple_of3A = tpu.assume_multiple %mul3A_4, 8 : i32
    %dma_start3A = tpu.memref_slice %arg3[%multiple_of3A] : memref<320000xi32, #tpu.memory_space<hbm>> -> memref<128xi32, #tpu.memory_space<hbm>>
    %dma_start3A_5 = tpu.memref_slice %arg3[%multiple_of3A] : memref<320000xi32, #tpu.memory_space<hbm>> -> memref<128xi32, #tpu.memory_space<hbm>>
    tpu.enqueue_dma source(%dma_start3A_5 : memref<128xi32, #tpu.memory_space<hbm>>) target(%arg7 : memref<128xi32, #tpu.memory_space<vmem>>) target_semaphore(%arg16 : memref<!tpu.dma_semaphore, #tpu.memory_space<semaphore_mem>>)
    %dma_start3A_6 = tpu.memref_slice %arg4[%multiple_of3A] : memref<320000xi32, #tpu.memory_space<hbm>> -> memref<128xi32, #tpu.memory_space<hbm>>
    %dma_start3A_7 = tpu.memref_slice %arg4[%multiple_of3A] : memref<320000xi32, #tpu.memory_space<hbm>> -> memref<128xi32, #tpu.memory_space<hbm>>
    tpu.enqueue_dma source(%dma_start3A_7 : memref<128xi32, #tpu.memory_space<hbm>>) target(%arg10 : memref<128xi32, #tpu.memory_space<vmem>>) target_semaphore(%arg19 : memref<!tpu.dma_semaphore, #tpu.memory_space<semaphore_mem>>)
    %add3A_8 = arith.constant 1 : i32
    %add3A_9 = arith.addi %mul3A_2, %add3A_8 : i32
    %mul3A_10 = arith.constant 128 : i32
    %mul3A_11 = arith.muli %add3A_9, %mul3A_10 : i32
    %multiple_of3A_12 = tpu.assume_multiple %mul3A_11, 8 : i32
    %dma_start3A_13 = tpu.memref_slice %arg3[%multiple_of3A_12] : memref<320000xi32, #tpu.memory_space<hbm>> -> memref<128xi32, #tpu.memory_space<hbm>>
    %dma_start3A_14 = tpu.memref_slice %arg3[%multiple_of3A_12] : memref<320000xi32, #tpu.memory_space<hbm>> -> memref<128xi32, #tpu.memory_space<hbm>>
    tpu.enqueue_dma source(%dma_start3A_14 : memref<128xi32, #tpu.memory_space<hbm>>) target(%arg8 : memref<128xi32, #tpu.memory_space<vmem>>) target_semaphore(%arg17 : memref<!tpu.dma_semaphore, #tpu.memory_space<semaphore_mem>>)
    %dma_start3A_15 = tpu.memref_slice %arg4[%multiple_of3A_12] : memref<320000xi32, #tpu.memory_space<hbm>> -> memref<128xi32, #tpu.memory_space<hbm>>
    %dma_start3A_16 = tpu.memref_slice %arg4[%multiple_of3A_12] : memref<320000xi32, #tpu.memory_space<hbm>> -> memref<128xi32, #tpu.memory_space<hbm>>
    tpu.enqueue_dma source(%dma_start3A_16 : memref<128xi32, #tpu.memory_space<hbm>>) target(%arg11 : memref<128xi32, #tpu.memory_space<vmem>>) target_semaphore(%arg20 : memref<!tpu.dma_semaphore, #tpu.memory_space<semaphore_mem>>)
    %dma_wait3A = arith.constant 0 : i32
    %dma_wait3A_17 = tpu.memref_slice %arg3[%dma_wait3A] : memref<320000xi32, #tpu.memory_space<hbm>> -> memref<128xi32, #tpu.memory_space<hbm>>
    %dma_wait3A_18 = arith.constant 0 : i32
    %dma_wait3A_19 = tpu.memref_slice %arg3[%dma_wait3A_18] : memref<320000xi32, #tpu.memory_space<hbm>> -> memref<128xi32, #tpu.memory_space<hbm>>
    tpu.wait_dma2 semaphore(%arg16 : memref<!tpu.dma_semaphore, #tpu.memory_space<semaphore_mem>>) src(%dma_wait3A_19 : memref<128xi32, #tpu.memory_space<hbm>>) dst(%arg7 : memref<128xi32, #tpu.memory_space<vmem>>)
    %dma_start3A_20 = arith.constant 0 : i32
    %dma_start3A_21 = arith.constant 0 : i32
    %dma_start3A_22 = tpu.memref_slice %arg2[%dma_start3A_20, %dma_start3A_21] : memref<10000x128xf32, #tpu.memory_space<hbm>> -> memref<10000x128xf32, #tpu.memory_space<hbm>>
    tpu.enqueue_indirect_dma source(%dma_start3A_22 : memref<10000x128xf32, #tpu.memory_space<hbm>>) target(%arg13 : memref<128x128xf32, #tpu.memory_space<vmem>>) offsets(%arg7 : memref<128xi32, #tpu.memory_space<vmem>>) semaphore(%arg22 : memref<!tpu.dma_semaphore, #tpu.memory_space<semaphore_mem>>)
    %mul3A_23 = arith.constant 624 : i32
    %mul3A_24 = arith.muli %arg1, %mul3A_23 : i32
    %mul3A_25 = arith.constant 624 : i32
    %mul3A_26 = arith.muli %arg1, %mul3A_25 : i32
    "tpu.region"() ({
      %run_scoped3A = tpu.sem_alloc : memref<!tpu.dma_semaphore, #tpu.memory_space<semaphore_mem>>
      %dma_start3A_48 = arith.constant 0 : i32
      %dma_start3A_49 = tpu.memref_slice %arg25[%mul3A_26, %dma_start3A_48] : memref<10000x128xf32, #tpu.memory_space<vmem_shared>> -> memref<624x128xf32, #tpu.memory_space<vmem_shared>>
      %dma_start3A_50 = arith.constant 0 : i32
      %dma_start3A_51 = tpu.memref_slice %arg5[%mul3A_24, %dma_start3A_50] : memref<10000x128xf32, #tpu.memory_space<hbm>> -> memref<624x128xf32, #tpu.memory_space<hbm>>
      tpu.enqueue_dma source(%dma_start3A_51 : memref<624x128xf32, #tpu.memory_space<hbm>>) target(%dma_start3A_49 : memref<624x128xf32, #tpu.memory_space<vmem_shared>>) target_semaphore(%run_scoped3A : memref<!tpu.dma_semaphore, #tpu.memory_space<semaphore_mem>>)
      %dma_wait3A_52 = arith.constant 0 : i32
      %dma_wait3A_53 = tpu.memref_slice %arg25[%mul3A_26, %dma_wait3A_52] : memref<10000x128xf32, #tpu.memory_space<vmem_shared>> -> memref<624x128xf32, #tpu.memory_space<vmem_shared>>
      %dma_wait3A_54 = arith.constant 0 : i32
      %dma_wait3A_55 = tpu.memref_slice %arg5[%mul3A_24, %dma_wait3A_54] : memref<10000x128xf32, #tpu.memory_space<hbm>> -> memref<624x128xf32, #tpu.memory_space<hbm>>
      tpu.wait_dma2 semaphore(%run_scoped3A : memref<!tpu.dma_semaphore, #tpu.memory_space<semaphore_mem>>) src(%dma_wait3A_55 : memref<624x128xf32, #tpu.memory_space<hbm>>) dst(%dma_wait3A_53 : memref<624x128xf32, #tpu.memory_space<vmem_shared>>)
      tpu.yield
    }) : () -> ()
    %eq3A = arith.constant 0 : i32
    %eq3A_27 = arith.cmpi eq, %arg1, %eq3A : i32
    %convert_element_type3A = arith.extui %eq3A_27 : i1 to i32
    %cond3A = arith.constant 0 : i32
    %cond3A_28 = arith.cmpi ne, %convert_element_type3A, %cond3A : i32
    scf.if %cond3A_28 {
      "tpu.region"() ({
        %run_scoped3A = tpu.sem_alloc : memref<!tpu.dma_semaphore, #tpu.memory_space<semaphore_mem>>
        %dma_start3A_48 = arith.constant 9984 : i32
        %dma_start3A_49 = arith.constant 0 : i32
        %dma_start3A_50 = tpu.memref_slice %arg25[%dma_start3A_48, %dma_start3A_49] : memref<10000x128xf32, #tpu.memory_space<vmem_shared>> -> memref<16x128xf32, #tpu.memory_space<vmem_shared>>
        %dma_start3A_51 = arith.constant 9984 : i32
        %dma_start3A_52 = arith.constant 0 : i32
        %dma_start3A_53 = tpu.memref_slice %arg5[%dma_start3A_51, %dma_start3A_52] : memref<10000x128xf32, #tpu.memory_space<hbm>> -> memref<16x128xf32, #tpu.memory_space<hbm>>
        tpu.enqueue_dma source(%dma_start3A_53 : memref<16x128xf32, #tpu.memory_space<hbm>>) target(%dma_start3A_50 : memref<16x128xf32, #tpu.memory_space<vmem_shared>>) target_semaphore(%run_scoped3A : memref<!tpu.dma_semaphore, #tpu.memory_space<semaphore_mem>>)
        %dma_wait3A_54 = arith.constant 9984 : i32
        %dma_wait3A_55 = arith.constant 0 : i32
        %dma_wait3A_56 = tpu.memref_slice %arg25[%dma_wait3A_54, %dma_wait3A_55] : memref<10000x128xf32, #tpu.memory_space<vmem_shared>> -> memref<16x128xf32, #tpu.memory_space<vmem_shared>>
        %dma_wait3A_57 = arith.constant 9984 : i32
        %dma_wait3A_58 = arith.constant 0 : i32
        %dma_wait3A_59 = tpu.memref_slice %arg5[%dma_wait3A_57, %dma_wait3A_58] : memref<10000x128xf32, #tpu.memory_space<hbm>> -> memref<16x128xf32, #tpu.memory_space<hbm>>
        tpu.wait_dma2 semaphore(%run_scoped3A : memref<!tpu.dma_semaphore, #tpu.memory_space<semaphore_mem>>) src(%dma_wait3A_59 : memref<16x128xf32, #tpu.memory_space<hbm>>) dst(%dma_wait3A_56 : memref<16x128xf32, #tpu.memory_space<vmem_shared>>)
        tpu.yield
      }) : () -> ()
    } else {
    }
    %barrier3A = arith.constant 0 : index
    tpu.barrier barrier_id(%barrier3A)
    %scan3A = arith.constant 0 : i32
    %scan3A_29 = arith.constant 0 : i32
    %scan3A_30 = arith.constant 26 : i32
    %scan3A_31 = arith.addi %scan3A_29, %scan3A_30 : i32
    %scan3A_32 = arith.constant 1 : i32
    scf.for %scan3A_48 = %scan3A_29 to %scan3A_31 step %scan3A_32  : i32 {
      %mul3A_49 = arith.constant 3 : i32
      %mul3A_50 = arith.muli %scan3A_48, %mul3A_49 : i32
      %add3A_51 = arith.constant 0 : i32
      %add3A_52 = arith.addi %mul3A_50, %add3A_51 : i32
      %add3A_53 = arith.constant 2 : i32
      %add3A_54 = arith.addi %add3A_52, %add3A_53 : i32
      %lt3A_55 = arith.constant 78 : i32
      %lt3A_56 = arith.cmpi slt, %add3A_54, %lt3A_55 : i32
      %convert_element_type3A_57 = arith.extui %lt3A_56 : i1 to i32
      %cond3A_58 = arith.constant 0 : i32
      %cond3A_59 = arith.cmpi ne, %convert_element_type3A_57, %cond3A_58 : i32
      scf.if %cond3A_59 {
        %add3A_124 = arith.addi %mul3A_2, %add3A_52 : i32
        %add3A_125 = arith.constant 2 : i32
        %add3A_126 = arith.addi %add3A_124, %add3A_125 : i32
        %mul3A_127 = arith.constant 128 : i32
        %mul3A_128 = arith.muli %add3A_126, %mul3A_127 : i32
        %multiple_of3A_129 = tpu.assume_multiple %mul3A_128, 8 : i32
        %dma_start3A_130 = tpu.memref_slice %arg3[%multiple_of3A_129] : memref<320000xi32, #tpu.memory_space<hbm>> -> memref<128xi32, #tpu.memory_space<hbm>>
        %dma_start3A_131 = tpu.memref_slice %arg3[%multiple_of3A_129] : memref<320000xi32, #tpu.memory_space<hbm>> -> memref<128xi32, #tpu.memory_space<hbm>>
        tpu.enqueue_dma source(%dma_start3A_131 : memref<128xi32, #tpu.memory_space<hbm>>) target(%arg9 : memref<128xi32, #tpu.memory_space<vmem>>) target_semaphore(%arg18 : memref<!tpu.dma_semaphore, #tpu.memory_space<semaphore_mem>>)
        %dma_start3A_132 = tpu.memref_slice %arg4[%multiple_of3A_129] : memref<320000xi32, #tpu.memory_space<hbm>> -> memref<128xi32, #tpu.memory_space<hbm>>
        %dma_start3A_133 = tpu.memref_slice %arg4[%multiple_of3A_129] : memref<320000xi32, #tpu.memory_space<hbm>> -> memref<128xi32, #tpu.memory_space<hbm>>
        tpu.enqueue_dma source(%dma_start3A_133 : memref<128xi32, #tpu.memory_space<hbm>>) target(%arg12 : memref<128xi32, #tpu.memory_space<vmem>>) target_semaphore(%arg21 : memref<!tpu.dma_semaphore, #tpu.memory_space<semaphore_mem>>)
      } else {
      }
      %add3A_60 = arith.constant 1 : i32
      %add3A_61 = arith.addi %add3A_52, %add3A_60 : i32
      %lt3A_62 = arith.constant 78 : i32
      %lt3A_63 = arith.cmpi slt, %add3A_61, %lt3A_62 : i32
      %convert_element_type3A_64 = arith.extui %lt3A_63 : i1 to i32
      %cond3A_65 = arith.constant 0 : i32
      %cond3A_66 = arith.cmpi ne, %convert_element_type3A_64, %cond3A_65 : i32
      scf.if %cond3A_66 {
        %dma_wait3A_124 = arith.constant 0 : i32
        %dma_wait3A_125 = tpu.memref_slice %arg3[%dma_wait3A_124] : memref<320000xi32, #tpu.memory_space<hbm>> -> memref<128xi32, #tpu.memory_space<hbm>>
        %dma_wait3A_126 = arith.constant 0 : i32
        %dma_wait3A_127 = tpu.memref_slice %arg3[%dma_wait3A_126] : memref<320000xi32, #tpu.memory_space<hbm>> -> memref<128xi32, #tpu.memory_space<hbm>>
        tpu.wait_dma2 semaphore(%arg17 : memref<!tpu.dma_semaphore, #tpu.memory_space<semaphore_mem>>) src(%dma_wait3A_127 : memref<128xi32, #tpu.memory_space<hbm>>) dst(%arg8 : memref<128xi32, #tpu.memory_space<vmem>>)
        %dma_start3A_128 = arith.constant 0 : i32
        %dma_start3A_129 = arith.constant 0 : i32
        %dma_start3A_130 = tpu.memref_slice %arg2[%dma_start3A_128, %dma_start3A_129] : memref<10000x128xf32, #tpu.memory_space<hbm>> -> memref<10000x128xf32, #tpu.memory_space<hbm>>
        tpu.enqueue_indirect_dma source(%dma_start3A_130 : memref<10000x128xf32, #tpu.memory_space<hbm>>) target(%arg14 : memref<128x128xf32, #tpu.memory_space<vmem>>) offsets(%arg8 : memref<128xi32, #tpu.memory_space<vmem>>) semaphore(%arg23 : memref<!tpu.dma_semaphore, #tpu.memory_space<semaphore_mem>>)
      } else {
      }
      %dma_wait3A_67 = arith.constant 0 : i32
      %dma_wait3A_68 = arith.constant 0 : i32
      %dma_wait3A_69 = tpu.memref_slice %arg2[%dma_wait3A_67, %dma_wait3A_68] : memref<10000x128xf32, #tpu.memory_space<hbm>> -> memref<10000x128xf32, #tpu.memory_space<hbm>>
      tpu.wait_indirect_dma semaphore(%arg22 : memref<!tpu.dma_semaphore, #tpu.memory_space<semaphore_mem>>) src(%dma_wait3A_69 : memref<10000x128xf32, #tpu.memory_space<hbm>>) dst(%arg13 : memref<128x128xf32, #tpu.memory_space<vmem>>)
      %dma_wait3A_70 = arith.constant 0 : i32
      %dma_wait3A_71 = tpu.memref_slice %arg4[%dma_wait3A_70] : memref<320000xi32, #tpu.memory_space<hbm>> -> memref<128xi32, #tpu.memory_space<hbm>>
      %dma_wait3A_72 = arith.constant 0 : i32
      %dma_wait3A_73 = tpu.memref_slice %arg4[%dma_wait3A_72] : memref<320000xi32, #tpu.memory_space<hbm>> -> memref<128xi32, #tpu.memory_space<hbm>>
      tpu.wait_dma2 semaphore(%arg19 : memref<!tpu.dma_semaphore, #tpu.memory_space<semaphore_mem>>) src(%dma_wait3A_73 : memref<128xi32, #tpu.memory_space<hbm>>) dst(%arg10 : memref<128xi32, #tpu.memory_space<vmem>>)
      "tpu.region"() ({
        %run_scoped3A = tpu.sem_alloc : memref<!tpu.dma_semaphore, #tpu.memory_space<semaphore_mem>>
        %dma_start3A_124 = arith.constant 0 : i32
        %dma_start3A_125 = arith.constant 0 : i32
        %dma_start3A_126 = tpu.memref_slice %arg25[%dma_start3A_124, %dma_start3A_125] : memref<10000x128xf32, #tpu.memory_space<vmem_shared>> -> memref<10000x128xf32, #tpu.memory_space<vmem_shared>>
        tpu.enqueue_indirect_dma source(%arg13 : memref<128x128xf32, #tpu.memory_space<vmem>>) target(%dma_start3A_126 : memref<10000x128xf32, #tpu.memory_space<vmem_shared>>) offsets(%arg10 : memref<128xi32, #tpu.memory_space<vmem>>) semaphore(%run_scoped3A : memref<!tpu.dma_semaphore, #tpu.memory_space<semaphore_mem>>) {add = true}
        %dma_wait3A_127 = arith.constant 0 : i32
        %dma_wait3A_128 = arith.constant 0 : i32
        %dma_wait3A_129 = tpu.memref_slice %arg25[%dma_wait3A_127, %dma_wait3A_128] : memref<10000x128xf32, #tpu.memory_space<vmem_shared>> -> memref<10000x128xf32, #tpu.memory_space<vmem_shared>>
        tpu.wait_indirect_dma semaphore(%run_scoped3A : memref<!tpu.dma_semaphore, #tpu.memory_space<semaphore_mem>>) src(%arg13 : memref<128x128xf32, #tpu.memory_space<vmem>>) dst(%dma_wait3A_129 : memref<10000x128xf32, #tpu.memory_space<vmem_shared>>)
        tpu.yield
      }) : () -> ()
      %mul3A_74 = arith.constant 3 : i32
      %mul3A_75 = arith.muli %scan3A_48, %mul3A_74 : i32
      %add3A_76 = arith.constant 1 : i32
      %add3A_77 = arith.addi %mul3A_75, %add3A_76 : i32
      %add3A_78 = arith.constant 2 : i32
      %add3A_79 = arith.addi %add3A_77, %add3A_78 : i32
      %lt3A_80 = arith.constant 78 : i32
      %lt3A_81 = arith.cmpi slt, %add3A_79, %lt3A_80 : i32
      %convert_element_type3A_82 = arith.extui %lt3A_81 : i1 to i32
      %cond3A_83 = arith.constant 0 : i32
      %cond3A_84 = arith.cmpi ne, %convert_element_type3A_82, %cond3A_83 : i32
      scf.if %cond3A_84 {
        %add3A_124 = arith.addi %mul3A_2, %add3A_77 : i32
        %add3A_125 = arith.constant 2 : i32
        %add3A_126 = arith.addi %add3A_124, %add3A_125 : i32
        %mul3A_127 = arith.constant 128 : i32
        %mul3A_128 = arith.muli %add3A_126, %mul3A_127 : i32
        %multiple_of3A_129 = tpu.assume_multiple %mul3A_128, 8 : i32
        %dma_start3A_130 = tpu.memref_slice %arg3[%multiple_of3A_129] : memref<320000xi32, #tpu.memory_space<hbm>> -> memref<128xi32, #tpu.memory_space<hbm>>
        %dma_start3A_131 = tpu.memref_slice %arg3[%multiple_of3A_129] : memref<320000xi32, #tpu.memory_space<hbm>> -> memref<128xi32, #tpu.memory_space<hbm>>
        tpu.enqueue_dma source(%dma_start3A_131 : memref<128xi32, #tpu.memory_space<hbm>>) target(%arg7 : memref<128xi32, #tpu.memory_space<vmem>>) target_semaphore(%arg16 : memref<!tpu.dma_semaphore, #tpu.memory_space<semaphore_mem>>)
        %dma_start3A_132 = tpu.memref_slice %arg4[%multiple_of3A_129] : memref<320000xi32, #tpu.memory_space<hbm>> -> memref<128xi32, #tpu.memory_space<hbm>>
        %dma_start3A_133 = tpu.memref_slice %arg4[%multiple_of3A_129] : memref<320000xi32, #tpu.memory_space<hbm>> -> memref<128xi32, #tpu.memory_space<hbm>>
        tpu.enqueue_dma source(%dma_start3A_133 : memref<128xi32, #tpu.memory_space<hbm>>) target(%arg10 : memref<128xi32, #tpu.memory_space<vmem>>) target_semaphore(%arg19 : memref<!tpu.dma_semaphore, #tpu.memory_space<semaphore_mem>>)
      } else {
      }
      %add3A_85 = arith.constant 1 : i32
      %add3A_86 = arith.addi %add3A_77, %add3A_85 : i32
      %lt3A_87 = arith.constant 78 : i32
      %lt3A_88 = arith.cmpi slt, %add3A_86, %lt3A_87 : i32
      %convert_element_type3A_89 = arith.extui %lt3A_88 : i1 to i32
      %cond3A_90 = arith.constant 0 : i32
      %cond3A_91 = arith.cmpi ne, %convert_element_type3A_89, %cond3A_90 : i32
      scf.if %cond3A_91 {
        %dma_wait3A_124 = arith.constant 0 : i32
        %dma_wait3A_125 = tpu.memref_slice %arg3[%dma_wait3A_124] : memref<320000xi32, #tpu.memory_space<hbm>> -> memref<128xi32, #tpu.memory_space<hbm>>
        %dma_wait3A_126 = arith.constant 0 : i32
        %dma_wait3A_127 = tpu.memref_slice %arg3[%dma_wait3A_126] : memref<320000xi32, #tpu.memory_space<hbm>> -> memref<128xi32, #tpu.memory_space<hbm>>
        tpu.wait_dma2 semaphore(%arg18 : memref<!tpu.dma_semaphore, #tpu.memory_space<semaphore_mem>>) src(%dma_wait3A_127 : memref<128xi32, #tpu.memory_space<hbm>>) dst(%arg9 : memref<128xi32, #tpu.memory_space<vmem>>)
        %dma_start3A_128 = arith.constant 0 : i32
        %dma_start3A_129 = arith.constant 0 : i32
        %dma_start3A_130 = tpu.memref_slice %arg2[%dma_start3A_128, %dma_start3A_129] : memref<10000x128xf32, #tpu.memory_space<hbm>> -> memref<10000x128xf32, #tpu.memory_space<hbm>>
        tpu.enqueue_indirect_dma source(%dma_start3A_130 : memref<10000x128xf32, #tpu.memory_space<hbm>>) target(%arg15 : memref<128x128xf32, #tpu.memory_space<vmem>>) offsets(%arg9 : memref<128xi32, #tpu.memory_space<vmem>>) semaphore(%arg24 : memref<!tpu.dma_semaphore, #tpu.memory_space<semaphore_mem>>)
      } else {
      }
      %dma_wait3A_92 = arith.constant 0 : i32
      %dma_wait3A_93 = arith.constant 0 : i32
      %dma_wait3A_94 = tpu.memref_slice %arg2[%dma_wait3A_92, %dma_wait3A_93] : memref<10000x128xf32, #tpu.memory_space<hbm>> -> memref<10000x128xf32, #tpu.memory_space<hbm>>
      tpu.wait_indirect_dma semaphore(%arg23 : memref<!tpu.dma_semaphore, #tpu.memory_space<semaphore_mem>>) src(%dma_wait3A_94 : memref<10000x128xf32, #tpu.memory_space<hbm>>) dst(%arg14 : memref<128x128xf32, #tpu.memory_space<vmem>>)
      %dma_wait3A_95 = arith.constant 0 : i32
      %dma_wait3A_96 = tpu.memref_slice %arg4[%dma_wait3A_95] : memref<320000xi32, #tpu.memory_space<hbm>> -> memref<128xi32, #tpu.memory_space<hbm>>
      %dma_wait3A_97 = arith.constant 0 : i32
      %dma_wait3A_98 = tpu.memref_slice %arg4[%dma_wait3A_97] : memref<320000xi32, #tpu.memory_space<hbm>> -> memref<128xi32, #tpu.memory_space<hbm>>
      tpu.wait_dma2 semaphore(%arg20 : memref<!tpu.dma_semaphore, #tpu.memory_space<semaphore_mem>>) src(%dma_wait3A_98 : memref<128xi32, #tpu.memory_space<hbm>>) dst(%arg11 : memref<128xi32, #tpu.memory_space<vmem>>)
      "tpu.region"() ({
        %run_scoped3A = tpu.sem_alloc : memref<!tpu.dma_semaphore, #tpu.memory_space<semaphore_mem>>
        %dma_start3A_124 = arith.constant 0 : i32
        %dma_start3A_125 = arith.constant 0 : i32
        %dma_start3A_126 = tpu.memref_slice %arg25[%dma_start3A_124, %dma_start3A_125] : memref<10000x128xf32, #tpu.memory_space<vmem_shared>> -> memref<10000x128xf32, #tpu.memory_space<vmem_shared>>
        tpu.enqueue_indirect_dma source(%arg14 : memref<128x128xf32, #tpu.memory_space<vmem>>) target(%dma_start3A_126 : memref<10000x128xf32, #tpu.memory_space<vmem_shared>>) offsets(%arg11 : memref<128xi32, #tpu.memory_space<vmem>>) semaphore(%run_scoped3A : memref<!tpu.dma_semaphore, #tpu.memory_space<semaphore_mem>>) {add = true}
        %dma_wait3A_127 = arith.constant 0 : i32
        %dma_wait3A_128 = arith.constant 0 : i32
        %dma_wait3A_129 = tpu.memref_slice %arg25[%dma_wait3A_127, %dma_wait3A_128] : memref<10000x128xf32, #tpu.memory_space<vmem_shared>> -> memref<10000x128xf32, #tpu.memory_space<vmem_shared>>
        tpu.wait_indirect_dma semaphore(%run_scoped3A : memref<!tpu.dma_semaphore, #tpu.memory_space<semaphore_mem>>) src(%arg14 : memref<128x128xf32, #tpu.memory_space<vmem>>) dst(%dma_wait3A_129 : memref<10000x128xf32, #tpu.memory_space<vmem_shared>>)
        tpu.yield
      }) : () -> ()
      %mul3A_99 = arith.constant 3 : i32
      %mul3A_100 = arith.muli %scan3A_48, %mul3A_99 : i32
      %add3A_101 = arith.constant 2 : i32
      %add3A_102 = arith.addi %mul3A_100, %add3A_101 : i32
      %add3A_103 = arith.constant 2 : i32
      %add3A_104 = arith.addi %add3A_102, %add3A_103 : i32
      %lt3A_105 = arith.constant 78 : i32
      %lt3A_106 = arith.cmpi slt, %add3A_104, %lt3A_105 : i32
      %convert_element_type3A_107 = arith.extui %lt3A_106 : i1 to i32
      %cond3A_108 = arith.constant 0 : i32
      %cond3A_109 = arith.cmpi ne, %convert_element_type3A_107, %cond3A_108 : i32
      scf.if %cond3A_109 {
        %add3A_124 = arith.addi %mul3A_2, %add3A_102 : i32
        %add3A_125 = arith.constant 2 : i32
        %add3A_126 = arith.addi %add3A_124, %add3A_125 : i32
        %mul3A_127 = arith.constant 128 : i32
        %mul3A_128 = arith.muli %add3A_126, %mul3A_127 : i32
        %multiple_of3A_129 = tpu.assume_multiple %mul3A_128, 8 : i32
        %dma_start3A_130 = tpu.memref_slice %arg3[%multiple_of3A_129] : memref<320000xi32, #tpu.memory_space<hbm>> -> memref<128xi32, #tpu.memory_space<hbm>>
        %dma_start3A_131 = tpu.memref_slice %arg3[%multiple_of3A_129] : memref<320000xi32, #tpu.memory_space<hbm>> -> memref<128xi32, #tpu.memory_space<hbm>>
        tpu.enqueue_dma source(%dma_start3A_131 : memref<128xi32, #tpu.memory_space<hbm>>) target(%arg8 : memref<128xi32, #tpu.memory_space<vmem>>) target_semaphore(%arg17 : memref<!tpu.dma_semaphore, #tpu.memory_space<semaphore_mem>>)
        %dma_start3A_132 = tpu.memref_slice %arg4[%multiple_of3A_129] : memref<320000xi32, #tpu.memory_space<hbm>> -> memref<128xi32, #tpu.memory_space<hbm>>
        %dma_start3A_133 = tpu.memref_slice %arg4[%multiple_of3A_129] : memref<320000xi32, #tpu.memory_space<hbm>> -> memref<128xi32, #tpu.memory_space<hbm>>
        tpu.enqueue_dma source(%dma_start3A_133 : memref<128xi32, #tpu.memory_space<hbm>>) target(%arg11 : memref<128xi32, #tpu.memory_space<vmem>>) target_semaphore(%arg20 : memref<!tpu.dma_semaphore, #tpu.memory_space<semaphore_mem>>)
      } else {
      }
      %add3A_110 = arith.constant 1 : i32
      %add3A_111 = arith.addi %add3A_102, %add3A_110 : i32
      %lt3A_112 = arith.constant 78 : i32
      %lt3A_113 = arith.cmpi slt, %add3A_111, %lt3A_112 : i32
      %convert_element_type3A_114 = arith.extui %lt3A_113 : i1 to i32
      %cond3A_115 = arith.constant 0 : i32
      %cond3A_116 = arith.cmpi ne, %convert_element_type3A_114, %cond3A_115 : i32
      scf.if %cond3A_116 {
        %dma_wait3A_124 = arith.constant 0 : i32
        %dma_wait3A_125 = tpu.memref_slice %arg3[%dma_wait3A_124] : memref<320000xi32, #tpu.memory_space<hbm>> -> memref<128xi32, #tpu.memory_space<hbm>>
        %dma_wait3A_126 = arith.constant 0 : i32
        %dma_wait3A_127 = tpu.memref_slice %arg3[%dma_wait3A_126] : memref<320000xi32, #tpu.memory_space<hbm>> -> memref<128xi32, #tpu.memory_space<hbm>>
        tpu.wait_dma2 semaphore(%arg16 : memref<!tpu.dma_semaphore, #tpu.memory_space<semaphore_mem>>) src(%dma_wait3A_127 : memref<128xi32, #tpu.memory_space<hbm>>) dst(%arg7 : memref<128xi32, #tpu.memory_space<vmem>>)
        %dma_start3A_128 = arith.constant 0 : i32
        %dma_start3A_129 = arith.constant 0 : i32
        %dma_start3A_130 = tpu.memref_slice %arg2[%dma_start3A_128, %dma_start3A_129] : memref<10000x128xf32, #tpu.memory_space<hbm>> -> memref<10000x128xf32, #tpu.memory_space<hbm>>
        tpu.enqueue_indirect_dma source(%dma_start3A_130 : memref<10000x128xf32, #tpu.memory_space<hbm>>) target(%arg13 : memref<128x128xf32, #tpu.memory_space<vmem>>) offsets(%arg7 : memref<128xi32, #tpu.memory_space<vmem>>) semaphore(%arg22 : memref<!tpu.dma_semaphore, #tpu.memory_space<semaphore_mem>>)
      } else {
      }
      %dma_wait3A_117 = arith.constant 0 : i32
      %dma_wait3A_118 = arith.constant 0 : i32
      %dma_wait3A_119 = tpu.memref_slice %arg2[%dma_wait3A_117, %dma_wait3A_118] : memref<10000x128xf32, #tpu.memory_space<hbm>> -> memref<10000x128xf32, #tpu.memory_space<hbm>>
      tpu.wait_indirect_dma semaphore(%arg24 : memref<!tpu.dma_semaphore, #tpu.memory_space<semaphore_mem>>) src(%dma_wait3A_119 : memref<10000x128xf32, #tpu.memory_space<hbm>>) dst(%arg15 : memref<128x128xf32, #tpu.memory_space<vmem>>)
      %dma_wait3A_120 = arith.constant 0 : i32
      %dma_wait3A_121 = tpu.memref_slice %arg4[%dma_wait3A_120] : memref<320000xi32, #tpu.memory_space<hbm>> -> memref<128xi32, #tpu.memory_space<hbm>>
      %dma_wait3A_122 = arith.constant 0 : i32
      %dma_wait3A_123 = tpu.memref_slice %arg4[%dma_wait3A_122] : memref<320000xi32, #tpu.memory_space<hbm>> -> memref<128xi32, #tpu.memory_space<hbm>>
      tpu.wait_dma2 semaphore(%arg21 : memref<!tpu.dma_semaphore, #tpu.memory_space<semaphore_mem>>) src(%dma_wait3A_123 : memref<128xi32, #tpu.memory_space<hbm>>) dst(%arg12 : memref<128xi32, #tpu.memory_space<vmem>>)
      "tpu.region"() ({
        %run_scoped3A = tpu.sem_alloc : memref<!tpu.dma_semaphore, #tpu.memory_space<semaphore_mem>>
        %dma_start3A_124 = arith.constant 0 : i32
        %dma_start3A_125 = arith.constant 0 : i32
        %dma_start3A_126 = tpu.memref_slice %arg25[%dma_start3A_124, %dma_start3A_125] : memref<10000x128xf32, #tpu.memory_space<vmem_shared>> -> memref<10000x128xf32, #tpu.memory_space<vmem_shared>>
        tpu.enqueue_indirect_dma source(%arg15 : memref<128x128xf32, #tpu.memory_space<vmem>>) target(%dma_start3A_126 : memref<10000x128xf32, #tpu.memory_space<vmem_shared>>) offsets(%arg12 : memref<128xi32, #tpu.memory_space<vmem>>) semaphore(%run_scoped3A : memref<!tpu.dma_semaphore, #tpu.memory_space<semaphore_mem>>) {add = true}
        %dma_wait3A_127 = arith.constant 0 : i32
        %dma_wait3A_128 = arith.constant 0 : i32
        %dma_wait3A_129 = tpu.memref_slice %arg25[%dma_wait3A_127, %dma_wait3A_128] : memref<10000x128xf32, #tpu.memory_space<vmem_shared>> -> memref<10000x128xf32, #tpu.memory_space<vmem_shared>>
        tpu.wait_indirect_dma semaphore(%run_scoped3A : memref<!tpu.dma_semaphore, #tpu.memory_space<semaphore_mem>>) src(%arg15 : memref<128x128xf32, #tpu.memory_space<vmem>>) dst(%dma_wait3A_129 : memref<10000x128xf32, #tpu.memory_space<vmem_shared>>)
        tpu.yield
      }) : () -> ()
    }
    %scan3A_33 = arith.constant 26 : i32
    %lt3A = arith.constant 4 : i32
    %lt3A_34 = arith.cmpi slt, %add3A, %lt3A : i32
    %convert_element_type3A_35 = arith.extui %lt3A_34 : i1 to i32
    %cond3A_36 = arith.constant 0 : i32
    %cond3A_37 = arith.cmpi ne, %convert_element_type3A_35, %cond3A_36 : i32
    scf.if %cond3A_37 {
      %add3A_48 = arith.constant 2496 : i32
      %add3A_49 = arith.addi %add3A_48, %add3A : i32
      %mul3A_50 = arith.constant 128 : i32
      %mul3A_51 = arith.muli %add3A_49, %mul3A_50 : i32
      %multiple_of3A_52 = tpu.assume_multiple %mul3A_51, 8 : i32
      %dma_start3A_53 = tpu.memref_slice %arg3[%multiple_of3A_52] : memref<320000xi32, #tpu.memory_space<hbm>> -> memref<128xi32, #tpu.memory_space<hbm>>
      %dma_start3A_54 = tpu.memref_slice %arg3[%multiple_of3A_52] : memref<320000xi32, #tpu.memory_space<hbm>> -> memref<128xi32, #tpu.memory_space<hbm>>
      tpu.enqueue_dma source(%dma_start3A_54 : memref<128xi32, #tpu.memory_space<hbm>>) target(%arg7 : memref<128xi32, #tpu.memory_space<vmem>>) target_semaphore(%arg16 : memref<!tpu.dma_semaphore, #tpu.memory_space<semaphore_mem>>)
      %dma_start3A_55 = tpu.memref_slice %arg4[%multiple_of3A_52] : memref<320000xi32, #tpu.memory_space<hbm>> -> memref<128xi32, #tpu.memory_space<hbm>>
      %dma_start3A_56 = tpu.memref_slice %arg4[%multiple_of3A_52] : memref<320000xi32, #tpu.memory_space<hbm>> -> memref<128xi32, #tpu.memory_space<hbm>>
      tpu.enqueue_dma source(%dma_start3A_56 : memref<128xi32, #tpu.memory_space<hbm>>) target(%arg10 : memref<128xi32, #tpu.memory_space<vmem>>) target_semaphore(%arg19 : memref<!tpu.dma_semaphore, #tpu.memory_space<semaphore_mem>>)
      %dma_wait3A_57 = arith.constant 0 : i32
      %dma_wait3A_58 = tpu.memref_slice %arg3[%dma_wait3A_57] : memref<320000xi32, #tpu.memory_space<hbm>> -> memref<128xi32, #tpu.memory_space<hbm>>
      %dma_wait3A_59 = arith.constant 0 : i32
      %dma_wait3A_60 = tpu.memref_slice %arg3[%dma_wait3A_59] : memref<320000xi32, #tpu.memory_space<hbm>> -> memref<128xi32, #tpu.memory_space<hbm>>
      tpu.wait_dma2 semaphore(%arg16 : memref<!tpu.dma_semaphore, #tpu.memory_space<semaphore_mem>>) src(%dma_wait3A_60 : memref<128xi32, #tpu.memory_space<hbm>>) dst(%arg7 : memref<128xi32, #tpu.memory_space<vmem>>)
      %dma_start3A_61 = arith.constant 0 : i32
      %dma_start3A_62 = arith.constant 0 : i32
      %dma_start3A_63 = tpu.memref_slice %arg2[%dma_start3A_61, %dma_start3A_62] : memref<10000x128xf32, #tpu.memory_space<hbm>> -> memref<10000x128xf32, #tpu.memory_space<hbm>>
      tpu.enqueue_indirect_dma source(%dma_start3A_63 : memref<10000x128xf32, #tpu.memory_space<hbm>>) target(%arg13 : memref<128x128xf32, #tpu.memory_space<vmem>>) offsets(%arg7 : memref<128xi32, #tpu.memory_space<vmem>>) semaphore(%arg22 : memref<!tpu.dma_semaphore, #tpu.memory_space<semaphore_mem>>)
      %dma_wait3A_64 = arith.constant 0 : i32
      %dma_wait3A_65 = arith.constant 0 : i32
      %dma_wait3A_66 = tpu.memref_slice %arg2[%dma_wait3A_64, %dma_wait3A_65] : memref<10000x128xf32, #tpu.memory_space<hbm>> -> memref<10000x128xf32, #tpu.memory_space<hbm>>
      tpu.wait_indirect_dma semaphore(%arg22 : memref<!tpu.dma_semaphore, #tpu.memory_space<semaphore_mem>>) src(%dma_wait3A_66 : memref<10000x128xf32, #tpu.memory_space<hbm>>) dst(%arg13 : memref<128x128xf32, #tpu.memory_space<vmem>>)
      %dma_wait3A_67 = arith.constant 0 : i32
      %dma_wait3A_68 = tpu.memref_slice %arg4[%dma_wait3A_67] : memref<320000xi32, #tpu.memory_space<hbm>> -> memref<128xi32, #tpu.memory_space<hbm>>
      %dma_wait3A_69 = arith.constant 0 : i32
      %dma_wait3A_70 = tpu.memref_slice %arg4[%dma_wait3A_69] : memref<320000xi32, #tpu.memory_space<hbm>> -> memref<128xi32, #tpu.memory_space<hbm>>
      tpu.wait_dma2 semaphore(%arg19 : memref<!tpu.dma_semaphore, #tpu.memory_space<semaphore_mem>>) src(%dma_wait3A_70 : memref<128xi32, #tpu.memory_space<hbm>>) dst(%arg10 : memref<128xi32, #tpu.memory_space<vmem>>)
      "tpu.region"() ({
        %run_scoped3A = tpu.sem_alloc : memref<!tpu.dma_semaphore, #tpu.memory_space<semaphore_mem>>
        %dma_start3A_71 = arith.constant 0 : i32
        %dma_start3A_72 = arith.constant 0 : i32
        %dma_start3A_73 = tpu.memref_slice %arg25[%dma_start3A_71, %dma_start3A_72] : memref<10000x128xf32, #tpu.memory_space<vmem_shared>> -> memref<10000x128xf32, #tpu.memory_space<vmem_shared>>
        tpu.enqueue_indirect_dma source(%arg13 : memref<128x128xf32, #tpu.memory_space<vmem>>) target(%dma_start3A_73 : memref<10000x128xf32, #tpu.memory_space<vmem_shared>>) offsets(%arg10 : memref<128xi32, #tpu.memory_space<vmem>>) semaphore(%run_scoped3A : memref<!tpu.dma_semaphore, #tpu.memory_space<semaphore_mem>>) {add = true}
        %dma_wait3A_74 = arith.constant 0 : i32
        %dma_wait3A_75 = arith.constant 0 : i32
        %dma_wait3A_76 = tpu.memref_slice %arg25[%dma_wait3A_74, %dma_wait3A_75] : memref<10000x128xf32, #tpu.memory_space<vmem_shared>> -> memref<10000x128xf32, #tpu.memory_space<vmem_shared>>
        tpu.wait_indirect_dma semaphore(%run_scoped3A : memref<!tpu.dma_semaphore, #tpu.memory_space<semaphore_mem>>) src(%arg13 : memref<128x128xf32, #tpu.memory_space<vmem>>) dst(%dma_wait3A_76 : memref<10000x128xf32, #tpu.memory_space<vmem_shared>>)
        tpu.yield
      }) : () -> ()
    } else {
    }
    %barrier3A_38 = arith.constant 0 : index
    tpu.barrier barrier_id(%barrier3A_38)
    %mul3A_39 = arith.constant 624 : i32
    %mul3A_40 = arith.muli %arg1, %mul3A_39 : i32
    %mul3A_41 = arith.constant 624 : i32
    %mul3A_42 = arith.muli %arg1, %mul3A_41 : i32
    "tpu.region"() ({
      %run_scoped3A = tpu.sem_alloc : memref<!tpu.dma_semaphore, #tpu.memory_space<semaphore_mem>>
      %dma_start3A_48 = arith.constant 0 : i32
      %dma_start3A_49 = arith.constant 0 : i32
      %dma_start3A_50 = tpu.memref_slice %arg6[%arg0, %dma_start3A_48, %dma_start3A_49] : memref<2x10000x128xf32, #tpu.memory_space<hbm>> -> memref<1x10000x128xf32, #tpu.memory_space<hbm>>
      %dma_start3A_51 = tpu.memref_squeeze %dma_start3A_50 : memref<1x10000x128xf32, #tpu.memory_space<hbm>> -> memref<10000x128xf32, #tpu.memory_space<hbm>>
      %dma_start3A_52 = arith.constant 0 : i32
      %dma_start3A_53 = tpu.memref_slice %dma_start3A_51[%mul3A_42, %dma_start3A_52] : memref<10000x128xf32, #tpu.memory_space<hbm>> -> memref<624x128xf32, #tpu.memory_space<hbm>>
      %dma_start3A_54 = arith.constant 0 : i32
      %dma_start3A_55 = tpu.memref_slice %arg25[%mul3A_40, %dma_start3A_54] : memref<10000x128xf32, #tpu.memory_space<vmem_shared>> -> memref<624x128xf32, #tpu.memory_space<vmem_shared>>
      tpu.enqueue_dma source(%dma_start3A_55 : memref<624x128xf32, #tpu.memory_space<vmem_shared>>) target(%dma_start3A_53 : memref<624x128xf32, #tpu.memory_space<hbm>>) target_semaphore(%run_scoped3A : memref<!tpu.dma_semaphore, #tpu.memory_space<semaphore_mem>>)
      %dma_wait3A_56 = arith.constant 0 : i32
      %dma_wait3A_57 = arith.constant 0 : i32
      %dma_wait3A_58 = tpu.memref_slice %arg6[%arg0, %dma_wait3A_56, %dma_wait3A_57] : memref<2x10000x128xf32, #tpu.memory_space<hbm>> -> memref<1x10000x128xf32, #tpu.memory_space<hbm>>
      %dma_wait3A_59 = tpu.memref_squeeze %dma_wait3A_58 : memref<1x10000x128xf32, #tpu.memory_space<hbm>> -> memref<10000x128xf32, #tpu.memory_space<hbm>>
      %dma_wait3A_60 = arith.constant 0 : i32
      %dma_wait3A_61 = tpu.memref_slice %dma_wait3A_59[%mul3A_42, %dma_wait3A_60] : memref<10000x128xf32, #tpu.memory_space<hbm>> -> memref<624x128xf32, #tpu.memory_space<hbm>>
      %dma_wait3A_62 = arith.constant 0 : i32
      %dma_wait3A_63 = tpu.memref_slice %arg25[%mul3A_40, %dma_wait3A_62] : memref<10000x128xf32, #tpu.memory_space<vmem_shared>> -> memref<624x128xf32, #tpu.memory_space<vmem_shared>>
      tpu.wait_dma2 semaphore(%run_scoped3A : memref<!tpu.dma_semaphore, #tpu.memory_space<semaphore_mem>>) src(%dma_wait3A_63 : memref<624x128xf32, #tpu.memory_space<vmem_shared>>) dst(%dma_wait3A_61 : memref<624x128xf32, #tpu.memory_space<hbm>>)
      tpu.yield
    }) : () -> ()
    %eq3A_43 = arith.constant 0 : i32
    %eq3A_44 = arith.cmpi eq, %arg1, %eq3A_43 : i32
    %convert_element_type3A_45 = arith.extui %eq3A_44 : i1 to i32
    %cond3A_46 = arith.constant 0 : i32
    %cond3A_47 = arith.cmpi ne, %convert_element_type3A_45, %cond3A_46 : i32
    scf.if %cond3A_47 {
      "tpu.region"() ({
        %run_scoped3A = tpu.sem_alloc : memref<!tpu.dma_semaphore, #tpu.memory_space<semaphore_mem>>
        %dma_start3A_48 = arith.constant 0 : i32
        %dma_start3A_49 = arith.constant 0 : i32
        %dma_start3A_50 = tpu.memref_slice %arg6[%arg0, %dma_start3A_48, %dma_start3A_49] : memref<2x10000x128xf32, #tpu.memory_space<hbm>> -> memref<1x10000x128xf32, #tpu.memory_space<hbm>>
        %dma_start3A_51 = tpu.memref_squeeze %dma_start3A_50 : memref<1x10000x128xf32, #tpu.memory_space<hbm>> -> memref<10000x128xf32, #tpu.memory_space<hbm>>
        %dma_start3A_52 = arith.constant 9984 : i32
        %dma_start3A_53 = arith.constant 0 : i32
        %dma_start3A_54 = tpu.memref_slice %dma_start3A_51[%dma_start3A_52, %dma_start3A_53] : memref<10000x128xf32, #tpu.memory_space<hbm>> -> memref<16x128xf32, #tpu.memory_space<hbm>>
        %dma_start3A_55 = arith.constant 9984 : i32
        %dma_start3A_56 = arith.constant 0 : i32
        %dma_start3A_57 = tpu.memref_slice %arg25[%dma_start3A_55, %dma_start3A_56] : memref<10000x128xf32, #tpu.memory_space<vmem_shared>> -> memref<16x128xf32, #tpu.memory_space<vmem_shared>>
        tpu.enqueue_dma source(%dma_start3A_57 : memref<16x128xf32, #tpu.memory_space<vmem_shared>>) target(%dma_start3A_54 : memref<16x128xf32, #tpu.memory_space<hbm>>) target_semaphore(%run_scoped3A : memref<!tpu.dma_semaphore, #tpu.memory_space<semaphore_mem>>)
        %dma_wait3A_58 = arith.constant 0 : i32
        %dma_wait3A_59 = arith.constant 0 : i32
        %dma_wait3A_60 = tpu.memref_slice %arg6[%arg0, %dma_wait3A_58, %dma_wait3A_59] : memref<2x10000x128xf32, #tpu.memory_space<hbm>> -> memref<1x10000x128xf32, #tpu.memory_space<hbm>>
        %dma_wait3A_61 = tpu.memref_squeeze %dma_wait3A_60 : memref<1x10000x128xf32, #tpu.memory_space<hbm>> -> memref<10000x128xf32, #tpu.memory_space<hbm>>
        %dma_wait3A_62 = arith.constant 9984 : i32
        %dma_wait3A_63 = arith.constant 0 : i32
        %dma_wait3A_64 = tpu.memref_slice %dma_wait3A_61[%dma_wait3A_62, %dma_wait3A_63] : memref<10000x128xf32, #tpu.memory_space<hbm>> -> memref<16x128xf32, #tpu.memory_space<hbm>>
        %dma_wait3A_65 = arith.constant 9984 : i32
        %dma_wait3A_66 = arith.constant 0 : i32
        %dma_wait3A_67 = tpu.memref_slice %arg25[%dma_wait3A_65, %dma_wait3A_66] : memref<10000x128xf32, #tpu.memory_space<vmem_shared>> -> memref<16x128xf32, #tpu.memory_space<vmem_shared>>
        tpu.wait_dma2 semaphore(%run_scoped3A : memref<!tpu.dma_semaphore, #tpu.memory_space<semaphore_mem>>) src(%dma_wait3A_67 : memref<16x128xf32, #tpu.memory_space<vmem_shared>>) dst(%dma_wait3A_64 : memref<16x128xf32, #tpu.memory_space<hbm>>)
        tpu.yield
      }) : () -> ()
    } else {
    }
    return
  }
}

#map = affine_map<(d0, d1) -> (0, 0)>
#map1 = affine_map<(d0, d1) -> (0)>
#map2 = affine_map<(d0, d1) -> (0, 0, 0)>
module attributes {stable_mosaic.version = 14 : i64} {
  func.func @body(%arg0: i32, %arg1: i32, %arg2: memref<10000x128xf32, #tpu.memory_space<hbm>>, %arg3: memref<320000xi32, #tpu.memory_space<hbm>>, %arg4: memref<320000xi32, #tpu.memory_space<hbm>>, %arg5: memref<10000x128xf32, #tpu.memory_space<hbm>>, %arg6: memref<2x10000x128xf32, #tpu.memory_space<hbm>>, %arg7: memref<128xi32, #tpu.memory_space<vmem>>, %arg8: memref<128xi32, #tpu.memory_space<vmem>>, %arg9: memref<128xi32, #tpu.memory_space<vmem>>, %arg10: memref<128xi32, #tpu.memory_space<vmem>>, %arg11: memref<128xi32, #tpu.memory_space<vmem>>, %arg12: memref<128xi32, #tpu.memory_space<vmem>>, %arg13: memref<128x128xf32, #tpu.memory_space<vmem>>, %arg14: memref<128x128xf32, #tpu.memory_space<vmem>>, %arg15: memref<128x128xf32, #tpu.memory_space<vmem>>, %arg16: memref<!tpu.dma_semaphore, #tpu.memory_space<semaphore_mem>>, %arg17: memref<!tpu.dma_semaphore, #tpu.memory_space<semaphore_mem>>, %arg18: memref<!tpu.dma_semaphore, #tpu.memory_space<semaphore_mem>>, %arg19: memref<!tpu.dma_semaphore, #tpu.memory_space<semaphore_mem>>, %arg20: memref<!tpu.dma_semaphore, #tpu.memory_space<semaphore_mem>>, %arg21: memref<!tpu.dma_semaphore, #tpu.memory_space<semaphore_mem>>, %arg22: memref<!tpu.dma_semaphore, #tpu.memory_space<semaphore_mem>>, %arg23: memref<!tpu.dma_semaphore, #tpu.memory_space<semaphore_mem>>, %arg24: memref<!tpu.dma_semaphore, #tpu.memory_space<semaphore_mem>>, %arg25: memref<10000x128xf32, #tpu.memory_space<vmem_shared>>) attributes {dimension_semantics = [#tpu.dimension_semantics<core_parallel>, #tpu.dimension_semantics<subcore_parallel>], iteration_bounds = array<i64: 2, 16>, scalar_prefetch = 0 : i64, scratch_operands = 19 : i64, tpu.core_type = #tpu.core_type<sc_vector_subcore>, window_params = [{transform_indices = #map}, {transform_indices = #map1}, {transform_indices = #map1}, {transform_indices = #map}, {transform_indices = #map2}]} {
    %mul3A = arith.constant 16 : i32
    %mul3A_0 = arith.muli %arg0, %mul3A : i32
    %add3A = arith.addi %mul3A_0, %arg1 : i32
    %mul3A_1 = arith.constant 78 : i32
    %mul3A_2 = arith.muli %add3A, %mul3A_1 : i32
    %mul3A_3 = arith.constant 128 : i32
    %mul3A_4 = arith.muli %mul3A_2, %mul3A_3 : i32
    %multiple_of3A = tpu.assume_multiple %mul3A_4, 8 : i32
    %dma_start3A = tpu.memref_slice %arg3[%multiple_of3A] : memref<320000xi32, #tpu.memory_space<hbm>> -> memref<128xi32, #tpu.memory_space<hbm>>
    %dma_start3A_5 = tpu.memref_slice %arg3[%multiple_of3A] : memref<320000xi32, #tpu.memory_space<hbm>> -> memref<128xi32, #tpu.memory_space<hbm>>
    tpu.enqueue_dma source(%dma_start3A_5 : memref<128xi32, #tpu.memory_space<hbm>>) target(%arg7 : memref<128xi32, #tpu.memory_space<vmem>>) target_semaphore(%arg16 : memref<!tpu.dma_semaphore, #tpu.memory_space<semaphore_mem>>)
    %dma_start3A_6 = tpu.memref_slice %arg4[%multiple_of3A] : memref<320000xi32, #tpu.memory_space<hbm>> -> memref<128xi32, #tpu.memory_space<hbm>>
    %dma_start3A_7 = tpu.memref_slice %arg4[%multiple_of3A] : memref<320000xi32, #tpu.memory_space<hbm>> -> memref<128xi32, #tpu.memory_space<hbm>>
    tpu.enqueue_dma source(%dma_start3A_7 : memref<128xi32, #tpu.memory_space<hbm>>) target(%arg10 : memref<128xi32, #tpu.memory_space<vmem>>) target_semaphore(%arg19 : memref<!tpu.dma_semaphore, #tpu.memory_space<semaphore_mem>>)
    %add3A_8 = arith.constant 1 : i32
    %add3A_9 = arith.addi %mul3A_2, %add3A_8 : i32
    %mul3A_10 = arith.constant 128 : i32
    %mul3A_11 = arith.muli %add3A_9, %mul3A_10 : i32
    %multiple_of3A_12 = tpu.assume_multiple %mul3A_11, 8 : i32
    %dma_start3A_13 = tpu.memref_slice %arg3[%multiple_of3A_12] : memref<320000xi32, #tpu.memory_space<hbm>> -> memref<128xi32, #tpu.memory_space<hbm>>
    %dma_start3A_14 = tpu.memref_slice %arg3[%multiple_of3A_12] : memref<320000xi32, #tpu.memory_space<hbm>> -> memref<128xi32, #tpu.memory_space<hbm>>
    tpu.enqueue_dma source(%dma_start3A_14 : memref<128xi32, #tpu.memory_space<hbm>>) target(%arg8 : memref<128xi32, #tpu.memory_space<vmem>>) target_semaphore(%arg17 : memref<!tpu.dma_semaphore, #tpu.memory_space<semaphore_mem>>)
    %dma_start3A_15 = tpu.memref_slice %arg4[%multiple_of3A_12] : memref<320000xi32, #tpu.memory_space<hbm>> -> memref<128xi32, #tpu.memory_space<hbm>>
    %dma_start3A_16 = tpu.memref_slice %arg4[%multiple_of3A_12] : memref<320000xi32, #tpu.memory_space<hbm>> -> memref<128xi32, #tpu.memory_space<hbm>>
    tpu.enqueue_dma source(%dma_start3A_16 : memref<128xi32, #tpu.memory_space<hbm>>) target(%arg11 : memref<128xi32, #tpu.memory_space<vmem>>) target_semaphore(%arg20 : memref<!tpu.dma_semaphore, #tpu.memory_space<semaphore_mem>>)
    %dma_wait3A = arith.constant 0 : i32
    %dma_wait3A_17 = tpu.memref_slice %arg3[%dma_wait3A] : memref<320000xi32, #tpu.memory_space<hbm>> -> memref<128xi32, #tpu.memory_space<hbm>>
    %dma_wait3A_18 = arith.constant 0 : i32
    %dma_wait3A_19 = tpu.memref_slice %arg3[%dma_wait3A_18] : memref<320000xi32, #tpu.memory_space<hbm>> -> memref<128xi32, #tpu.memory_space<hbm>>
    tpu.wait_dma2 semaphore(%arg16 : memref<!tpu.dma_semaphore, #tpu.memory_space<semaphore_mem>>) src(%dma_wait3A_19 : memref<128xi32, #tpu.memory_space<hbm>>) dst(%arg7 : memref<128xi32, #tpu.memory_space<vmem>>)
    %dma_start3A_20 = arith.constant 0 : i32
    %dma_start3A_21 = arith.constant 0 : i32
    %dma_start3A_22 = tpu.memref_slice %arg2[%dma_start3A_20, %dma_start3A_21] : memref<10000x128xf32, #tpu.memory_space<hbm>> -> memref<10000x128xf32, #tpu.memory_space<hbm>>
    tpu.enqueue_indirect_dma source(%dma_start3A_22 : memref<10000x128xf32, #tpu.memory_space<hbm>>) target(%arg13 : memref<128x128xf32, #tpu.memory_space<vmem>>) offsets(%arg7 : memref<128xi32, #tpu.memory_space<vmem>>) semaphore(%arg22 : memref<!tpu.dma_semaphore, #tpu.memory_space<semaphore_mem>>)
    %mul3A_23 = arith.constant 624 : i32
    %mul3A_24 = arith.muli %arg1, %mul3A_23 : i32
    %mul3A_25 = arith.constant 624 : i32
    %mul3A_26 = arith.muli %arg1, %mul3A_25 : i32
    "tpu.region"() ({
      %run_scoped3A = tpu.sem_alloc : memref<!tpu.dma_semaphore, #tpu.memory_space<semaphore_mem>>
      %dma_start3A_48 = arith.constant 0 : i32
      %dma_start3A_49 = tpu.memref_slice %arg25[%mul3A_26, %dma_start3A_48] : memref<10000x128xf32, #tpu.memory_space<vmem_shared>> -> memref<624x128xf32, #tpu.memory_space<vmem_shared>>
      %dma_start3A_50 = arith.constant 0 : i32
      %dma_start3A_51 = tpu.memref_slice %arg5[%mul3A_24, %dma_start3A_50] : memref<10000x128xf32, #tpu.memory_space<hbm>> -> memref<624x128xf32, #tpu.memory_space<hbm>>
      tpu.enqueue_dma source(%dma_start3A_51 : memref<624x128xf32, #tpu.memory_space<hbm>>) target(%dma_start3A_49 : memref<624x128xf32, #tpu.memory_space<vmem_shared>>) target_semaphore(%run_scoped3A : memref<!tpu.dma_semaphore, #tpu.memory_space<semaphore_mem>>)
      %dma_wait3A_52 = arith.constant 0 : i32
      %dma_wait3A_53 = tpu.memref_slice %arg25[%mul3A_26, %dma_wait3A_52] : memref<10000x128xf32, #tpu.memory_space<vmem_shared>> -> memref<624x128xf32, #tpu.memory_space<vmem_shared>>
      %dma_wait3A_54 = arith.constant 0 : i32
      %dma_wait3A_55 = tpu.memref_slice %arg5[%mul3A_24, %dma_wait3A_54] : memref<10000x128xf32, #tpu.memory_space<hbm>> -> memref<624x128xf32, #tpu.memory_space<hbm>>
      tpu.wait_dma2 semaphore(%run_scoped3A : memref<!tpu.dma_semaphore, #tpu.memory_space<semaphore_mem>>) src(%dma_wait3A_55 : memref<624x128xf32, #tpu.memory_space<hbm>>) dst(%dma_wait3A_53 : memref<624x128xf32, #tpu.memory_space<vmem_shared>>)
      tpu.yield
    }) : () -> ()
    %eq3A = arith.constant 0 : i32
    %eq3A_27 = arith.cmpi eq, %arg1, %eq3A : i32
    %convert_element_type3A = arith.extui %eq3A_27 : i1 to i32
    %cond3A = arith.constant 0 : i32
    %cond3A_28 = arith.cmpi ne, %convert_element_type3A, %cond3A : i32
    scf.if %cond3A_28 {
      "tpu.region"() ({
        %run_scoped3A = tpu.sem_alloc : memref<!tpu.dma_semaphore, #tpu.memory_space<semaphore_mem>>
        %dma_start3A_48 = arith.constant 9984 : i32
        %dma_start3A_49 = arith.constant 0 : i32
        %dma_start3A_50 = tpu.memref_slice %arg25[%dma_start3A_48, %dma_start3A_49] : memref<10000x128xf32, #tpu.memory_space<vmem_shared>> -> memref<16x128xf32, #tpu.memory_space<vmem_shared>>
        %dma_start3A_51 = arith.constant 9984 : i32
        %dma_start3A_52 = arith.constant 0 : i32
        %dma_start3A_53 = tpu.memref_slice %arg5[%dma_start3A_51, %dma_start3A_52] : memref<10000x128xf32, #tpu.memory_space<hbm>> -> memref<16x128xf32, #tpu.memory_space<hbm>>
        tpu.enqueue_dma source(%dma_start3A_53 : memref<16x128xf32, #tpu.memory_space<hbm>>) target(%dma_start3A_50 : memref<16x128xf32, #tpu.memory_space<vmem_shared>>) target_semaphore(%run_scoped3A : memref<!tpu.dma_semaphore, #tpu.memory_space<semaphore_mem>>)
        %dma_wait3A_54 = arith.constant 9984 : i32
        %dma_wait3A_55 = arith.constant 0 : i32
        %dma_wait3A_56 = tpu.memref_slice %arg25[%dma_wait3A_54, %dma_wait3A_55] : memref<10000x128xf32, #tpu.memory_space<vmem_shared>> -> memref<16x128xf32, #tpu.memory_space<vmem_shared>>
        %dma_wait3A_57 = arith.constant 9984 : i32
        %dma_wait3A_58 = arith.constant 0 : i32
        %dma_wait3A_59 = tpu.memref_slice %arg5[%dma_wait3A_57, %dma_wait3A_58] : memref<10000x128xf32, #tpu.memory_space<hbm>> -> memref<16x128xf32, #tpu.memory_space<hbm>>
        tpu.wait_dma2 semaphore(%run_scoped3A : memref<!tpu.dma_semaphore, #tpu.memory_space<semaphore_mem>>) src(%dma_wait3A_59 : memref<16x128xf32, #tpu.memory_space<hbm>>) dst(%dma_wait3A_56 : memref<16x128xf32, #tpu.memory_space<vmem_shared>>)
        tpu.yield
      }) : () -> ()
    } else {
    }
    %barrier3A = arith.constant 0 : index
    tpu.barrier barrier_id(%barrier3A)
    %scan3A = arith.constant 0 : i32
    %scan3A_29 = arith.constant 0 : i32
    %scan3A_30 = arith.constant 26 : i32
    %scan3A_31 = arith.addi %scan3A_29, %scan3A_30 : i32
    %scan3A_32 = arith.constant 1 : i32
    scf.for %scan3A_48 = %scan3A_29 to %scan3A_31 step %scan3A_32  : i32 {
      %mul3A_49 = arith.constant 3 : i32
      %mul3A_50 = arith.muli %scan3A_48, %mul3A_49 : i32
      %add3A_51 = arith.constant 0 : i32
      %add3A_52 = arith.addi %mul3A_50, %add3A_51 : i32
      %add3A_53 = arith.constant 2 : i32
      %add3A_54 = arith.addi %add3A_52, %add3A_53 : i32
      %lt3A_55 = arith.constant 78 : i32
      %lt3A_56 = arith.cmpi slt, %add3A_54, %lt3A_55 : i32
      %convert_element_type3A_57 = arith.extui %lt3A_56 : i1 to i32
      %cond3A_58 = arith.constant 0 : i32
      %cond3A_59 = arith.cmpi ne, %convert_element_type3A_57, %cond3A_58 : i32
      scf.if %cond3A_59 {
        %add3A_124 = arith.addi %mul3A_2, %add3A_52 : i32
        %add3A_125 = arith.constant 2 : i32
        %add3A_126 = arith.addi %add3A_124, %add3A_125 : i32
        %mul3A_127 = arith.constant 128 : i32
        %mul3A_128 = arith.muli %add3A_126, %mul3A_127 : i32
        %multiple_of3A_129 = tpu.assume_multiple %mul3A_128, 8 : i32
        %dma_start3A_130 = tpu.memref_slice %arg3[%multiple_of3A_129] : memref<320000xi32, #tpu.memory_space<hbm>> -> memref<128xi32, #tpu.memory_space<hbm>>
        %dma_start3A_131 = tpu.memref_slice %arg3[%multiple_of3A_129] : memref<320000xi32, #tpu.memory_space<hbm>> -> memref<128xi32, #tpu.memory_space<hbm>>
        tpu.enqueue_dma source(%dma_start3A_131 : memref<128xi32, #tpu.memory_space<hbm>>) target(%arg9 : memref<128xi32, #tpu.memory_space<vmem>>) target_semaphore(%arg18 : memref<!tpu.dma_semaphore, #tpu.memory_space<semaphore_mem>>)
        %dma_start3A_132 = tpu.memref_slice %arg4[%multiple_of3A_129] : memref<320000xi32, #tpu.memory_space<hbm>> -> memref<128xi32, #tpu.memory_space<hbm>>
        %dma_start3A_133 = tpu.memref_slice %arg4[%multiple_of3A_129] : memref<320000xi32, #tpu.memory_space<hbm>> -> memref<128xi32, #tpu.memory_space<hbm>>
        tpu.enqueue_dma source(%dma_start3A_133 : memref<128xi32, #tpu.memory_space<hbm>>) target(%arg12 : memref<128xi32, #tpu.memory_space<vmem>>) target_semaphore(%arg21 : memref<!tpu.dma_semaphore, #tpu.memory_space<semaphore_mem>>)
      } else {
      }
      %add3A_60 = arith.constant 1 : i32
      %add3A_61 = arith.addi %add3A_52, %add3A_60 : i32
      %lt3A_62 = arith.constant 78 : i32
      %lt3A_63 = arith.cmpi slt, %add3A_61, %lt3A_62 : i32
      %convert_element_type3A_64 = arith.extui %lt3A_63 : i1 to i32
      %cond3A_65 = arith.constant 0 : i32
      %cond3A_66 = arith.cmpi ne, %convert_element_type3A_64, %cond3A_65 : i32
      scf.if %cond3A_66 {
        %dma_wait3A_124 = arith.constant 0 : i32
        %dma_wait3A_125 = tpu.memref_slice %arg3[%dma_wait3A_124] : memref<320000xi32, #tpu.memory_space<hbm>> -> memref<128xi32, #tpu.memory_space<hbm>>
        %dma_wait3A_126 = arith.constant 0 : i32
        %dma_wait3A_127 = tpu.memref_slice %arg3[%dma_wait3A_126] : memref<320000xi32, #tpu.memory_space<hbm>> -> memref<128xi32, #tpu.memory_space<hbm>>
        tpu.wait_dma2 semaphore(%arg17 : memref<!tpu.dma_semaphore, #tpu.memory_space<semaphore_mem>>) src(%dma_wait3A_127 : memref<128xi32, #tpu.memory_space<hbm>>) dst(%arg8 : memref<128xi32, #tpu.memory_space<vmem>>)
        %dma_start3A_128 = arith.constant 0 : i32
        %dma_start3A_129 = arith.constant 0 : i32
        %dma_start3A_130 = tpu.memref_slice %arg2[%dma_start3A_128, %dma_start3A_129] : memref<10000x128xf32, #tpu.memory_space<hbm>> -> memref<10000x128xf32, #tpu.memory_space<hbm>>
        tpu.enqueue_indirect_dma source(%dma_start3A_130 : memref<10000x128xf32, #tpu.memory_space<hbm>>) target(%arg14 : memref<128x128xf32, #tpu.memory_space<vmem>>) offsets(%arg8 : memref<128xi32, #tpu.memory_space<vmem>>) semaphore(%arg23 : memref<!tpu.dma_semaphore, #tpu.memory_space<semaphore_mem>>)
      } else {
      }
      %dma_wait3A_67 = arith.constant 0 : i32
      %dma_wait3A_68 = arith.constant 0 : i32
      %dma_wait3A_69 = tpu.memref_slice %arg2[%dma_wait3A_67, %dma_wait3A_68] : memref<10000x128xf32, #tpu.memory_space<hbm>> -> memref<10000x128xf32, #tpu.memory_space<hbm>>
      tpu.wait_indirect_dma semaphore(%arg22 : memref<!tpu.dma_semaphore, #tpu.memory_space<semaphore_mem>>) src(%dma_wait3A_69 : memref<10000x128xf32, #tpu.memory_space<hbm>>) dst(%arg13 : memref<128x128xf32, #tpu.memory_space<vmem>>)
      %dma_wait3A_70 = arith.constant 0 : i32
      %dma_wait3A_71 = tpu.memref_slice %arg4[%dma_wait3A_70] : memref<320000xi32, #tpu.memory_space<hbm>> -> memref<128xi32, #tpu.memory_space<hbm>>
      %dma_wait3A_72 = arith.constant 0 : i32
      %dma_wait3A_73 = tpu.memref_slice %arg4[%dma_wait3A_72] : memref<320000xi32, #tpu.memory_space<hbm>> -> memref<128xi32, #tpu.memory_space<hbm>>
      tpu.wait_dma2 semaphore(%arg19 : memref<!tpu.dma_semaphore, #tpu.memory_space<semaphore_mem>>) src(%dma_wait3A_73 : memref<128xi32, #tpu.memory_space<hbm>>) dst(%arg10 : memref<128xi32, #tpu.memory_space<vmem>>)
      "tpu.region"() ({
        %run_scoped3A = tpu.sem_alloc : memref<!tpu.dma_semaphore, #tpu.memory_space<semaphore_mem>>
        %dma_start3A_124 = arith.constant 0 : i32
        %dma_start3A_125 = arith.constant 0 : i32
        %dma_start3A_126 = tpu.memref_slice %arg25[%dma_start3A_124, %dma_start3A_125] : memref<10000x128xf32, #tpu.memory_space<vmem_shared>> -> memref<10000x128xf32, #tpu.memory_space<vmem_shared>>
        tpu.enqueue_indirect_dma source(%arg13 : memref<128x128xf32, #tpu.memory_space<vmem>>) target(%dma_start3A_126 : memref<10000x128xf32, #tpu.memory_space<vmem_shared>>) offsets(%arg10 : memref<128xi32, #tpu.memory_space<vmem>>) semaphore(%run_scoped3A : memref<!tpu.dma_semaphore, #tpu.memory_space<semaphore_mem>>) {add = true}
        %dma_wait3A_127 = arith.constant 0 : i32
        %dma_wait3A_128 = arith.constant 0 : i32
        %dma_wait3A_129 = tpu.memref_slice %arg25[%dma_wait3A_127, %dma_wait3A_128] : memref<10000x128xf32, #tpu.memory_space<vmem_shared>> -> memref<10000x128xf32, #tpu.memory_space<vmem_shared>>
        tpu.wait_indirect_dma semaphore(%run_scoped3A : memref<!tpu.dma_semaphore, #tpu.memory_space<semaphore_mem>>) src(%arg13 : memref<128x128xf32, #tpu.memory_space<vmem>>) dst(%dma_wait3A_129 : memref<10000x128xf32, #tpu.memory_space<vmem_shared>>)
        tpu.yield
      }) : () -> ()
      %mul3A_74 = arith.constant 3 : i32
      %mul3A_75 = arith.muli %scan3A_48, %mul3A_74 : i32
      %add3A_76 = arith.constant 1 : i32
      %add3A_77 = arith.addi %mul3A_75, %add3A_76 : i32
      %add3A_78 = arith.constant 2 : i32
      %add3A_79 = arith.addi %add3A_77, %add3A_78 : i32
      %lt3A_80 = arith.constant 78 : i32
      %lt3A_81 = arith.cmpi slt, %add3A_79, %lt3A_80 : i32
      %convert_element_type3A_82 = arith.extui %lt3A_81 : i1 to i32
      %cond3A_83 = arith.constant 0 : i32
      %cond3A_84 = arith.cmpi ne, %convert_element_type3A_82, %cond3A_83 : i32
      scf.if %cond3A_84 {
        %add3A_124 = arith.addi %mul3A_2, %add3A_77 : i32
        %add3A_125 = arith.constant 2 : i32
        %add3A_126 = arith.addi %add3A_124, %add3A_125 : i32
        %mul3A_127 = arith.constant 128 : i32
        %mul3A_128 = arith.muli %add3A_126, %mul3A_127 : i32
        %multiple_of3A_129 = tpu.assume_multiple %mul3A_128, 8 : i32
        %dma_start3A_130 = tpu.memref_slice %arg3[%multiple_of3A_129] : memref<320000xi32, #tpu.memory_space<hbm>> -> memref<128xi32, #tpu.memory_space<hbm>>
        %dma_start3A_131 = tpu.memref_slice %arg3[%multiple_of3A_129] : memref<320000xi32, #tpu.memory_space<hbm>> -> memref<128xi32, #tpu.memory_space<hbm>>
        tpu.enqueue_dma source(%dma_start3A_131 : memref<128xi32, #tpu.memory_space<hbm>>) target(%arg7 : memref<128xi32, #tpu.memory_space<vmem>>) target_semaphore(%arg16 : memref<!tpu.dma_semaphore, #tpu.memory_space<semaphore_mem>>)
        %dma_start3A_132 = tpu.memref_slice %arg4[%multiple_of3A_129] : memref<320000xi32, #tpu.memory_space<hbm>> -> memref<128xi32, #tpu.memory_space<hbm>>
        %dma_start3A_133 = tpu.memref_slice %arg4[%multiple_of3A_129] : memref<320000xi32, #tpu.memory_space<hbm>> -> memref<128xi32, #tpu.memory_space<hbm>>
        tpu.enqueue_dma source(%dma_start3A_133 : memref<128xi32, #tpu.memory_space<hbm>>) target(%arg10 : memref<128xi32, #tpu.memory_space<vmem>>) target_semaphore(%arg19 : memref<!tpu.dma_semaphore, #tpu.memory_space<semaphore_mem>>)
      } else {
      }
      %add3A_85 = arith.constant 1 : i32
      %add3A_86 = arith.addi %add3A_77, %add3A_85 : i32
      %lt3A_87 = arith.constant 78 : i32
      %lt3A_88 = arith.cmpi slt, %add3A_86, %lt3A_87 : i32
      %convert_element_type3A_89 = arith.extui %lt3A_88 : i1 to i32
      %cond3A_90 = arith.constant 0 : i32
      %cond3A_91 = arith.cmpi ne, %convert_element_type3A_89, %cond3A_90 : i32
      scf.if %cond3A_91 {
        %dma_wait3A_124 = arith.constant 0 : i32
        %dma_wait3A_125 = tpu.memref_slice %arg3[%dma_wait3A_124] : memref<320000xi32, #tpu.memory_space<hbm>> -> memref<128xi32, #tpu.memory_space<hbm>>
        %dma_wait3A_126 = arith.constant 0 : i32
        %dma_wait3A_127 = tpu.memref_slice %arg3[%dma_wait3A_126] : memref<320000xi32, #tpu.memory_space<hbm>> -> memref<128xi32, #tpu.memory_space<hbm>>
        tpu.wait_dma2 semaphore(%arg18 : memref<!tpu.dma_semaphore, #tpu.memory_space<semaphore_mem>>) src(%dma_wait3A_127 : memref<128xi32, #tpu.memory_space<hbm>>) dst(%arg9 : memref<128xi32, #tpu.memory_space<vmem>>)
        %dma_start3A_128 = arith.constant 0 : i32
        %dma_start3A_129 = arith.constant 0 : i32
        %dma_start3A_130 = tpu.memref_slice %arg2[%dma_start3A_128, %dma_start3A_129] : memref<10000x128xf32, #tpu.memory_space<hbm>> -> memref<10000x128xf32, #tpu.memory_space<hbm>>
        tpu.enqueue_indirect_dma source(%dma_start3A_130 : memref<10000x128xf32, #tpu.memory_space<hbm>>) target(%arg15 : memref<128x128xf32, #tpu.memory_space<vmem>>) offsets(%arg9 : memref<128xi32, #tpu.memory_space<vmem>>) semaphore(%arg24 : memref<!tpu.dma_semaphore, #tpu.memory_space<semaphore_mem>>)
      } else {
      }
      %dma_wait3A_92 = arith.constant 0 : i32
      %dma_wait3A_93 = arith.constant 0 : i32
      %dma_wait3A_94 = tpu.memref_slice %arg2[%dma_wait3A_92, %dma_wait3A_93] : memref<10000x128xf32, #tpu.memory_space<hbm>> -> memref<10000x128xf32, #tpu.memory_space<hbm>>
      tpu.wait_indirect_dma semaphore(%arg23 : memref<!tpu.dma_semaphore, #tpu.memory_space<semaphore_mem>>) src(%dma_wait3A_94 : memref<10000x128xf32, #tpu.memory_space<hbm>>) dst(%arg14 : memref<128x128xf32, #tpu.memory_space<vmem>>)
      %dma_wait3A_95 = arith.constant 0 : i32
      %dma_wait3A_96 = tpu.memref_slice %arg4[%dma_wait3A_95] : memref<320000xi32, #tpu.memory_space<hbm>> -> memref<128xi32, #tpu.memory_space<hbm>>
      %dma_wait3A_97 = arith.constant 0 : i32
      %dma_wait3A_98 = tpu.memref_slice %arg4[%dma_wait3A_97] : memref<320000xi32, #tpu.memory_space<hbm>> -> memref<128xi32, #tpu.memory_space<hbm>>
      tpu.wait_dma2 semaphore(%arg20 : memref<!tpu.dma_semaphore, #tpu.memory_space<semaphore_mem>>) src(%dma_wait3A_98 : memref<128xi32, #tpu.memory_space<hbm>>) dst(%arg11 : memref<128xi32, #tpu.memory_space<vmem>>)
      "tpu.region"() ({
        %run_scoped3A = tpu.sem_alloc : memref<!tpu.dma_semaphore, #tpu.memory_space<semaphore_mem>>
        %dma_start3A_124 = arith.constant 0 : i32
        %dma_start3A_125 = arith.constant 0 : i32
        %dma_start3A_126 = tpu.memref_slice %arg25[%dma_start3A_124, %dma_start3A_125] : memref<10000x128xf32, #tpu.memory_space<vmem_shared>> -> memref<10000x128xf32, #tpu.memory_space<vmem_shared>>
        tpu.enqueue_indirect_dma source(%arg14 : memref<128x128xf32, #tpu.memory_space<vmem>>) target(%dma_start3A_126 : memref<10000x128xf32, #tpu.memory_space<vmem_shared>>) offsets(%arg11 : memref<128xi32, #tpu.memory_space<vmem>>) semaphore(%run_scoped3A : memref<!tpu.dma_semaphore, #tpu.memory_space<semaphore_mem>>) {add = true}
        %dma_wait3A_127 = arith.constant 0 : i32
        %dma_wait3A_128 = arith.constant 0 : i32
        %dma_wait3A_129 = tpu.memref_slice %arg25[%dma_wait3A_127, %dma_wait3A_128] : memref<10000x128xf32, #tpu.memory_space<vmem_shared>> -> memref<10000x128xf32, #tpu.memory_space<vmem_shared>>
        tpu.wait_indirect_dma semaphore(%run_scoped3A : memref<!tpu.dma_semaphore, #tpu.memory_space<semaphore_mem>>) src(%arg14 : memref<128x128xf32, #tpu.memory_space<vmem>>) dst(%dma_wait3A_129 : memref<10000x128xf32, #tpu.memory_space<vmem_shared>>)
        tpu.yield
      }) : () -> ()
      %mul3A_99 = arith.constant 3 : i32
      %mul3A_100 = arith.muli %scan3A_48, %mul3A_99 : i32
      %add3A_101 = arith.constant 2 : i32
      %add3A_102 = arith.addi %mul3A_100, %add3A_101 : i32
      %add3A_103 = arith.constant 2 : i32
      %add3A_104 = arith.addi %add3A_102, %add3A_103 : i32
      %lt3A_105 = arith.constant 78 : i32
      %lt3A_106 = arith.cmpi slt, %add3A_104, %lt3A_105 : i32
      %convert_element_type3A_107 = arith.extui %lt3A_106 : i1 to i32
      %cond3A_108 = arith.constant 0 : i32
      %cond3A_109 = arith.cmpi ne, %convert_element_type3A_107, %cond3A_108 : i32
      scf.if %cond3A_109 {
        %add3A_124 = arith.addi %mul3A_2, %add3A_102 : i32
        %add3A_125 = arith.constant 2 : i32
        %add3A_126 = arith.addi %add3A_124, %add3A_125 : i32
        %mul3A_127 = arith.constant 128 : i32
        %mul3A_128 = arith.muli %add3A_126, %mul3A_127 : i32
        %multiple_of3A_129 = tpu.assume_multiple %mul3A_128, 8 : i32
        %dma_start3A_130 = tpu.memref_slice %arg3[%multiple_of3A_129] : memref<320000xi32, #tpu.memory_space<hbm>> -> memref<128xi32, #tpu.memory_space<hbm>>
        %dma_start3A_131 = tpu.memref_slice %arg3[%multiple_of3A_129] : memref<320000xi32, #tpu.memory_space<hbm>> -> memref<128xi32, #tpu.memory_space<hbm>>
        tpu.enqueue_dma source(%dma_start3A_131 : memref<128xi32, #tpu.memory_space<hbm>>) target(%arg8 : memref<128xi32, #tpu.memory_space<vmem>>) target_semaphore(%arg17 : memref<!tpu.dma_semaphore, #tpu.memory_space<semaphore_mem>>)
        %dma_start3A_132 = tpu.memref_slice %arg4[%multiple_of3A_129] : memref<320000xi32, #tpu.memory_space<hbm>> -> memref<128xi32, #tpu.memory_space<hbm>>
        %dma_start3A_133 = tpu.memref_slice %arg4[%multiple_of3A_129] : memref<320000xi32, #tpu.memory_space<hbm>> -> memref<128xi32, #tpu.memory_space<hbm>>
        tpu.enqueue_dma source(%dma_start3A_133 : memref<128xi32, #tpu.memory_space<hbm>>) target(%arg11 : memref<128xi32, #tpu.memory_space<vmem>>) target_semaphore(%arg20 : memref<!tpu.dma_semaphore, #tpu.memory_space<semaphore_mem>>)
      } else {
      }
      %add3A_110 = arith.constant 1 : i32
      %add3A_111 = arith.addi %add3A_102, %add3A_110 : i32
      %lt3A_112 = arith.constant 78 : i32
      %lt3A_113 = arith.cmpi slt, %add3A_111, %lt3A_112 : i32
      %convert_element_type3A_114 = arith.extui %lt3A_113 : i1 to i32
      %cond3A_115 = arith.constant 0 : i32
      %cond3A_116 = arith.cmpi ne, %convert_element_type3A_114, %cond3A_115 : i32
      scf.if %cond3A_116 {
        %dma_wait3A_124 = arith.constant 0 : i32
        %dma_wait3A_125 = tpu.memref_slice %arg3[%dma_wait3A_124] : memref<320000xi32, #tpu.memory_space<hbm>> -> memref<128xi32, #tpu.memory_space<hbm>>
        %dma_wait3A_126 = arith.constant 0 : i32
        %dma_wait3A_127 = tpu.memref_slice %arg3[%dma_wait3A_126] : memref<320000xi32, #tpu.memory_space<hbm>> -> memref<128xi32, #tpu.memory_space<hbm>>
        tpu.wait_dma2 semaphore(%arg16 : memref<!tpu.dma_semaphore, #tpu.memory_space<semaphore_mem>>) src(%dma_wait3A_127 : memref<128xi32, #tpu.memory_space<hbm>>) dst(%arg7 : memref<128xi32, #tpu.memory_space<vmem>>)
        %dma_start3A_128 = arith.constant 0 : i32
        %dma_start3A_129 = arith.constant 0 : i32
        %dma_start3A_130 = tpu.memref_slice %arg2[%dma_start3A_128, %dma_start3A_129] : memref<10000x128xf32, #tpu.memory_space<hbm>> -> memref<10000x128xf32, #tpu.memory_space<hbm>>
        tpu.enqueue_indirect_dma source(%dma_start3A_130 : memref<10000x128xf32, #tpu.memory_space<hbm>>) target(%arg13 : memref<128x128xf32, #tpu.memory_space<vmem>>) offsets(%arg7 : memref<128xi32, #tpu.memory_space<vmem>>) semaphore(%arg22 : memref<!tpu.dma_semaphore, #tpu.memory_space<semaphore_mem>>)
      } else {
      }
      %dma_wait3A_117 = arith.constant 0 : i32
      %dma_wait3A_118 = arith.constant 0 : i32
      %dma_wait3A_119 = tpu.memref_slice %arg2[%dma_wait3A_117, %dma_wait3A_118] : memref<10000x128xf32, #tpu.memory_space<hbm>> -> memref<10000x128xf32, #tpu.memory_space<hbm>>
      tpu.wait_indirect_dma semaphore(%arg24 : memref<!tpu.dma_semaphore, #tpu.memory_space<semaphore_mem>>) src(%dma_wait3A_119 : memref<10000x128xf32, #tpu.memory_space<hbm>>) dst(%arg15 : memref<128x128xf32, #tpu.memory_space<vmem>>)
      %dma_wait3A_120 = arith.constant 0 : i32
      %dma_wait3A_121 = tpu.memref_slice %arg4[%dma_wait3A_120] : memref<320000xi32, #tpu.memory_space<hbm>> -> memref<128xi32, #tpu.memory_space<hbm>>
      %dma_wait3A_122 = arith.constant 0 : i32
      %dma_wait3A_123 = tpu.memref_slice %arg4[%dma_wait3A_122] : memref<320000xi32, #tpu.memory_space<hbm>> -> memref<128xi32, #tpu.memory_space<hbm>>
      tpu.wait_dma2 semaphore(%arg21 : memref<!tpu.dma_semaphore, #tpu.memory_space<semaphore_mem>>) src(%dma_wait3A_123 : memref<128xi32, #tpu.memory_space<hbm>>) dst(%arg12 : memref<128xi32, #tpu.memory_space<vmem>>)
      "tpu.region"() ({
        %run_scoped3A = tpu.sem_alloc : memref<!tpu.dma_semaphore, #tpu.memory_space<semaphore_mem>>
        %dma_start3A_124 = arith.constant 0 : i32
        %dma_start3A_125 = arith.constant 0 : i32
        %dma_start3A_126 = tpu.memref_slice %arg25[%dma_start3A_124, %dma_start3A_125] : memref<10000x128xf32, #tpu.memory_space<vmem_shared>> -> memref<10000x128xf32, #tpu.memory_space<vmem_shared>>
        tpu.enqueue_indirect_dma source(%arg15 : memref<128x128xf32, #tpu.memory_space<vmem>>) target(%dma_start3A_126 : memref<10000x128xf32, #tpu.memory_space<vmem_shared>>) offsets(%arg12 : memref<128xi32, #tpu.memory_space<vmem>>) semaphore(%run_scoped3A : memref<!tpu.dma_semaphore, #tpu.memory_space<semaphore_mem>>) {add = true}
        %dma_wait3A_127 = arith.constant 0 : i32
        %dma_wait3A_128 = arith.constant 0 : i32
        %dma_wait3A_129 = tpu.memref_slice %arg25[%dma_wait3A_127, %dma_wait3A_128] : memref<10000x128xf32, #tpu.memory_space<vmem_shared>> -> memref<10000x128xf32, #tpu.memory_space<vmem_shared>>
        tpu.wait_indirect_dma semaphore(%run_scoped3A : memref<!tpu.dma_semaphore, #tpu.memory_space<semaphore_mem>>) src(%arg15 : memref<128x128xf32, #tpu.memory_space<vmem>>) dst(%dma_wait3A_129 : memref<10000x128xf32, #tpu.memory_space<vmem_shared>>)
        tpu.yield
      }) : () -> ()
    }
    %scan3A_33 = arith.constant 26 : i32
    %lt3A = arith.constant 4 : i32
    %lt3A_34 = arith.cmpi slt, %add3A, %lt3A : i32
    %convert_element_type3A_35 = arith.extui %lt3A_34 : i1 to i32
    %cond3A_36 = arith.constant 0 : i32
    %cond3A_37 = arith.cmpi ne, %convert_element_type3A_35, %cond3A_36 : i32
    scf.if %cond3A_37 {
      %add3A_48 = arith.constant 2496 : i32
      %add3A_49 = arith.addi %add3A_48, %add3A : i32
      %mul3A_50 = arith.constant 128 : i32
      %mul3A_51 = arith.muli %add3A_49, %mul3A_50 : i32
      %multiple_of3A_52 = tpu.assume_multiple %mul3A_51, 8 : i32
      %dma_start3A_53 = tpu.memref_slice %arg3[%multiple_of3A_52] : memref<320000xi32, #tpu.memory_space<hbm>> -> memref<128xi32, #tpu.memory_space<hbm>>
      %dma_start3A_54 = tpu.memref_slice %arg3[%multiple_of3A_52] : memref<320000xi32, #tpu.memory_space<hbm>> -> memref<128xi32, #tpu.memory_space<hbm>>
      tpu.enqueue_dma source(%dma_start3A_54 : memref<128xi32, #tpu.memory_space<hbm>>) target(%arg7 : memref<128xi32, #tpu.memory_space<vmem>>) target_semaphore(%arg16 : memref<!tpu.dma_semaphore, #tpu.memory_space<semaphore_mem>>)
      %dma_start3A_55 = tpu.memref_slice %arg4[%multiple_of3A_52] : memref<320000xi32, #tpu.memory_space<hbm>> -> memref<128xi32, #tpu.memory_space<hbm>>
      %dma_start3A_56 = tpu.memref_slice %arg4[%multiple_of3A_52] : memref<320000xi32, #tpu.memory_space<hbm>> -> memref<128xi32, #tpu.memory_space<hbm>>
      tpu.enqueue_dma source(%dma_start3A_56 : memref<128xi32, #tpu.memory_space<hbm>>) target(%arg10 : memref<128xi32, #tpu.memory_space<vmem>>) target_semaphore(%arg19 : memref<!tpu.dma_semaphore, #tpu.memory_space<semaphore_mem>>)
      %dma_wait3A_57 = arith.constant 0 : i32
      %dma_wait3A_58 = tpu.memref_slice %arg3[%dma_wait3A_57] : memref<320000xi32, #tpu.memory_space<hbm>> -> memref<128xi32, #tpu.memory_space<hbm>>
      %dma_wait3A_59 = arith.constant 0 : i32
      %dma_wait3A_60 = tpu.memref_slice %arg3[%dma_wait3A_59] : memref<320000xi32, #tpu.memory_space<hbm>> -> memref<128xi32, #tpu.memory_space<hbm>>
      tpu.wait_dma2 semaphore(%arg16 : memref<!tpu.dma_semaphore, #tpu.memory_space<semaphore_mem>>) src(%dma_wait3A_60 : memref<128xi32, #tpu.memory_space<hbm>>) dst(%arg7 : memref<128xi32, #tpu.memory_space<vmem>>)
      %dma_start3A_61 = arith.constant 0 : i32
      %dma_start3A_62 = arith.constant 0 : i32
      %dma_start3A_63 = tpu.memref_slice %arg2[%dma_start3A_61, %dma_start3A_62] : memref<10000x128xf32, #tpu.memory_space<hbm>> -> memref<10000x128xf32, #tpu.memory_space<hbm>>
      tpu.enqueue_indirect_dma source(%dma_start3A_63 : memref<10000x128xf32, #tpu.memory_space<hbm>>) target(%arg13 : memref<128x128xf32, #tpu.memory_space<vmem>>) offsets(%arg7 : memref<128xi32, #tpu.memory_space<vmem>>) semaphore(%arg22 : memref<!tpu.dma_semaphore, #tpu.memory_space<semaphore_mem>>)
      %dma_wait3A_64 = arith.constant 0 : i32
      %dma_wait3A_65 = arith.constant 0 : i32
      %dma_wait3A_66 = tpu.memref_slice %arg2[%dma_wait3A_64, %dma_wait3A_65] : memref<10000x128xf32, #tpu.memory_space<hbm>> -> memref<10000x128xf32, #tpu.memory_space<hbm>>
      tpu.wait_indirect_dma semaphore(%arg22 : memref<!tpu.dma_semaphore, #tpu.memory_space<semaphore_mem>>) src(%dma_wait3A_66 : memref<10000x128xf32, #tpu.memory_space<hbm>>) dst(%arg13 : memref<128x128xf32, #tpu.memory_space<vmem>>)
      %dma_wait3A_67 = arith.constant 0 : i32
      %dma_wait3A_68 = tpu.memref_slice %arg4[%dma_wait3A_67] : memref<320000xi32, #tpu.memory_space<hbm>> -> memref<128xi32, #tpu.memory_space<hbm>>
      %dma_wait3A_69 = arith.constant 0 : i32
      %dma_wait3A_70 = tpu.memref_slice %arg4[%dma_wait3A_69] : memref<320000xi32, #tpu.memory_space<hbm>> -> memref<128xi32, #tpu.memory_space<hbm>>
      tpu.wait_dma2 semaphore(%arg19 : memref<!tpu.dma_semaphore, #tpu.memory_space<semaphore_mem>>) src(%dma_wait3A_70 : memref<128xi32, #tpu.memory_space<hbm>>) dst(%arg10 : memref<128xi32, #tpu.memory_space<vmem>>)
      "tpu.region"() ({
        %run_scoped3A = tpu.sem_alloc : memref<!tpu.dma_semaphore, #tpu.memory_space<semaphore_mem>>
        %dma_start3A_71 = arith.constant 0 : i32
        %dma_start3A_72 = arith.constant 0 : i32
        %dma_start3A_73 = tpu.memref_slice %arg25[%dma_start3A_71, %dma_start3A_72] : memref<10000x128xf32, #tpu.memory_space<vmem_shared>> -> memref<10000x128xf32, #tpu.memory_space<vmem_shared>>
        tpu.enqueue_indirect_dma source(%arg13 : memref<128x128xf32, #tpu.memory_space<vmem>>) target(%dma_start3A_73 : memref<10000x128xf32, #tpu.memory_space<vmem_shared>>) offsets(%arg10 : memref<128xi32, #tpu.memory_space<vmem>>) semaphore(%run_scoped3A : memref<!tpu.dma_semaphore, #tpu.memory_space<semaphore_mem>>) {add = true}
        %dma_wait3A_74 = arith.constant 0 : i32
        %dma_wait3A_75 = arith.constant 0 : i32
        %dma_wait3A_76 = tpu.memref_slice %arg25[%dma_wait3A_74, %dma_wait3A_75] : memref<10000x128xf32, #tpu.memory_space<vmem_shared>> -> memref<10000x128xf32, #tpu.memory_space<vmem_shared>>
        tpu.wait_indirect_dma semaphore(%run_scoped3A : memref<!tpu.dma_semaphore, #tpu.memory_space<semaphore_mem>>) src(%arg13 : memref<128x128xf32, #tpu.memory_space<vmem>>) dst(%dma_wait3A_76 : memref<10000x128xf32, #tpu.memory_space<vmem_shared>>)
        tpu.yield
      }) : () -> ()
    } else {
    }
    %barrier3A_38 = arith.constant 0 : index
    tpu.barrier barrier_id(%barrier3A_38)
    %mul3A_39 = arith.constant 624 : i32
    %mul3A_40 = arith.muli %arg1, %mul3A_39 : i32
    %mul3A_41 = arith.constant 624 : i32
    %mul3A_42 = arith.muli %arg1, %mul3A_41 : i32
    "tpu.region"() ({
      %run_scoped3A = tpu.sem_alloc : memref<!tpu.dma_semaphore, #tpu.memory_space<semaphore_mem>>
      %dma_start3A_48 = arith.constant 0 : i32
      %dma_start3A_49 = arith.constant 0 : i32
      %dma_start3A_50 = tpu.memref_slice %arg6[%arg0, %dma_start3A_48, %dma_start3A_49] : memref<2x10000x128xf32, #tpu.memory_space<hbm>> -> memref<1x10000x128xf32, #tpu.memory_space<hbm>>
      %dma_start3A_51 = tpu.memref_squeeze %dma_start3A_50 : memref<1x10000x128xf32, #tpu.memory_space<hbm>> -> memref<10000x128xf32, #tpu.memory_space<hbm>>
      %dma_start3A_52 = arith.constant 0 : i32
      %dma_start3A_53 = tpu.memref_slice %dma_start3A_51[%mul3A_42, %dma_start3A_52] : memref<10000x128xf32, #tpu.memory_space<hbm>> -> memref<624x128xf32, #tpu.memory_space<hbm>>
      %dma_start3A_54 = arith.constant 0 : i32
      %dma_start3A_55 = tpu.memref_slice %arg25[%mul3A_40, %dma_start3A_54] : memref<10000x128xf32, #tpu.memory_space<vmem_shared>> -> memref<624x128xf32, #tpu.memory_space<vmem_shared>>
      tpu.enqueue_dma source(%dma_start3A_55 : memref<624x128xf32, #tpu.memory_space<vmem_shared>>) target(%dma_start3A_53 : memref<624x128xf32, #tpu.memory_space<hbm>>) target_semaphore(%run_scoped3A : memref<!tpu.dma_semaphore, #tpu.memory_space<semaphore_mem>>)
      %dma_wait3A_56 = arith.constant 0 : i32
      %dma_wait3A_57 = arith.constant 0 : i32
      %dma_wait3A_58 = tpu.memref_slice %arg6[%arg0, %dma_wait3A_56, %dma_wait3A_57] : memref<2x10000x128xf32, #tpu.memory_space<hbm>> -> memref<1x10000x128xf32, #tpu.memory_space<hbm>>
      %dma_wait3A_59 = tpu.memref_squeeze %dma_wait3A_58 : memref<1x10000x128xf32, #tpu.memory_space<hbm>> -> memref<10000x128xf32, #tpu.memory_space<hbm>>
      %dma_wait3A_60 = arith.constant 0 : i32
      %dma_wait3A_61 = tpu.memref_slice %dma_wait3A_59[%mul3A_42, %dma_wait3A_60] : memref<10000x128xf32, #tpu.memory_space<hbm>> -> memref<624x128xf32, #tpu.memory_space<hbm>>
      %dma_wait3A_62 = arith.constant 0 : i32
      %dma_wait3A_63 = tpu.memref_slice %arg25[%mul3A_40, %dma_wait3A_62] : memref<10000x128xf32, #tpu.memory_space<vmem_shared>> -> memref<624x128xf32, #tpu.memory_space<vmem_shared>>
      tpu.wait_dma2 semaphore(%run_scoped3A : memref<!tpu.dma_semaphore, #tpu.memory_space<semaphore_mem>>) src(%dma_wait3A_63 : memref<624x128xf32, #tpu.memory_space<vmem_shared>>) dst(%dma_wait3A_61 : memref<624x128xf32, #tpu.memory_space<hbm>>)
      tpu.yield
    }) : () -> ()
    %eq3A_43 = arith.constant 0 : i32
    %eq3A_44 = arith.cmpi eq, %arg1, %eq3A_43 : i32
    %convert_element_type3A_45 = arith.extui %eq3A_44 : i1 to i32
    %cond3A_46 = arith.constant 0 : i32
    %cond3A_47 = arith.cmpi ne, %convert_element_type3A_45, %cond3A_46 : i32
    scf.if %cond3A_47 {
      "tpu.region"() ({
        %run_scoped3A = tpu.sem_alloc : memref<!tpu.dma_semaphore, #tpu.memory_space<semaphore_mem>>
        %dma_start3A_48 = arith.constant 0 : i32
        %dma_start3A_49 = arith.constant 0 : i32
        %dma_start3A_50 = tpu.memref_slice %arg6[%arg0, %dma_start3A_48, %dma_start3A_49] : memref<2x10000x128xf32, #tpu.memory_space<hbm>> -> memref<1x10000x128xf32, #tpu.memory_space<hbm>>
        %dma_start3A_51 = tpu.memref_squeeze %dma_start3A_50 : memref<1x10000x128xf32, #tpu.memory_space<hbm>> -> memref<10000x128xf32, #tpu.memory_space<hbm>>
        %dma_start3A_52 = arith.constant 9984 : i32
        %dma_start3A_53 = arith.constant 0 : i32
        %dma_start3A_54 = tpu.memref_slice %dma_start3A_51[%dma_start3A_52, %dma_start3A_53] : memref<10000x128xf32, #tpu.memory_space<hbm>> -> memref<16x128xf32, #tpu.memory_space<hbm>>
        %dma_start3A_55 = arith.constant 9984 : i32
        %dma_start3A_56 = arith.constant 0 : i32
        %dma_start3A_57 = tpu.memref_slice %arg25[%dma_start3A_55, %dma_start3A_56] : memref<10000x128xf32, #tpu.memory_space<vmem_shared>> -> memref<16x128xf32, #tpu.memory_space<vmem_shared>>
        tpu.enqueue_dma source(%dma_start3A_57 : memref<16x128xf32, #tpu.memory_space<vmem_shared>>) target(%dma_start3A_54 : memref<16x128xf32, #tpu.memory_space<hbm>>) target_semaphore(%run_scoped3A : memref<!tpu.dma_semaphore, #tpu.memory_space<semaphore_mem>>)
        %dma_wait3A_58 = arith.constant 0 : i32
        %dma_wait3A_59 = arith.constant 0 : i32
        %dma_wait3A_60 = tpu.memref_slice %arg6[%arg0, %dma_wait3A_58, %dma_wait3A_59] : memref<2x10000x128xf32, #tpu.memory_space<hbm>> -> memref<1x10000x128xf32, #tpu.memory_space<hbm>>
        %dma_wait3A_61 = tpu.memref_squeeze %dma_wait3A_60 : memref<1x10000x128xf32, #tpu.memory_space<hbm>> -> memref<10000x128xf32, #tpu.memory_space<hbm>>
        %dma_wait3A_62 = arith.constant 9984 : i32
        %dma_wait3A_63 = arith.constant 0 : i32
        %dma_wait3A_64 = tpu.memref_slice %dma_wait3A_61[%dma_wait3A_62, %dma_wait3A_63] : memref<10000x128xf32, #tpu.memory_space<hbm>> -> memref<16x128xf32, #tpu.memory_space<hbm>>
        %dma_wait3A_65 = arith.constant 9984 : i32
        %dma_wait3A_66 = arith.constant 0 : i32
        %dma_wait3A_67 = tpu.memref_slice %arg25[%dma_wait3A_65, %dma_wait3A_66] : memref<10000x128xf32, #tpu.memory_space<vmem_shared>> -> memref<16x128xf32, #tpu.memory_space<vmem_shared>>
        tpu.wait_dma2 semaphore(%run_scoped3A : memref<!tpu.dma_semaphore, #tpu.memory_space<semaphore_mem>>) src(%dma_wait3A_67 : memref<16x128xf32, #tpu.memory_space<vmem_shared>>) dst(%dma_wait3A_64 : memref<16x128xf32, #tpu.memory_space<hbm>>)
        tpu.yield
      }) : () -> ()
    } else {
    }
    return
  }
}

module attributes {stable_mosaic.version = 14 : i64} {
  func.func @_mlp_body(%arg0: i32, %arg1: memref<1000x128xf32, #tpu.memory_space<vmem>>, %arg2: memref<2x1000x128xf32, #tpu.memory_space<vmem>>, %arg3: memref<128x128xf32, #tpu.memory_space<vmem>>, %arg4: memref<1x128xf32, #tpu.memory_space<vmem>>, %arg5: memref<128x128xf32, #tpu.memory_space<vmem>>, %arg6: memref<1x128xf32, #tpu.memory_space<vmem>>, %arg7: memref<1x128xf32, #tpu.memory_space<vmem>>, %arg8: memref<1x128xf32, #tpu.memory_space<vmem>>, %arg9: memref<1000x128xf32, #tpu.memory_space<vmem>>) attributes {dimension_semantics = [#tpu.dimension_semantics<arbitrary>], iteration_bounds = array<i64: 10>, scalar_prefetch = 0 : i64, scratch_operands = 0 : i64, tpu.core_type = #tpu.core_type<tc>, window_params = [{transform_indices = @transform_0, window_bounds = array<i64: 1000, 128>}, {transform_indices = @transform_1, window_bounds = array<i64: 2, 1000, 128>}, {pipeline_mode = #tpu.pipeline_mode<synchronous>, transform_indices = @transform_2, window_bounds = array<i64: 128, 128>}, {pipeline_mode = #tpu.pipeline_mode<synchronous>, transform_indices = @transform_3, window_bounds = array<i64: 1, 128>}, {pipeline_mode = #tpu.pipeline_mode<synchronous>, transform_indices = @transform_4, window_bounds = array<i64: 128, 128>}, {pipeline_mode = #tpu.pipeline_mode<synchronous>, transform_indices = @transform_5, window_bounds = array<i64: 1, 128>}, {pipeline_mode = #tpu.pipeline_mode<synchronous>, transform_indices = @transform_6, window_bounds = array<i64: 1, 128>}, {pipeline_mode = #tpu.pipeline_mode<synchronous>, transform_indices = @transform_7, window_bounds = array<i64: 1, 128>}, {transform_indices = @transform_8, window_bounds = array<i64: 1000, 128>}]} {
    %get3A = arith.constant 0 : index
    %get3A_0 = arith.constant 0 : index
    %get3A_1 = vector.load %arg1[%get3A, %get3A_0] : memref<1000x128xf32, #tpu.memory_space<vmem>>, vector<1000x128xf32>
    %get3A_2 = arith.constant 0 : index
    %get3A_3 = arith.constant 0 : index
    %get3A_4 = arith.constant 0 : index
    %get3A_5 = vector.load %arg2[%get3A_2, %get3A_3, %get3A_4] : memref<2x1000x128xf32, #tpu.memory_space<vmem>>, vector<1x1000x128xf32>
    %get3A_6 = vector.shape_cast %get3A_5 : vector<1x1000x128xf32> to vector<1000x128xf32>
    %add3A = arith.addf %get3A_1, %get3A_6 : vector<1000x128xf32>
    %get3A_7 = arith.constant 1 : index
    %get3A_8 = arith.constant 0 : index
    %get3A_9 = arith.constant 0 : index
    %get3A_10 = vector.load %arg2[%get3A_7, %get3A_8, %get3A_9] : memref<2x1000x128xf32, #tpu.memory_space<vmem>>, vector<1x1000x128xf32>
    %get3A_11 = vector.shape_cast %get3A_10 : vector<1x1000x128xf32> to vector<1000x128xf32>
    %add3A_12 = arith.addf %add3A, %get3A_11 : vector<1000x128xf32>
    %get3A_13 = arith.constant 0 : index
    %get3A_14 = arith.constant 0 : index
    %get3A_15 = vector.load %arg3[%get3A_13, %get3A_14] : memref<128x128xf32, #tpu.memory_space<vmem>>, vector<128x128xf32>
    %dot_general3A = arith.constant dense<0.000000e+00> : vector<1000x128xf32>
    %dot_general3A_16 = tpu.matmul %add3A_12, %get3A_15, %dot_general3A {dimension_numbers = #tpu.dot_dimension_numbers<[1], [0], [0], [1], [0, 0, 1, 1], [], []>, transpose_lhs_hint = false} : vector<1000x128xf32>, vector<128x128xf32>, vector<1000x128xf32> -> vector<1000x128xf32>
    %get3A_17 = arith.constant 0 : index
    %get3A_18 = arith.constant 0 : index
    %get3A_19 = vector.load %arg4[%get3A_17, %get3A_18] : memref<1x128xf32, #tpu.memory_space<vmem>>, vector<1x128xf32>
    %add3A_20 = vector.broadcast %get3A_19 : vector<1x128xf32> to vector<1000x128xf32>
    %add3A_21 = arith.addf %dot_general3A_16, %add3A_20 : vector<1000x128xf32>
    %max3A = arith.constant 0.000000e+00 : f32
    %max3A_22 = vector.broadcast %max3A : f32 to vector<1000x128xf32>
    %max3A_23 = arith.maximumf %add3A_21, %max3A_22 : vector<1000x128xf32>
    %get3A_24 = arith.constant 0 : index
    %get3A_25 = arith.constant 0 : index
    %get3A_26 = vector.load %arg5[%get3A_24, %get3A_25] : memref<128x128xf32, #tpu.memory_space<vmem>>, vector<128x128xf32>
    %dot_general3A_27 = arith.constant dense<0.000000e+00> : vector<1000x128xf32>
    %dot_general3A_28 = tpu.matmul %max3A_23, %get3A_26, %dot_general3A_27 {dimension_numbers = #tpu.dot_dimension_numbers<[1], [0], [0], [1], [0, 0, 1, 1], [], []>, transpose_lhs_hint = false} : vector<1000x128xf32>, vector<128x128xf32>, vector<1000x128xf32> -> vector<1000x128xf32>
    %get3A_29 = arith.constant 0 : index
    %get3A_30 = arith.constant 0 : index
    %get3A_31 = vector.load %arg6[%get3A_29, %get3A_30] : memref<1x128xf32, #tpu.memory_space<vmem>>, vector<1x128xf32>
    %add3A_32 = vector.broadcast %get3A_31 : vector<1x128xf32> to vector<1000x128xf32>
    %add3A_33 = arith.addf %dot_general3A_28, %add3A_32 : vector<1000x128xf32>
    %get3A_34 = arith.constant 0 : index
    %get3A_35 = arith.constant 0 : index
    %get3A_36 = vector.load %arg7[%get3A_34, %get3A_35] : memref<1x128xf32, #tpu.memory_space<vmem>>, vector<1x128xf32>
    %mul3A = vector.broadcast %get3A_36 : vector<1x128xf32> to vector<1000x128xf32>
    %mul3A_37 = arith.mulf %add3A_33, %mul3A : vector<1000x128xf32>
    %get3A_38 = arith.constant 0 : index
    %get3A_39 = arith.constant 0 : index
    %get3A_40 = vector.load %arg8[%get3A_38, %get3A_39] : memref<1x128xf32, #tpu.memory_space<vmem>>, vector<1x128xf32>
    %add3A_41 = vector.broadcast %get3A_40 : vector<1x128xf32> to vector<1000x128xf32>
    %add3A_42 = arith.addf %mul3A_37, %add3A_41 : vector<1000x128xf32>
    %max3A_43 = arith.constant 0.000000e+00 : f32
    %max3A_44 = vector.broadcast %max3A_43 : f32 to vector<1000x128xf32>
    %max3A_45 = arith.maximumf %add3A_42, %max3A_44 : vector<1000x128xf32>
    %swap3A = arith.constant 0 : index
    %swap3A_46 = arith.constant 0 : index
    %swap3A_47 = vector.load %arg9[%swap3A, %swap3A_46] : memref<1000x128xf32, #tpu.memory_space<vmem>>, vector<1000x128xf32>
    tpu.vector_store %arg9[%swap3A, %swap3A_46], %max3A_45 {strides = array<i32>} : memref<1000x128xf32, #tpu.memory_space<vmem>>, vector<1000x128xf32>,
    return
  }
  func.func @transform_0(%arg0: i32) -> (i32, i32) {
    %c0_i32 = arith.constant 0 : i32
    %c0_i32_0 = arith.constant 0 : i32
    return %arg0, %c0_i32 : i32, i32
  }
  func.func @transform_1(%arg0: i32) -> (i32, i32, i32) {
    %c0_i32 = arith.constant 0 : i32
    %c0_i32_0 = arith.constant 0 : i32
    %c0_i32_1 = arith.constant 0 : i32
    return %c0_i32, %arg0, %c0_i32_0 : i32, i32, i32
  }
  func.func @transform_2(%arg0: i32) -> (i32, i32) {
    %c0_i32 = arith.constant 0 : i32
    %c0_i32_0 = arith.constant 0 : i32
    %c0_i32_1 = arith.constant 0 : i32
    return %c0_i32, %c0_i32_0 : i32, i32
  }
  func.func @transform_3(%arg0: i32) -> (i32, i32) {
    %c0_i32 = arith.constant 0 : i32
    %c0_i32_0 = arith.constant 0 : i32
    %c0_i32_1 = arith.constant 0 : i32
    return %c0_i32, %c0_i32_0 : i32, i32
  }
  func.func @transform_4(%arg0: i32) -> (i32, i32) {
    %c0_i32 = arith.constant 0 : i32
    %c0_i32_0 = arith.constant 0 : i32
    %c0_i32_1 = arith.constant 0 : i32
    return %c0_i32, %c0_i32_0 : i32, i32
  }
  func.func @transform_5(%arg0: i32) -> (i32, i32) {
    %c0_i32 = arith.constant 0 : i32
    %c0_i32_0 = arith.constant 0 : i32
    %c0_i32_1 = arith.constant 0 : i32
    return %c0_i32, %c0_i32_0 : i32, i32
  }
  func.func @transform_6(%arg0: i32) -> (i32, i32) {
    %c0_i32 = arith.constant 0 : i32
    %c0_i32_0 = arith.constant 0 : i32
    %c0_i32_1 = arith.constant 0 : i32
    return %c0_i32, %c0_i32_0 : i32, i32
  }
  func.func @transform_7(%arg0: i32) -> (i32, i32) {
    %c0_i32 = arith.constant 0 : i32
    %c0_i32_0 = arith.constant 0 : i32
    %c0_i32_1 = arith.constant 0 : i32
    return %c0_i32, %c0_i32_0 : i32, i32
  }
  func.func @transform_8(%arg0: i32) -> (i32, i32) {
    %c0_i32 = arith.constant 0 : i32
    %c0_i32_0 = arith.constant 0 : i32
    return %arg0, %c0_i32 : i32, i32
  }
}

module attributes {stable_mosaic.version = 14 : i64} {
  func.func @_mlp3_body(%arg0: i32, %arg1: memref<1000x128xf32, #tpu.memory_space<vmem>>, %arg2: memref<2x1000x128xf32, #tpu.memory_space<vmem>>, %arg3: memref<128x128xf32, #tpu.memory_space<vmem>>, %arg4: memref<1x128xf32, #tpu.memory_space<vmem>>, %arg5: memref<128x128xf32, #tpu.memory_space<vmem>>, %arg6: memref<1x128xf32, #tpu.memory_space<vmem>>, %arg7: memref<1x128xf32, #tpu.memory_space<vmem>>, %arg8: memref<1x128xf32, #tpu.memory_space<vmem>>, %arg9: memref<128x64xf32, #tpu.memory_space<vmem>>, %arg10: memref<1x64xf32, #tpu.memory_space<vmem>>, %arg11: memref<1x64xf32, #tpu.memory_space<vmem>>, %arg12: memref<1x128xf32, #tpu.memory_space<vmem>>) attributes {dimension_semantics = [#tpu.dimension_semantics<arbitrary>], iteration_bounds = array<i64: 10>, scalar_prefetch = 0 : i64, scratch_operands = 1 : i64, tpu.core_type = #tpu.core_type<tc>, window_params = [{transform_indices = @transform_0, window_bounds = array<i64: 1000, 128>}, {transform_indices = @transform_1, window_bounds = array<i64: 2, 1000, 128>}, {pipeline_mode = #tpu.pipeline_mode<synchronous>, transform_indices = @transform_2, window_bounds = array<i64: 128, 128>}, {pipeline_mode = #tpu.pipeline_mode<synchronous>, transform_indices = @transform_3, window_bounds = array<i64: 1, 128>}, {pipeline_mode = #tpu.pipeline_mode<synchronous>, transform_indices = @transform_4, window_bounds = array<i64: 128, 128>}, {pipeline_mode = #tpu.pipeline_mode<synchronous>, transform_indices = @transform_5, window_bounds = array<i64: 1, 128>}, {pipeline_mode = #tpu.pipeline_mode<synchronous>, transform_indices = @transform_6, window_bounds = array<i64: 1, 128>}, {pipeline_mode = #tpu.pipeline_mode<synchronous>, transform_indices = @transform_7, window_bounds = array<i64: 1, 128>}, {pipeline_mode = #tpu.pipeline_mode<synchronous>, transform_indices = @transform_8, window_bounds = array<i64: 128, 64>}, {pipeline_mode = #tpu.pipeline_mode<synchronous>, transform_indices = @transform_9, window_bounds = array<i64: 1, 64>}, {pipeline_mode = #tpu.pipeline_mode<synchronous>, transform_indices = @transform_10, window_bounds = array<i64: 1, 64>}]} {
    %get3A = arith.constant 0 : index
    %get3A_0 = arith.constant 0 : index
    %get3A_1 = vector.load %arg1[%get3A, %get3A_0] : memref<1000x128xf32, #tpu.memory_space<vmem>>, vector<1000x128xf32>
    %get3A_2 = arith.constant 0 : index
    %get3A_3 = arith.constant 0 : index
    %get3A_4 = arith.constant 0 : index
    %get3A_5 = vector.load %arg2[%get3A_2, %get3A_3, %get3A_4] : memref<2x1000x128xf32, #tpu.memory_space<vmem>>, vector<1x1000x128xf32>
    %get3A_6 = vector.shape_cast %get3A_5 : vector<1x1000x128xf32> to vector<1000x128xf32>
    %add3A = arith.addf %get3A_1, %get3A_6 : vector<1000x128xf32>
    %get3A_7 = arith.constant 1 : index
    %get3A_8 = arith.constant 0 : index
    %get3A_9 = arith.constant 0 : index
    %get3A_10 = vector.load %arg2[%get3A_7, %get3A_8, %get3A_9] : memref<2x1000x128xf32, #tpu.memory_space<vmem>>, vector<1x1000x128xf32>
    %get3A_11 = vector.shape_cast %get3A_10 : vector<1x1000x128xf32> to vector<1000x128xf32>
    %add3A_12 = arith.addf %add3A, %get3A_11 : vector<1000x128xf32>
    %get3A_13 = arith.constant 0 : index
    %get3A_14 = arith.constant 0 : index
    %get3A_15 = vector.load %arg3[%get3A_13, %get3A_14] : memref<128x128xf32, #tpu.memory_space<vmem>>, vector<128x128xf32>
    %dot_general3A = arith.constant dense<0.000000e+00> : vector<1000x128xf32>
    %dot_general3A_16 = tpu.matmul %add3A_12, %get3A_15, %dot_general3A {dimension_numbers = #tpu.dot_dimension_numbers<[1], [0], [0], [1], [0, 0, 1, 1], [], []>, transpose_lhs_hint = false} : vector<1000x128xf32>, vector<128x128xf32>, vector<1000x128xf32> -> vector<1000x128xf32>
    %get3A_17 = arith.constant 0 : index
    %get3A_18 = arith.constant 0 : index
    %get3A_19 = vector.load %arg4[%get3A_17, %get3A_18] : memref<1x128xf32, #tpu.memory_space<vmem>>, vector<1x128xf32>
    %add3A_20 = vector.broadcast %get3A_19 : vector<1x128xf32> to vector<1000x128xf32>
    %add3A_21 = arith.addf %dot_general3A_16, %add3A_20 : vector<1000x128xf32>
    %max3A = arith.constant 0.000000e+00 : f32
    %max3A_22 = vector.broadcast %max3A : f32 to vector<1000x128xf32>
    %max3A_23 = arith.maximumf %add3A_21, %max3A_22 : vector<1000x128xf32>
    %get3A_24 = arith.constant 0 : index
    %get3A_25 = arith.constant 0 : index
    %get3A_26 = vector.load %arg5[%get3A_24, %get3A_25] : memref<128x128xf32, #tpu.memory_space<vmem>>, vector<128x128xf32>
    %dot_general3A_27 = arith.constant dense<0.000000e+00> : vector<1000x128xf32>
    %dot_general3A_28 = tpu.matmul %max3A_23, %get3A_26, %dot_general3A_27 {dimension_numbers = #tpu.dot_dimension_numbers<[1], [0], [0], [1], [0, 0, 1, 1], [], []>, transpose_lhs_hint = false} : vector<1000x128xf32>, vector<128x128xf32>, vector<1000x128xf32> -> vector<1000x128xf32>
    %get3A_29 = arith.constant 0 : index
    %get3A_30 = arith.constant 0 : index
    %get3A_31 = vector.load %arg6[%get3A_29, %get3A_30] : memref<1x128xf32, #tpu.memory_space<vmem>>, vector<1x128xf32>
    %add3A_32 = vector.broadcast %get3A_31 : vector<1x128xf32> to vector<1000x128xf32>
    %add3A_33 = arith.addf %dot_general3A_28, %add3A_32 : vector<1000x128xf32>
    %get3A_34 = arith.constant 0 : index
    %get3A_35 = arith.constant 0 : index
    %get3A_36 = vector.load %arg7[%get3A_34, %get3A_35] : memref<1x128xf32, #tpu.memory_space<vmem>>, vector<1x128xf32>
    %mul3A = vector.broadcast %get3A_36 : vector<1x128xf32> to vector<1000x128xf32>
    %mul3A_37 = arith.mulf %add3A_33, %mul3A : vector<1000x128xf32>
    %get3A_38 = arith.constant 0 : index
    %get3A_39 = arith.constant 0 : index
    %get3A_40 = vector.load %arg8[%get3A_38, %get3A_39] : memref<1x128xf32, #tpu.memory_space<vmem>>, vector<1x128xf32>
    %add3A_41 = vector.broadcast %get3A_40 : vector<1x128xf32> to vector<1000x128xf32>
    %add3A_42 = arith.addf %mul3A_37, %add3A_41 : vector<1000x128xf32>
    %max3A_43 = arith.constant 0.000000e+00 : f32
    %max3A_44 = vector.broadcast %max3A_43 : f32 to vector<1000x128xf32>
    %max3A_45 = arith.maximumf %add3A_42, %max3A_44 : vector<1000x128xf32>
    %reduce_sum3A = arith.constant dense<0.000000e+00> : vector<128xf32>
    %reduce_sum3A_46 = vector.multi_reduction <add>, %max3A_45, %reduce_sum3A [0] : vector<1000x128xf32> to vector<128xf32>
    %broadcast_in_dim3A = vector.shape_cast %reduce_sum3A_46 : vector<128xf32> to vector<1x128xf32>
    %eq3A = arith.constant 0 : i32
    %eq3A_47 = arith.cmpi eq, %arg0, %eq3A : i32
    %convert_element_type3A = arith.extui %eq3A_47 : i1 to i32
    %cond3A = arith.constant 0 : i32
    %cond3A_48 = arith.cmpi ne, %convert_element_type3A, %cond3A : i32
    scf.if %cond3A_48 {
      %swap3A = arith.constant 0 : index
      %swap3A_58 = arith.constant 0 : index
      %swap3A_59 = vector.load %arg12[%swap3A, %swap3A_58] : memref<1x128xf32, #tpu.memory_space<vmem>>, vector<1x128xf32>
      tpu.vector_store %arg12[%swap3A, %swap3A_58], %broadcast_in_dim3A {strides = array<i32>} : memref<1x128xf32, #tpu.memory_space<vmem>>, vector<1x128xf32>,
    } else {
    }
    %gt3A = arith.constant 0 : i32
    %gt3A_49 = arith.cmpi sgt, %arg0, %gt3A : i32
    %convert_element_type3A_50 = arith.extui %gt3A_49 : i1 to i32
    %cond3A_51 = arith.constant 0 : i32
    %cond3A_52 = arith.cmpi ne, %convert_element_type3A_50, %cond3A_51 : i32
    scf.if %cond3A_52 {
      %get3A_58 = arith.constant 0 : index
      %get3A_59 = arith.constant 0 : index
      %get3A_60 = vector.load %arg12[%get3A_58, %get3A_59] : memref<1x128xf32, #tpu.memory_space<vmem>>, vector<1x128xf32>
      %add3A_61 = arith.addf %get3A_60, %broadcast_in_dim3A : vector<1x128xf32>
      %swap3A = arith.constant 0 : index
      %swap3A_62 = arith.constant 0 : index
      %swap3A_63 = vector.load %arg12[%swap3A, %swap3A_62] : memref<1x128xf32, #tpu.memory_space<vmem>>, vector<1x128xf32>
      tpu.vector_store %arg12[%swap3A, %swap3A_62], %add3A_61 {strides = array<i32>} : memref<1x128xf32, #tpu.memory_space<vmem>>, vector<1x128xf32>,
    } else {
    }
    %eq3A_53 = arith.constant 9 : i32
    %eq3A_54 = arith.cmpi eq, %arg0, %eq3A_53 : i32
    %convert_element_type3A_55 = arith.extui %eq3A_54 : i1 to i32
    %cond3A_56 = arith.constant 0 : i32
    %cond3A_57 = arith.cmpi ne, %convert_element_type3A_55, %cond3A_56 : i32
    scf.if %cond3A_57 {
      %get3A_58 = arith.constant 0 : index
      %get3A_59 = arith.constant 0 : index
      %get3A_60 = vector.load %arg12[%get3A_58, %get3A_59] : memref<1x128xf32, #tpu.memory_space<vmem>>, vector<1x128xf32>
      %get3A_61 = arith.constant 0 : index
      %get3A_62 = arith.constant 0 : index
      %get3A_63 = vector.load %arg9[%get3A_61, %get3A_62] : memref<128x64xf32, #tpu.memory_space<vmem>>, vector<128x64xf32>
      %dot_general3A_64 = arith.constant dense<0.000000e+00> : vector<1x64xf32>
      %dot_general3A_65 = tpu.matmul %get3A_60, %get3A_63, %dot_general3A_64 {dimension_numbers = #tpu.dot_dimension_numbers<[1], [0], [0], [1], [0, 0, 1, 1], [], []>, transpose_lhs_hint = false} : vector<1x128xf32>, vector<128x64xf32>, vector<1x64xf32> -> vector<1x64xf32>
      %get3A_66 = arith.constant 0 : index
      %get3A_67 = arith.constant 0 : index
      %get3A_68 = vector.load %arg10[%get3A_66, %get3A_67] : memref<1x64xf32, #tpu.memory_space<vmem>>, vector<1x64xf32>
      %add3A_69 = arith.addf %dot_general3A_65, %get3A_68 : vector<1x64xf32>
      %swap3A = arith.constant 0 : index
      %swap3A_70 = arith.constant 0 : index
      %swap3A_71 = vector.load %arg11[%swap3A, %swap3A_70] : memref<1x64xf32, #tpu.memory_space<vmem>>, vector<1x64xf32>
      tpu.vector_store %arg11[%swap3A, %swap3A_70], %add3A_69 {strides = array<i32>} : memref<1x64xf32, #tpu.memory_space<vmem>>, vector<1x64xf32>,
    } else {
    }
    return
  }
  func.func @transform_0(%arg0: i32) -> (i32, i32) {
    %c0_i32 = arith.constant 0 : i32
    %c0_i32_0 = arith.constant 0 : i32
    return %arg0, %c0_i32 : i32, i32
  }
  func.func @transform_1(%arg0: i32) -> (i32, i32, i32) {
    %c0_i32 = arith.constant 0 : i32
    %c0_i32_0 = arith.constant 0 : i32
    %c0_i32_1 = arith.constant 0 : i32
    return %c0_i32, %arg0, %c0_i32_0 : i32, i32, i32
  }
  func.func @transform_2(%arg0: i32) -> (i32, i32) {
    %c0_i32 = arith.constant 0 : i32
    %c0_i32_0 = arith.constant 0 : i32
    %c0_i32_1 = arith.constant 0 : i32
    return %c0_i32, %c0_i32_0 : i32, i32
  }
  func.func @transform_3(%arg0: i32) -> (i32, i32) {
    %c0_i32 = arith.constant 0 : i32
    %c0_i32_0 = arith.constant 0 : i32
    %c0_i32_1 = arith.constant 0 : i32
    return %c0_i32, %c0_i32_0 : i32, i32
  }
  func.func @transform_4(%arg0: i32) -> (i32, i32) {
    %c0_i32 = arith.constant 0 : i32
    %c0_i32_0 = arith.constant 0 : i32
    %c0_i32_1 = arith.constant 0 : i32
    return %c0_i32, %c0_i32_0 : i32, i32
  }
  func.func @transform_5(%arg0: i32) -> (i32, i32) {
    %c0_i32 = arith.constant 0 : i32
    %c0_i32_0 = arith.constant 0 : i32
    %c0_i32_1 = arith.constant 0 : i32
    return %c0_i32, %c0_i32_0 : i32, i32
  }
  func.func @transform_6(%arg0: i32) -> (i32, i32) {
    %c0_i32 = arith.constant 0 : i32
    %c0_i32_0 = arith.constant 0 : i32
    %c0_i32_1 = arith.constant 0 : i32
    return %c0_i32, %c0_i32_0 : i32, i32
  }
  func.func @transform_7(%arg0: i32) -> (i32, i32) {
    %c0_i32 = arith.constant 0 : i32
    %c0_i32_0 = arith.constant 0 : i32
    %c0_i32_1 = arith.constant 0 : i32
    return %c0_i32, %c0_i32_0 : i32, i32
  }
  func.func @transform_8(%arg0: i32) -> (i32, i32) {
    %c0_i32 = arith.constant 0 : i32
    %c0_i32_0 = arith.constant 0 : i32
    %c0_i32_1 = arith.constant 0 : i32
    return %c0_i32, %c0_i32_0 : i32, i32
  }
  func.func @transform_9(%arg0: i32) -> (i32, i32) {
    %c0_i32 = arith.constant 0 : i32
    %c0_i32_0 = arith.constant 0 : i32
    %c0_i32_1 = arith.constant 0 : i32
    return %c0_i32, %c0_i32_0 : i32, i32
  }
  func.func @transform_10(%arg0: i32) -> (i32, i32) {
    %c0_i32 = arith.constant 0 : i32
    %c0_i32_0 = arith.constant 0 : i32
    %c0_i32_1 = arith.constant 0 : i32
    return %c0_i32, %c0_i32_0 : i32, i32
  }
}

</mosaic_0001>

<sc_bundles>
// kernel: kernel.11.cloned.1.call-start
scs
__scs_entry_jumppad:
0x0: {  	(pc) =	sbr.rel $0x88, $3  }
0x1: {  	(tag) =	ssettag $0x0;
	lr =	simm.s32 $0x1  }
0x2: {  	[smem:$0x3F85] =	sst lr;
	_ =	strace $0xD0000000  }
0x3: {  	_ = 	snop  }
0x4: {  	_ = 	snop  }
0x5: {  	_ = 	snop  }
0x6: {  	_ = 	snop  }
0x7: {  	_ = 	snop  }
__scs_overlays_trampoline_lowered:
0x8: {  	[smem:$0x3F94] =	sst s0  }
0x9: {  	[smem:$0x3F95] =	sst s1  }
0xa: {  	[smem:$0x3F96] =	sst s2  }
0xb: {  	[smem:$0x3F97] =	sst s3  }
0xc: {  	[smem:$0x3F98] =	sst s4  }
0xd: {  	[smem:$0x3F99] =	sst s5  }
0xe: {  	[smem:$0x3F9A] =	sst s6  }
0xf: {  	[smem:$0x3F9B] =	sst s7  }
0x10: {  	[smem:$0x3F9C] =	sst s8  }
0x11: {  	[smem:$0x3F9D] =	sst s9;
	s0 =	simm.s32 @!p0 $0x0  }
0x12: {  	s1 =	sld [smem:$0x3F83];
	s0 =	simm.s32 @p0 $0x1  }
0x13: {  	[smem:$0x3F9E] =	sst s0;
	s0 =	simm.s32 @!p1 $0x0  }
0x14: {  	s2 =	sld [smem:$0x3F82];
	s0 =	simm.s32 @p1 $0x1  }
0x15: {  	[smem:$0x3F9F] =	sst s0;
	s0 =	simm.s32 @!p2 $0x0  }
0x16: {  	s3 =	sld [smem:$0x3FDB];
	s0 =	simm.s32 @p2 $0x1  }
0x17: {  	s4 =	simm.s32 $0x1BF5;
	[smem:$0x3FA1] =	sst s0  }
0x18: {  	s0 =	sld [smem:$0x3F84];
	_ =	swait.ge [sflag:s4], $0x0  }
0x19: {  	s7 =	sld [smem:$0x3F85]  }
0x1a: {  	s8 =	sadd.s32 $0xFFFFE003, lr  }
0x1b: {  	s9 =	sadd.s32 $0xFFFFFEF7, lr;
	s5 =	simm.s32 $0xFFFFFFFF;
	p2 =	slt.u32 s8, $0xFFFFF086  }
0x1c: {  	p1 =	slt.u32 s9, $0xF7A;
	s5 =	simm.s32 @!p2 $0x0  }
0x1d: {  	s5 =	simm.s32 @p1 $0x1;
	p0 =	seq.s32 s7, s2  }
0x1e: {  	s7 =	smul.u32 @!p0 $0xF7A, s2;
	p2 =	seq.s32 @!p0 s5, $0x0  }
0x1f: {  	s9 =	smul.u32 $0xF7A, s1;
	s8 =	simm.s32 @!p0 $0x1BF5;
	p2 =	por !p2, p0  }
0x20: {  	[sflag:s8] =	ssyncset.s32 @!p0 $0xFFFFF086;
	s6 =	sadd.s32 @!p0 s3, s7;
	s7 =	simm.s32 @!p0 $0x108  }
0x21: {  	s3 =	sadd.s32 s3, s9;
	s6 =	sadd.s32 @!p0 $0x88, s6;
	s7 =	simm.s32 @p2 $0x1082  }
0x22: {  	[simem:s7], [sflag:s8] =	dma.local @!p0 [hbm:s6], $0xF7A  }
0x23: {  	s9 =	sor.u32 $0xD0000000, s2;
	s6 =	simm.s32 $0x108;
	_ =	swait.ge @!p0 [sflag:s8], $0x0  }
0x24: {  	s3 =	sadd.s32 $0x88, s3;
	s6 =	simm.s32 @!p1 $0x1082;
	[sflag:s4] =	ssyncset.s32 $0xFFFFF086  }
0x25: {  	[simem:s6], [sflag:s4] =	dma.local [hbm:s3], $0xF7A  }
0x26: {  	[smem:$0x3F85] =	sst s1;
	(tag) =	ssettag s2;
	_ =	strace s9  }
0x27: {  	s1 =	sld [smem:$0x3F95]  }
0x28: {  	s2 =	sld [smem:$0x3F96]  }
0x29: {  	s4 =	sld [smem:$0x3F98]  }
0x2a: {  	p0 =	seq.s32 s5, $0x0;
	s5 =	sld [smem:$0x3F99]  }
0x2b: {  	s6 =	sld [smem:$0x3F9A]  }
0x2c: {  	s7 =	sld [smem:$0x3F9B]  }
0x2d: {  	s3 =	simm.s32 $0x108;
	s8 =	sld [smem:$0x3F9C]  }
0x2e: {  	s3 =	simm.s32 @!p0 $0x1082;
	s9 =	sld [smem:$0x3F9D]  }
0x2f: {  	lr =	sadd.s32 s0, s3;
	s0 =	sld [smem:$0x3F94]  }
0x30: {  	s3 =	sld [smem:$0x3F97]  }
0x31: {  	[smem:$0x3FA0] =	sst s10  }
0x32: {  	s10 =	sld [smem:$0x3F9E];
	_ =	sdelay $0x3  }
0x33: {  	p0 =	seq.s32 s10, $0x1;
	s10 =	sld [smem:$0x3FA0];
	_ =	sdelay $0x3  }
0x34: {  	[smem:$0x3FA0] =	sst s10  }
0x35: {  	s10 =	sld [smem:$0x3F9F];
	_ =	sdelay $0x3  }
0x36: {  	p1 =	seq.s32 s10, $0x1;
	s10 =	sld [smem:$0x3FA0];
	_ =	sdelay $0x3  }
0x37: {  	[smem:$0x3FA0] =	sst s10  }
0x38: {  	s10 =	sld [smem:$0x3FA1]  }
0x39: {  	_ = 	snop;
	(pc) =	sbr.ind lr, $3  }
0x3a: {  	_ = 	snop  }
0x3b: {  	_ = 	snop  }
0x3c: {  	p2 =	seq.s32 s10, $0x1;
	s10 =	sld [smem:$0x3FA0]  }
0x3d: {  	_ =	shalt  }
0x3e: {  	_ =	shalt  }
0x3f: {  	_ =	shalt  }
0x40: {  	_ =	shalt  }
0x41: {  	_ =	shalt  }
0x42: {  	_ =	shalt  }
0x43: {  	_ =	shalt  }
0x44: {  	_ =	shalt  }
0x45: {  	_ =	shalt  }
0x46: {  	_ =	shalt  }
0x47: {  	_ =	shalt  }
0x48: {  	_ =	shalt  }
0x49: {  	_ =	shalt  }
0x4a: {  	_ =	shalt  }
0x4b: {  	_ =	shalt  }
0x4c: {  	_ =	shalt  }
0x4d: {  	_ =	shalt  }
0x4e: {  	_ =	shalt  }
0x4f: {  	_ =	shalt  }
0x50: {  	_ =	shalt  }
0x51: {  	_ =	shalt  }
0x52: {  	_ =	shalt  }
0x53: {  	_ =	shalt  }
0x54: {  	_ =	shalt  }
0x55: {  	_ =	shalt  }
0x56: {  	_ =	shalt  }
0x57: {  	_ =	shalt  }
0x58: {  	_ =	shalt  }
0x59: {  	_ =	shalt  }
0x5a: {  	_ =	shalt  }
0x5b: {  	_ =	shalt  }
0x5c: {  	_ =	shalt  }
0x5d: {  	_ =	shalt  }
0x5e: {  	_ =	shalt  }
0x5f: {  	_ =	shalt  }
0x60: {  	_ =	shalt  }
0x61: {  	_ =	shalt  }
0x62: {  	_ =	shalt  }
0x63: {  	_ =	shalt  }
0x64: {  	_ =	shalt  }
0x65: {  	_ =	shalt  }
0x66: {  	_ =	shalt  }
0x67: {  	_ =	shalt  }
0x68: {  	_ =	shalt  }
0x69: {  	_ =	shalt  }
0x6a: {  	_ =	shalt  }
0x6b: {  	_ =	shalt  }
0x6c: {  	_ =	shalt  }
0x6d: {  	_ =	shalt  }
0x6e: {  	_ =	shalt  }
0x6f: {  	_ =	shalt  }
0x70: {  	_ =	shalt  }
0x71: {  	_ =	shalt  }
0x72: {  	_ =	shalt  }
0x73: {  	_ =	shalt  }
0x74: {  	_ =	shalt  }
0x75: {  	_ =	shalt  }
0x76: {  	_ =	shalt  }
0x77: {  	_ =	shalt  }
0x78: {  	_ =	shalt  }
0x79: {  	_ =	shalt  }
0x7a: {  	_ =	shalt  }
0x7b: {  	_ =	shalt  }
0x7c: {  	_ =	shalt  }
0x7d: {  	_ =	shalt  }
0x7e: {  	_ =	shalt  }
0x7f: {  	_ =	shalt  }
0x80: {  	_ =	shalt  }
0x81: {  	_ =	shalt  }
0x82: {  	_ =	shalt  }
0x83: {  	_ =	shalt  }
0x84: {  	_ =	shalt  }
0x85: {  	_ =	shalt  }
0x86: {  	_ =	shalt  }
0x87: {  	_ =	shalt  }
.Lfunc_end0:
.L_simem_size_0:
called_computation.1_lowered:
.L_overlay_start_0:
0x88: {  	s2 =	sld [smem:$0x3FD9]  }
0x89: {  	s3 =	sld [smem:$0x3FFE];
	_ =	sdelay $0x1  }
0x8a: {  	s1 =	srdreg.scid  }
0x8b: {  	s0 =	sand.u32 $0x1, s1  }
0x8c: {  	s16 =	sshll.u32 s0, $0xA;
	s2 =	sadd.s32 s3, s2  }
0x8d: {  	s2 =	sadd.s32 s2, s16  }
0x8e: {  	[smem:$0x3FAC] =	sst s2  }
0x8f: {  	_ = 	snop  }
0x90: {  	(tm) =	ssettm $0x1  }
0x91: {  	s17 =	sld [smem:$0x3FFB];
	_ =	sdelay $0x3  }
0x92: {  	_ =	strace s17  }
0x93: {  	s2 =	sld [smem:$0x3FFC];
	_ =	sdelay $0x3  }
0x94: {  	_ =	strace s2  }
0x95: {  	s2 =	sld [smem:$0x3FFD];
	_ =	sdelay $0x3  }
0x96: {  	_ =	strace s2  }
0x97: {  	_ =	strace $0x8FFFFFFF  }
0x98: {  	s18 =	sld [smem:$0x3FDB];
	_ =	sdelay $0x1  }
0x99: {  	s19 =	simm.s32 $_scs_section_size  }
0x9a: {  	s4 =	simm.s32 $_size__tile_overlayer_lowered;
	s5 =	simm.s32 $_tile_overlayer_lowered  }
0x9b: {  	s22 =	simm.s32 $0x1BFF;
	s21 =	sshll.u32 s5, $0x1;
	s2 =	sadd.s32 s19, s18  }
0x9c: {  	s6 =	simm.s32 $0x0;
	s20 =	sshll.u32 s4, $0x1;
	s4 =	sadd.s32 s21, s2  }
0x9d: {  	[timem:s6], [sflag:s22] =	dma.local [hbm:s4], s20  }
0x9e: {  	_ =	swait.ge [sflag:s22], s20  }
0x9f: {  	s3 =	ssub.s32 $0x0, s20;
	[sflag:s22] =	ssyncset.done $0x0  }
0xa0: {  	[sflag:s22] =	ssyncadd.s32 s3;
	_ =	sdelay $0x1  }
0xa1: {  	s23 =	simm.s32 $0x1B8B  }
0xa2: {  	_ =	swait.ge [sflag:s23], $0x1  }
0xa3: {  	[sflag:s23] =	ssyncset.done $0x0  }
0xa4: {  	s25 =	simm.s32 $0x1B8E;
	s24 =	sld [smem:$0x3FFE];
	[sflag:s23] =	ssyncadd.s32 $0xFFFFFFFF  }
0xa5: {  	s26 =	simm.s32 $execute0_lowered;
	[smem:$0x3FD2] =	sst s25  }
0xa6: {  	s4 =	sshll.u32 s26, $0x1;
	_ =	strace $0x80000049;
	[dreg:$0x1] =	wrdreg $0xFFFFFFFF  }
0xa7: {  	s28 =	simm.s32 $_size_execute0_lowered;
	s2 =	sadd.s32 s2, s4;
	[dreg:$0x0] =	wrdreg $0x0  }
0xa8: {  	s4 =	sshll.u32 s28, $0x1;
	[dreg:$0x2] =	wrdreg s2  }
0xa9: {  	[dreg:$0x3] =	wrdreg s4  }
0xaa: {  	[dreg:$0x4] =	wrdreg $0xC0  }
0xab: {  	_ =	task [dreg:s6], $0x5FFFF  }
0xac: {  	[dreg:$0x1] =	wrdreg $0xFFFFFFFF  }
0xad: {  	[dreg:$0x0] =	wrdreg $0x60  }
0xae: {  	[dreg:$0x2] =	wrdreg s24  }
0xaf: {  	[dreg:$0x3] =	wrdreg $0xC3000  }
0xb0: {  	[dreg:$0x4] =	wrdreg $0x9  }
0xb1: {  	_ =	task.clear_ibuf [dreg:s6], $0x5FFFF;
	_ =	strace $0x90000049  }
0xb2: {  	s29 =	simm.s32 $0x9;
	_ =	strace $0x8000004B  }
0xb3: {  	_ =	swait.ge [sflag:s29], $0x1  }
0xb4: {  	[sflag:s29] =	ssyncadd.s32 $0xFFFFFFFF  }
0xb5: {  	_ =	strace $0x9000004B  }
0xb6: {  	_ =	sfence  }
0xb7: {  	s30 =	sld [smem:$0x0];
	_ =	sdelay $0x2  }
0xb8: {  	s31 =	sshll.u32 s1, $0xD;
	s1 =	sshrl.u32 s1, $0x2  }
0xb9: {  	s3 =	sand.u32 $0x4000, s31;
	s1 =	sadd.s32 s1, s30  }
0xba: {  	s0 =	sor.u32 s3, s0;
	s1 =	sshll.u32 s1, $0x11  }
0xbb: {  	s0 =	sor.u32 s1, s0  }
0xbc: {  	s0 =	sadd.s32 $0x8F2B, s0  }
0xbd: {  	[sflag:s0] =	ssyncadd.remote.s32 $0x1  }
0xbe: {  	_ =	sfence.sel $0xFFFF  }
0xbf: {  	[dreg:$0x0] =	wrdreg $0xFFFFFFFF;
	(pc) =	sbr.abs _section_cstart, $3  }
0xc0: {  	[dreg:$0x1] =	wrdreg $0xFFFFFFFF  }
0xc1: {  	_ =	task.clear_ibuf [dreg:s6], $0x2FFFF;
	_ =	strace $0x9FFFFFFF  }
0xc2: {  	(tm) =	ssettm $0x7FFFFFFF  }
0xc3: {  	_ =	shalt  }
tec
execute0_lowered:
.L_overlay_start_1:
0x0: {  	(tag) =	ssettag $0x1  }
0x1: {  	s0 =	rddreg [dreg:$0x0]  }
0x2: {  	s1 =	rddreg [dreg:$0x1]  }
0x3: {  	s2 =	simm.s32 $0x0;
	s3 =	srdreg.scid;
	s14 =	stileid.u32  }
0x4: {  	s28 =	simm.s32 $0x280;
	s29 =	simm.s32 $0x2;
	s30 =	simm.s32 $0x4300  }
0x5: {  	s31 =	simm.s32 $0x7;
	[smem:$0x7FF] =	sst s2;
	s3 =	sand.u32 $0x1, s3  }
0x6: {  	s4 =	sadd.s32 $0x40200, s0;
	s11 =	smul.u32 $0x2700, s14;
	s6 =	sadd.s32 $0xF200, s0  }
0x7: {  	s8 =	sadd.s32 $0x5400, s0;
	s13 =	smul.u32 $0x4E000, s14;
	s22 =	sadd.s32 $0x138000, s1  }
0x8: {  	s23 =	sshll.u32 s14, $0x4;
	s25 =	smul.u32 $0x4E0, s14;
	p0 =	sne.s32 s14, $0x0  }
0x9: {  	_ =	strace $0x8000004A;
	s5 =	sshll.u32 s3, $0x4;
	s7 =	smul.u32 $0x27100, s3  }
0xa: {  	s9 =	ssub.s32 $0x2, s3;
	[dreg:$0xa] =	wrdreg s22;
	s24 =	sor.u32 $0x9C00, s23  }
0xb: {  	s3 =	smul.u32 $0x4E00, s3;
	s22 =	simm.s32 $0x200;
	s5 =	sor.u32 s14, s5  }
0xc: {  	[dreg:$0x3] =	wrdreg s11;
	s11 =	sadd.s32 s11, s0;
	s18 =	sshrl.u32 s13, $0x2  }
0xd: {  	s12 =	sshrl.u32 s9, $0x1;
	s10 =	smul.u32 $0x4E0, s5;
	s20 =	sadd.s32 s18, s1  }
0xe: {  	s7 =	sadd.s32 s7, s0;
	s21 =	sadd.s32 $0x19000, s11;
	[dreg:$0x8] =	wrdreg s20  }
0xf: {  	s9 =	ssub.s32 s9, s12;
	s0 =	sadd.s32 $0x40000, s0;
	[dreg:$0x9] =	wrdreg s21  }
0x10: {  	p1 =	sgt.u32 s5, $0x3;
	[dreg:$0xb] =	wrdreg s0;
	s0 =	sadd.s32 s8, s24  }
0x11: {  	s5 =	simm.s32 $0x8300;
	s7 =	sadd.s32 $0x67400, s7;
	[dreg:$0xd] =	wrdreg s0  }
0x12: {  	s26 =	smax.u32 s9, $0x1;
	s20 =	simm.s32 $0x180;
	[dreg:$0xe] =	wrdreg s7  }
0x13: {  	s21 =	simm.s32 $0x80;
	s16 =	sadd.s32 s6, s10;
	[dreg:$0xf] =	wrdreg s26  }
0x14: {  	s17 =	sadd.s32 s8, s10;
	s10 =	sor.u32 $0x10, s10;
	[dreg:$0x4] =	wrdreg s16  }
0x15: {  	s9 =	simm.s32 $0x6;
	[dreg:$0x5] =	wrdreg s17;
	s19 =	sadd.s32 s6, s10  }
0x16: {  	s26 =	simm.s32 $0x100;
	s10 =	sadd.s32 s8, s10;
	[dreg:$0x6] =	wrdreg s19  }
0x17: {  	s0 =	simm.s32 $0x4;
	s7 =	simm.s32 $0x5;
	[dreg:$0x7] =	wrdreg s10  }
0x18: {  	s10 =	sadd.s32 s6, s24;
	s6 =	sadd.s32 s3, s6;
	s3 =	sadd.s32 s3, s8  }
0x19: {  	s24 =	simm.s32 $0x300;
	s8 =	simm.s32 $0x9;
	[dreg:$0xc] =	wrdreg s10  }
0x1a: {  	s18 =	sadd.s32 s25, s6;
	s19 =	sadd.s32 s25, s3;
	s25 =	simm.s32 $0xA  }
0x1b: {  	s3 =	simm.s32 $0x3;
	s6 =	simm.s32 $0x8;
	s10 =	simm.s32 $0x0  }
.LBB2_1:
0x1c: {  	s11 =	rddreg [dreg:$0x4]  }
0x1d: {  	[tilespmem:s2], [sflag:$0x1] =	stream.linear.gather [hbm4b:s11+s2], $0x80, $0x38;
	[tilespmem:$0x1FB80] =	vst v63  }
0x1e: {  	s23 =	rddreg [dreg:$0x5]  }
0x1f: {  	[tilespmem:s20], [sflag:$0x4] =	stream.linear.gather [hbm4b:s23+s2], $0x80, $0x38;
	[tilespmem:$0x1FB80] =	vst v63  }
0x20: {  	s12 =	rddreg [dreg:$0x6]  }
0x21: {  	[tilespmem:s21], [sflag:$0x2] =	stream.linear.gather [hbm4b:s12+s2], $0x80, $0x38;
	[tilespmem:$0x1FB80] =	vst v63  }
0x22: {  	s13 =	rddreg [dreg:$0x7];
	s14 =	simm.s32 $0x1  }
0x23: {  	[tilespmem:s22], [sflag:$0x5] =	stream.linear.gather [hbm4b:s13+s2], $0x80, $0x38;
	[tilespmem:$0x1FB80] =	vst v63  }
0x24: {  	s15 =	stileid.u32;
	_ =	swait.ge [sflag:s14], $0x80  }
0x25: {  	s11 =	sshll.u32 s15, $0x6;
	[sflag:s14] =	ssyncset.done $0x0;
	s12 =	rddreg [dreg:$0x8]  }
0x26: {  	s16 =	rddreg [dreg:$0x9];
	[sflag:s14] =	ssyncadd.s32 $0xFFFFFF80;
	s13 =	sshrl.u32 s12, $0x3  }
0x27: {  	[tilespmem:s24], [sflag:$0x7] =	stream.indirect.gather [hbm4b:s4+s21], $0x80, s2, s21, $0xb8;
	[tilespmem:$0x1FB80] =	vst v63  }
0x28: {  	s11 =	sor.u32 $0x1C0A, s11;
	[dreg:$0x10] =	wrdreg s13  }
0x29: {  	[spmem:s13], [sflag:s11] =	dma.local [hbm:s16], $0x2700  }
0x2a: {  	_ =	swait.ge [sflag:s25], $0x2700  }
0x2b: {  	s12 =	rddreg [dreg:$0xa]  }
0x2c: {  	[sflag:s25] =	ssyncset.done $0x0;
	s13 =	sshrl.u32 @!p0 s12, $0x3;
	s12 =	rddreg [dreg:$0xb]  }
0x2d: {  	s14 =	simm.s32 @!p0 $0xA;
	[sflag:s25] =	ssyncadd.s32 $0xFFFFD900;
	[dreg:$0x11] =	wrdreg s13  }
0x2e: {  	[spmem:s13], [sflag:s11] =	dma.local @!p0 [hbm:s12], $0x100  }
0x2f: {  	_ =	swait.ge @!p0 [sflag:s14], $0x100  }
0x30: {  	[sflag:s14] =	ssyncset.done @!p0 $0x0  }
0x31: {  	s17 =	sadd.s32 $0x0, s18;
	[sflag:s14] =	ssyncadd.s32 @!p0 $0xFFFFFF00  }
0x32: {  	s15 =	sadd.s32 $0x0, s19;
	s14 =	sadd.s32 $0x20, s17;
	[bflag:$0x0] =	sbarrier.arrive $0xFFFF  }
0x33: {  	[tilespmem:s26], [sflag:$0x3] =	stream.linear.gather [hbm4b:s14+s2], $0x80, $0x38;
	[tilespmem:$0x1FB80] =	vst v63  }
0x34: {  	s23 =	sadd.s32 $0x20, s15  }
0x35: {  	[tilespmem:s28], [sflag:$0x6] =	stream.linear.gather [hbm4b:s23+s2], $0x80, $0x38;
	[tilespmem:$0x1FB80] =	vst v63  }
0x36: {  	_ =	swait.ge [sflag:s29], $0x80  }
0x37: {  	[sflag:s29] =	ssyncset.done $0x0  }
0x38: {  	[sflag:s29] =	ssyncadd.s32 $0xFFFFFF80  }
0x39: {  	[tilespmem:s30], [sflag:$0x8] =	stream.indirect.gather [hbm4b:s4+s21], $0x80, s21, s21, $0xb8;
	[tilespmem:$0x1FB80] =	vst v63  }
0x3a: {  	_ =	swait.ge [sflag:s31], $0x4000  }
0x3b: {  	[sflag:s31] =	ssyncset.done $0x0  }
0x3c: {  	[sflag:s31] =	ssyncadd.s32 $0xFFFFC000  }
0x3d: {  	_ =	swait.ge [sflag:s0], $0x80  }
0x3e: {  	[sflag:s0] =	ssyncset.done $0x0  }
0x3f: {  	[sflag:s0] =	ssyncadd.s32 $0xFFFFFF80  }
0x40: {  	[spmem:s1] =	stream.indirect.scatter.add.f32 [tilespmem:s24], [sflag:$0xA], $0x80, s20, s21, $0xb8;
	[tilespmem:$0x1FB80] =	vst v63  }
0x41: {  	p2 =	por $0x0, $0x0;
	_ =	swait.ge [sflag:s25], $0x4000  }
0x42: {  	s15 =	sadd.s32 @!p2 $0x0, s19;
	s14 =	sadd.s32 @!p2 $0x0, s18;
	[sflag:s25] =	ssyncset.done $0x0  }
0x43: {  	s17 =	sadd.s32 @!p2 $0x30, s14;
	s23 =	simm.s32 @!p2 $0x0;
	[sflag:s25] =	ssyncadd.s32 $0xFFFFC000  }
0x44: {  	[tilespmem:s23], [sflag:$0x1] =	stream.linear.gather @!p2 [hbm4b:s17+s23], $0x80, $0x38;
	[tilespmem:$0x1FB80] =	vst v63  }
0x45: {  	s16 =	simm.s32 @!p2 $0x180;
	s17 =	sadd.s32 @!p2 $0x30, s15  }
0x46: {  	[tilespmem:s16], [sflag:$0x4] =	stream.linear.gather @!p2 [hbm4b:s17+s23], $0x80, $0x38;
	[tilespmem:$0x1FB80] =	vst v63  }
0x47: {  	_ =	swait.ge [sflag:s3], $0x80  }
0x48: {  	[sflag:s3] =	ssyncset.done $0x0  }
0x49: {  	[sflag:s3] =	ssyncadd.s32 $0xFFFFFF80  }
0x4a: {  	[tilespmem:s5], [sflag:$0x9] =	stream.indirect.gather [hbm4b:s4+s21], $0x80, s26, s21, $0xb8;
	[tilespmem:$0x1FB80] =	vst v63  }
0x4b: {  	_ =	swait.ge [sflag:s6], $0x4000  }
0x4c: {  	[sflag:s6] =	ssyncset.done $0x0  }
0x4d: {  	[sflag:s6] =	ssyncadd.s32 $0xFFFFC000  }
0x4e: {  	_ =	swait.ge [sflag:s7], $0x80  }
0x4f: {  	[sflag:s7] =	ssyncset.done $0x0  }
0x50: {  	[sflag:s7] =	ssyncadd.s32 $0xFFFFFF80  }
0x51: {  	[spmem:s1] =	stream.indirect.scatter.add.f32 [tilespmem:s30], [sflag:$0xA], $0x80, s22, s21, $0xb8;
	[tilespmem:$0x1FB80] =	vst v63  }
0x52: {  	_ =	swait.ge [sflag:s25], $0x4000  }
0x53: {  	[sflag:s25] =	ssyncset.done $0x0  }
0x54: {  	s14 =	sadd.s32 @!p2 $0x40, s14;
	s16 =	simm.s32 @!p2 $0x80;
	[sflag:s25] =	ssyncadd.s32 $0xFFFFC000  }
0x55: {  	[tilespmem:s16], [sflag:$0x2] =	stream.linear.gather @!p2 [hbm4b:s14+s23], $0x80, $0x38;
	[tilespmem:$0x1FB80] =	vst v63  }
0x56: {  	s14 =	sadd.s32 @!p2 $0x40, s15;
	s15 =	simm.s32 @!p2 $0x200  }
0x57: {  	[tilespmem:s15], [sflag:$0x5] =	stream.linear.gather @!p2 [hbm4b:s14+s23], $0x80, $0x38;
	[tilespmem:$0x1FB80] =	vst v63  }
0x58: {  	s14 =	simm.s32 @!p2 $0x1  }
0x59: {  	_ =	swait.ge @!p2 [sflag:s14], $0x80  }
0x5a: {  	[sflag:s14] =	ssyncset.done @!p2 $0x0  }
0x5b: {  	[sflag:s14] =	ssyncadd.s32 @!p2 $0xFFFFFF80;
	s14 =	simm.s32 @!p2 $0x300  }
0x5c: {  	[tilespmem:s14], [sflag:$0x7] =	stream.indirect.gather @!p2 [hbm4b:s4+s16], $0x80, s23, s16, $0xb8;
	[tilespmem:$0x1FB80] =	vst v63  }
0x5d: {  	_ =	swait.ge [sflag:s8], $0x4000  }
0x5e: {  	[sflag:s8] =	ssyncset.done $0x0  }
0x5f: {  	[sflag:s8] =	ssyncadd.s32 $0xFFFFC000  }
0x60: {  	_ =	swait.ge [sflag:s9], $0x80  }
0x61: {  	[sflag:s9] =	ssyncset.done $0x0  }
0x62: {  	[sflag:s9] =	ssyncadd.s32 $0xFFFFFF80  }
0x63: {  	[spmem:s1] =	stream.indirect.scatter.add.f32 [tilespmem:s5], [sflag:$0xA], $0x80, s28, s21, $0xb8;
	[tilespmem:$0x1FB80] =	vst v63  }
0x64: {  	s17 =	sadd.s32 $0x30, s18;
	_ =	swait.ge [sflag:s25], $0x4000  }
0x65: {  	s15 =	simm.s32 $0x60;
	s14 =	simm.s32 $0x30;
	[sflag:s25] =	ssyncset.done $0x0  }
.LBB2_2:
0x66: {  	s16 =	sadd.s32 $0x20, s17;
	s17 =	sadd.s32 s14, s19;
	[sflag:s25] =	ssyncadd.s32 $0xFFFFC000  }
0x67: {  	[tilespmem:s26], [sflag:$0x3] =	stream.linear.gather [hbm4b:s16+s2], $0x80, $0x38;
	[tilespmem:$0x1FB80] =	vst v63  }
0x68: {  	s16 =	sadd.s32 $0x20, s17;
	s17 =	smov.u32 s15;
	s15 =	sadd.s32 $0x30, s15  }
0x69: {  	[tilespmem:s28], [sflag:$0x6] =	stream.linear.gather [hbm4b:s16+s2], $0x80, $0x38;
	[tilespmem:$0x1FB80] =	vst v63  }
0x6a: {  	p2 =	sne.s32 s15, $0x4E0;
	_ =	swait.ge [sflag:s29], $0x80  }
0x6b: {  	[sflag:s29] =	ssyncset.done $0x0  }
0x6c: {  	[sflag:s29] =	ssyncadd.s32 $0xFFFFFF80  }
0x6d: {  	[tilespmem:s30], [sflag:$0x8] =	stream.indirect.gather [hbm4b:s4+s21], $0x80, s21, s21, $0xb8;
	[tilespmem:$0x1FB80] =	vst v63  }
0x6e: {  	_ =	swait.ge [sflag:s31], $0x4000  }
0x6f: {  	[sflag:s31] =	ssyncset.done $0x0  }
0x70: {  	[sflag:s31] =	ssyncadd.s32 $0xFFFFC000  }
0x71: {  	_ =	swait.ge [sflag:s0], $0x80  }
0x72: {  	[sflag:s0] =	ssyncset.done $0x0  }
0x73: {  	[sflag:s0] =	ssyncadd.s32 $0xFFFFFF80  }
0x74: {  	[spmem:s1] =	stream.indirect.scatter.add.f32 [tilespmem:s24], [sflag:$0xA], $0x80, s20, s21, $0xb8;
	[tilespmem:$0x1FB80] =	vst v63  }
0x75: {  	p3 =	seq.s32 s14, $0x4B0;
	_ =	swait.ge [sflag:s25], $0x4000  }
0x76: {  	s16 =	sadd.s32 @!p3 s14, s18;
	s14 =	sadd.s32 @!p3 s14, s19;
	[sflag:s25] =	ssyncset.done $0x0  }
0x77: {  	s12 =	simm.s32 @!p3 $0x0;
	s23 =	sadd.s32 @!p3 $0x30, s16;
	[sflag:s25] =	ssyncadd.s32 $0xFFFFC000  }
0x78: {  	[tilespmem:s12], [sflag:$0x1] =	stream.linear.gather @!p3 [hbm4b:s23+s12], $0x80, $0x38;
	[tilespmem:$0x1FB80] =	vst v63  }
0x79: {  	s13 =	simm.s32 @!p3 $0x180;
	s16 =	sadd.s32 @!p3 $0x40, s16;
	s23 =	sadd.s32 @!p3 $0x30, s14  }
0x7a: {  	[tilespmem:s13], [sflag:$0x4] =	stream.linear.gather @!p3 [hbm4b:s23+s12], $0x80, $0x38;
	[tilespmem:$0x1FB80] =	vst v63  }
0x7b: {  	s13 =	sadd.s32 @!p3 $0x40, s14;
	s14 =	smov.u32 s17;
	_ =	swait.ge [sflag:s3], $0x80  }
0x7c: {  	[sflag:s3] =	ssyncset.done $0x0  }
0x7d: {  	[sflag:s3] =	ssyncadd.s32 $0xFFFFFF80  }
0x7e: {  	[tilespmem:s5], [sflag:$0x9] =	stream.indirect.gather [hbm4b:s4+s21], $0x80, s26, s21, $0xb8;
	[tilespmem:$0x1FB80] =	vst v63  }
0x7f: {  	_ =	swait.ge [sflag:s6], $0x4000  }
0x80: {  	[sflag:s6] =	ssyncset.done $0x0  }
0x81: {  	[sflag:s6] =	ssyncadd.s32 $0xFFFFC000  }
0x82: {  	_ =	swait.ge [sflag:s7], $0x80  }
0x83: {  	[sflag:s7] =	ssyncset.done $0x0  }
0x84: {  	[sflag:s7] =	ssyncadd.s32 $0xFFFFFF80  }
0x85: {  	[spmem:s1] =	stream.indirect.scatter.add.f32 [tilespmem:s30], [sflag:$0xA], $0x80, s22, s21, $0xb8;
	[tilespmem:$0x1FB80] =	vst v63  }
0x86: {  	_ =	swait.ge [sflag:s25], $0x4000  }
0x87: {  	[sflag:s25] =	ssyncset.done $0x0  }
0x88: {  	s17 =	simm.s32 @!p3 $0x80;
	[sflag:s25] =	ssyncadd.s32 $0xFFFFC000  }
0x89: {  	[tilespmem:s17], [sflag:$0x2] =	stream.linear.gather @!p3 [hbm4b:s16+s12], $0x80, $0x38;
	[tilespmem:$0x1FB80] =	vst v63  }
0x8a: {  	s23 =	simm.s32 @!p3 $0x1;
	s16 =	simm.s32 @!p3 $0x200  }
0x8b: {  	[tilespmem:s16], [sflag:$0x5] =	stream.linear.gather @!p3 [hbm4b:s13+s12], $0x80, $0x38;
	[tilespmem:$0x1FB80] =	vst v63  }
0x8c: {  	_ =	swait.ge @!p3 [sflag:s23], $0x80  }
0x8d: {  	[sflag:s23] =	ssyncset.done @!p3 $0x0  }
0x8e: {  	s13 =	simm.s32 @!p3 $0x300;
	[sflag:s23] =	ssyncadd.s32 @!p3 $0xFFFFFF80  }
0x8f: {  	[tilespmem:s13], [sflag:$0x7] =	stream.indirect.gather @!p3 [hbm4b:s4+s17], $0x80, s12, s17, $0xb8;
	[tilespmem:$0x1FB80] =	vst v63  }
0x90: {  	_ =	swait.ge [sflag:s8], $0x4000  }
0x91: {  	[sflag:s8] =	ssyncset.done $0x0  }
0x92: {  	[sflag:s8] =	ssyncadd.s32 $0xFFFFC000  }
0x93: {  	_ =	swait.ge [sflag:s9], $0x80  }
.Ltmp0:
0x94: {  	[sflag:s9] =	ssyncset.done $0x0;
	(pc) =	sbr.rel @p2 .LBB2_2-.Ltmp0, $4  }
0x95: {  	[sflag:s9] =	ssyncadd.s32 $0xFFFFFF80  }
0x96: {  	[spmem:s1] =	stream.indirect.scatter.add.f32 [tilespmem:s5], [sflag:$0xA], $0x80, s28, s21, $0xb8;
	[tilespmem:$0x1FB80] =	vst v63  }
0x97: {  	_ =	swait.ge [sflag:s25], $0x4000  }
0x98: {  	s17 =	sadd.s32 s14, s18;
	[sflag:s25] =	ssyncset.done $0x0  }
0x99: {  	s12 =	sadd.s32 $0x20, s17;
	s13 =	sadd.s32 s14, s19;
	[sflag:s25] =	ssyncadd.s32 $0xFFFFC000  }
0x9a: {  	[tilespmem:s26], [sflag:$0x3] =	stream.linear.gather [hbm4b:s12+s2], $0x80, $0x38;
	[tilespmem:$0x1FB80] =	vst v63  }
0x9b: {  	s15 =	sadd.s32 $0x20, s13  }
0x9c: {  	[tilespmem:s28], [sflag:$0x6] =	stream.linear.gather [hbm4b:s15+s2], $0x80, $0x38;
	[tilespmem:$0x1FB80] =	vst v63  }
0x9d: {  	_ =	swait.ge [sflag:s29], $0x80  }
0x9e: {  	[sflag:s29] =	ssyncset.done $0x0  }
0x9f: {  	[sflag:s29] =	ssyncadd.s32 $0xFFFFFF80  }
0xa0: {  	[tilespmem:s30], [sflag:$0x8] =	stream.indirect.gather [hbm4b:s4+s21], $0x80, s21, s21, $0xb8;
	[tilespmem:$0x1FB80] =	vst v63  }
0xa1: {  	_ =	swait.ge [sflag:s31], $0x4000  }
0xa2: {  	[sflag:s31] =	ssyncset.done $0x0  }
0xa3: {  	[sflag:s31] =	ssyncadd.s32 $0xFFFFC000  }
0xa4: {  	_ =	swait.ge [sflag:s0], $0x80  }
0xa5: {  	[sflag:s0] =	ssyncset.done $0x0  }
0xa6: {  	[sflag:s0] =	ssyncadd.s32 $0xFFFFFF80  }
0xa7: {  	[spmem:s1] =	stream.indirect.scatter.add.f32 [tilespmem:s24], [sflag:$0xA], $0x80, s20, s21, $0xb8;
	[tilespmem:$0x1FB80] =	vst v63  }
0xa8: {  	p2 =	seq.s32 s14, $0x4B0;
	_ =	swait.ge [sflag:s25], $0x4000  }
0xa9: {  	s12 =	sadd.s32 @!p2 s14, s18;
	s13 =	sadd.s32 @!p2 s14, s19;
	[sflag:s25] =	ssyncset.done $0x0  }
0xaa: {  	s14 =	sadd.s32 @!p2 $0x30, s12;
	s15 =	simm.s32 @!p2 $0x0;
	[sflag:s25] =	ssyncadd.s32 $0xFFFFC000  }
0xab: {  	[tilespmem:s15], [sflag:$0x1] =	stream.linear.gather @!p2 [hbm4b:s14+s15], $0x80, $0x38;
	[tilespmem:$0x1FB80] =	vst v63  }
0xac: {  	s16 =	simm.s32 @!p2 $0x180;
	s14 =	sadd.s32 @!p2 $0x30, s13  }
0xad: {  	[tilespmem:s16], [sflag:$0x4] =	stream.linear.gather @!p2 [hbm4b:s14+s15], $0x80, $0x38;
	[tilespmem:$0x1FB80] =	vst v63  }
0xae: {  	_ =	swait.ge [sflag:s3], $0x80  }
0xaf: {  	[sflag:s3] =	ssyncset.done $0x0  }
0xb0: {  	[sflag:s3] =	ssyncadd.s32 $0xFFFFFF80  }
0xb1: {  	[tilespmem:s5], [sflag:$0x9] =	stream.indirect.gather [hbm4b:s4+s21], $0x80, s26, s21, $0xb8;
	[tilespmem:$0x1FB80] =	vst v63  }
0xb2: {  	_ =	swait.ge [sflag:s6], $0x4000  }
0xb3: {  	[sflag:s6] =	ssyncset.done $0x0  }
0xb4: {  	[sflag:s6] =	ssyncadd.s32 $0xFFFFC000  }
0xb5: {  	_ =	swait.ge [sflag:s7], $0x80  }
0xb6: {  	[sflag:s7] =	ssyncset.done $0x0  }
0xb7: {  	[sflag:s7] =	ssyncadd.s32 $0xFFFFFF80  }
0xb8: {  	[spmem:s1] =	stream.indirect.scatter.add.f32 [tilespmem:s30], [sflag:$0xA], $0x80, s22, s21, $0xb8;
	[tilespmem:$0x1FB80] =	vst v63  }
0xb9: {  	_ =	swait.ge [sflag:s25], $0x4000  }
0xba: {  	[sflag:s25] =	ssyncset.done $0x0  }
0xbb: {  	s12 =	sadd.s32 @!p2 $0x40, s12;
	s14 =	simm.s32 @!p2 $0x80;
	[sflag:s25] =	ssyncadd.s32 $0xFFFFC000  }
0xbc: {  	[tilespmem:s14], [sflag:$0x2] =	stream.linear.gather @!p2 [hbm4b:s12+s15], $0x80, $0x38;
	[tilespmem:$0x1FB80] =	vst v63  }
0xbd: {  	s12 =	sadd.s32 @!p2 $0x40, s13;
	s13 =	simm.s32 @!p2 $0x200  }
0xbe: {  	[tilespmem:s13], [sflag:$0x5] =	stream.linear.gather @!p2 [hbm4b:s12+s15], $0x80, $0x38;
	[tilespmem:$0x1FB80] =	vst v63  }
0xbf: {  	s12 =	simm.s32 @!p2 $0x1  }
0xc0: {  	_ =	swait.ge @!p2 [sflag:s12], $0x80  }
0xc1: {  	[sflag:s12] =	ssyncset.done @!p2 $0x0  }
0xc2: {  	[sflag:s12] =	ssyncadd.s32 @!p2 $0xFFFFFF80;
	s12 =	simm.s32 @!p2 $0x300  }
0xc3: {  	[tilespmem:s12], [sflag:$0x7] =	stream.indirect.gather @!p2 [hbm4b:s4+s14], $0x80, s15, s14, $0xb8;
	[tilespmem:$0x1FB80] =	vst v63  }
0xc4: {  	_ =	swait.ge [sflag:s8], $0x4000  }
0xc5: {  	[sflag:s8] =	ssyncset.done $0x0  }
0xc6: {  	[sflag:s8] =	ssyncadd.s32 $0xFFFFC000  }
0xc7: {  	_ =	swait.ge [sflag:s9], $0x80  }
0xc8: {  	[sflag:s9] =	ssyncset.done $0x0  }
0xc9: {  	[sflag:s9] =	ssyncadd.s32 $0xFFFFFF80  }
0xca: {  	[spmem:s1] =	stream.indirect.scatter.add.f32 [tilespmem:s5], [sflag:$0xA], $0x80, s28, s21, $0xb8;
	[tilespmem:$0x1FB80] =	vst v63  }
0xcb: {  	_ =	swait.ge [sflag:s25], $0x4000  }
0xcc: {  	[sflag:s25] =	ssyncset.done $0x0  }
0xcd: {  	s12 =	simm.s32 @!p1 $0x0;
	s13 =	rddreg [dreg:$0xc];
	[sflag:s25] =	ssyncadd.s32 $0xFFFFC000  }
0xce: {  	[tilespmem:s12], [sflag:$0x1] =	stream.linear.gather @!p1 [hbm4b:s13+s12], $0x80, $0x38;
	[tilespmem:$0x1FB80] =	vst v63  }
0xcf: {  	s14 =	rddreg [dreg:$0xd];
	s13 =	simm.s32 @!p1 $0x180  }
0xd0: {  	[tilespmem:s13], [sflag:$0x4] =	stream.linear.gather @!p1 [hbm4b:s14+s12], $0x80, $0x38;
	[tilespmem:$0x1FB80] =	vst v63  }
0xd1: {  	s14 =	simm.s32 @!p1 $0x1  }
0xd2: {  	_ =	swait.ge @!p1 [sflag:s14], $0x80  }
0xd3: {  	[sflag:s14] =	ssyncset.done @!p1 $0x0  }
0xd4: {  	s15 =	simm.s32 @!p1 $0x300;
	[sflag:s14] =	ssyncadd.s32 @!p1 $0xFFFFFF80;
	s14 =	simm.s32 @!p1 $0x80  }
0xd5: {  	[tilespmem:s15], [sflag:$0x7] =	stream.indirect.gather @!p1 [hbm4b:s4+s14], $0x80, s12, s14, $0xb8;
	[tilespmem:$0x1FB80] =	vst v63  }
0xd6: {  	s12 =	simm.s32 @!p1 $0x7  }
0xd7: {  	_ =	swait.ge @!p1 [sflag:s12], $0x4000  }
0xd8: {  	[sflag:s12] =	ssyncset.done @!p1 $0x0  }
0xd9: {  	[sflag:s12] =	ssyncadd.s32 @!p1 $0xFFFFC000;
	s12 =	simm.s32 @!p1 $0x4  }
0xda: {  	_ =	swait.ge @!p1 [sflag:s12], $0x80  }
0xdb: {  	[sflag:s12] =	ssyncset.done @!p1 $0x0  }
0xdc: {  	[sflag:s12] =	ssyncadd.s32 @!p1 $0xFFFFFF80;
	s12 =	simm.s32 @!p1 $0xA  }
0xdd: {  	[spmem:s1] =	stream.indirect.scatter.add.f32 @!p1 [tilespmem:s15], [sflag:$0xA], $0x80, s13, s14, $0xb8;
	[tilespmem:$0x1FB80] =	vst v63  }
0xde: {  	_ =	swait.ge @!p1 [sflag:s12], $0x4000  }
0xdf: {  	[sflag:s12] =	ssyncset.done @!p1 $0x0  }
0xe0: {  	[sflag:s12] =	ssyncadd.s32 @!p1 $0xFFFFC000  }
0xe1: {  	[bflag:$0x0] =	sbarrier.arrive $0xFFFF  }
0xe2: {  	s16 =	rddreg [dreg:$0x3]  }
0xe3: {  	s13 =	rddreg [dreg:$0xe]  }
0xe4: {  	s17 =	rddreg [dreg:$0x10];
	s12 =	sadd.s32 s16, s13  }
0xe5: {  	[hbm:s12], [sflag:s11] =	dma.local [spmem:s17], $0x2700  }
0xe6: {  	_ =	swait.ge [sflag:s25], $0x2700  }
0xe7: {  	[sflag:s25] =	ssyncset.done $0x0  }
0xe8: {  	s12 =	sadd.s32 @!p0 $0x27000, s13;
	s13 =	rddreg [dreg:$0x11];
	[sflag:s25] =	ssyncadd.s32 $0xFFFFD900  }
0xe9: {  	[hbm:s12], [sflag:s11] =	dma.local @!p0 [spmem:s13], $0x100  }
0xea: {  	s11 =	simm.s32 @!p0 $0xA  }
0xeb: {  	_ =	swait.ge @!p0 [sflag:s11], $0x100  }
0xec: {  	s10 =	sadd.s32 $0x1, s10;
	s23 =	rddreg [dreg:$0xf]  }
0xed: {  	p2 =	sne.s32 s10, s23  }
.Ltmp1:
0xee: {  	_ = 	snop;
	(pc) =	sbr.rel @p2 .LBB2_1-.Ltmp1, $3  }
0xef: {  	_ =	sdelay $0x1  }
0xf0: {  	[sflag:s11] =	ssyncset.done @!p0 $0x0  }
0xf1: {  	[sflag:s11] =	ssyncadd.s32 @!p0 $0xFFFFFF00  }
0xf2: {  	_ =	sfence.sel $0x180000  }
0xf3: {  	[bflag:$0x0] =	sbarrier.arrive $0xFFFF  }
0xf4: {  	_ =	strace $0x9000004A  }
0xf5: {  	[bflag:$0x2] =	sbarrier.arrive $0xFFFF  }
0xf6: {  	s0 =	rddreg [dreg:$0x2]  }
0xf7: {  	s0 =	sadd.s32 @!p0 $0x100000, s0  }
0xf8: {  	[sflag:s0] =	ssyncadd.tile.s32 @!p0 $0x1;
	_ =	shalt  }
.Lfunc_end2:
_tile_overlayer_lowered:
.L_overlay_start_2:
0xf9: {  	(tag) =	ssettag $0x2  }
0xfa: {  	s0 =	rddreg [dreg:$0x0];
	s2 =	stileid.u32  }
0xfb: {  	s1 =	rddreg [dreg:$0x1];
	p0 =	sne.s32 s2, $0x0  }
0xfc: {  	s3 =	rddreg [dreg:$0x2];
	[bflag:$0x3] =	sbarrier.arrive $0xFFFF;
	s2 =	simm.s32 @!p0 $0x1C0A  }
0xfd: {  	[timem:s3], [sflag:s2] =	dma.local @!p0 [hbm:s0], s1  }
0xfe: {  	s0 =	simm.s32 @!p0 $0xA  }
0xff: {  	_ =	swait.ge @!p0 [sflag:s0], s1  }
0x100: {  	s1 =	ssub.s32 @!p0 $0x0, s1;
	[sflag:s0] =	ssyncset.done @!p0 $0x0  }
0x101: {  	[sflag:s0] =	ssyncadd.s32 @!p0 s1  }
0x102: {  	[bflag:$0x3] =	sbarrier.arrive $0xFFFF  }
0x103: {  	_ =	shalt  }

// kernel: kernel.14.cloned.1.call-start
scs
__scs_entry_jumppad:
0x0: {  	(pc) =	sbr.rel $0x88, $3  }
0x1: {  	(tag) =	ssettag $0x0;
	lr =	simm.s32 $0x1  }
0x2: {  	[smem:$0x3F85] =	sst lr;
	_ =	strace $0xD0000000  }
0x3: {  	_ = 	snop  }
0x4: {  	_ = 	snop  }
0x5: {  	_ = 	snop  }
0x6: {  	_ = 	snop  }
0x7: {  	_ = 	snop  }
__scs_overlays_trampoline_lowered:
0x8: {  	[smem:$0x3F94] =	sst s0  }
0x9: {  	[smem:$0x3F95] =	sst s1  }
0xa: {  	[smem:$0x3F96] =	sst s2  }
0xb: {  	[smem:$0x3F97] =	sst s3  }
0xc: {  	[smem:$0x3F98] =	sst s4  }
0xd: {  	[smem:$0x3F99] =	sst s5  }
0xe: {  	[smem:$0x3F9A] =	sst s6  }
0xf: {  	[smem:$0x3F9B] =	sst s7  }
0x10: {  	[smem:$0x3F9C] =	sst s8  }
0x11: {  	[smem:$0x3F9D] =	sst s9;
	s0 =	simm.s32 @!p0 $0x0  }
0x12: {  	s1 =	sld [smem:$0x3F83];
	s0 =	simm.s32 @p0 $0x1  }
0x13: {  	[smem:$0x3F9E] =	sst s0;
	s0 =	simm.s32 @!p1 $0x0  }
0x14: {  	s2 =	sld [smem:$0x3F82];
	s0 =	simm.s32 @p1 $0x1  }
0x15: {  	[smem:$0x3F9F] =	sst s0;
	s0 =	simm.s32 @!p2 $0x0  }
0x16: {  	s3 =	sld [smem:$0x3FDB];
	s0 =	simm.s32 @p2 $0x1  }
0x17: {  	s4 =	simm.s32 $0x1BF5;
	[smem:$0x3FA1] =	sst s0  }
0x18: {  	s0 =	sld [smem:$0x3F84];
	_ =	swait.ge [sflag:s4], $0x0  }
0x19: {  	s7 =	sld [smem:$0x3F85]  }
0x1a: {  	s8 =	sadd.s32 $0xFFFFE003, lr  }
0x1b: {  	s9 =	sadd.s32 $0xFFFFFEF7, lr;
	s5 =	simm.s32 $0xFFFFFFFF;
	p2 =	slt.u32 s8, $0xFFFFF086  }
0x1c: {  	p1 =	slt.u32 s9, $0xF7A;
	s5 =	simm.s32 @!p2 $0x0  }
0x1d: {  	s5 =	simm.s32 @p1 $0x1;
	p0 =	seq.s32 s7, s2  }
0x1e: {  	s7 =	smul.u32 @!p0 $0xF7A, s2;
	p2 =	seq.s32 @!p0 s5, $0x0  }
0x1f: {  	s9 =	smul.u32 $0xF7A, s1;
	s8 =	simm.s32 @!p0 $0x1BF5;
	p2 =	por !p2, p0  }
0x20: {  	[sflag:s8] =	ssyncset.s32 @!p0 $0xFFFFF086;
	s6 =	sadd.s32 @!p0 s3, s7;
	s7 =	simm.s32 @!p0 $0x108  }
0x21: {  	s3 =	sadd.s32 s3, s9;
	s6 =	sadd.s32 @!p0 $0x88, s6;
	s7 =	simm.s32 @p2 $0x1082  }
0x22: {  	[simem:s7], [sflag:s8] =	dma.local @!p0 [hbm:s6], $0xF7A  }
0x23: {  	s9 =	sor.u32 $0xD0000000, s2;
	s6 =	simm.s32 $0x108;
	_ =	swait.ge @!p0 [sflag:s8], $0x0  }
0x24: {  	s3 =	sadd.s32 $0x88, s3;
	s6 =	simm.s32 @!p1 $0x1082;
	[sflag:s4] =	ssyncset.s32 $0xFFFFF086  }
0x25: {  	[simem:s6], [sflag:s4] =	dma.local [hbm:s3], $0xF7A  }
0x26: {  	[smem:$0x3F85] =	sst s1;
	(tag) =	ssettag s2;
	_ =	strace s9  }
0x27: {  	s1 =	sld [smem:$0x3F95]  }
0x28: {  	s2 =	sld [smem:$0x3F96]  }
0x29: {  	s4 =	sld [smem:$0x3F98]  }
0x2a: {  	p0 =	seq.s32 s5, $0x0;
	s5 =	sld [smem:$0x3F99]  }
0x2b: {  	s6 =	sld [smem:$0x3F9A]  }
0x2c: {  	s7 =	sld [smem:$0x3F9B]  }
0x2d: {  	s3 =	simm.s32 $0x108;
	s8 =	sld [smem:$0x3F9C]  }
0x2e: {  	s3 =	simm.s32 @!p0 $0x1082;
	s9 =	sld [smem:$0x3F9D]  }
0x2f: {  	lr =	sadd.s32 s0, s3;
	s0 =	sld [smem:$0x3F94]  }
0x30: {  	s3 =	sld [smem:$0x3F97]  }
0x31: {  	[smem:$0x3FA0] =	sst s10  }
0x32: {  	s10 =	sld [smem:$0x3F9E];
	_ =	sdelay $0x3  }
0x33: {  	p0 =	seq.s32 s10, $0x1;
	s10 =	sld [smem:$0x3FA0];
	_ =	sdelay $0x3  }
0x34: {  	[smem:$0x3FA0] =	sst s10  }
0x35: {  	s10 =	sld [smem:$0x3F9F];
	_ =	sdelay $0x3  }
0x36: {  	p1 =	seq.s32 s10, $0x1;
	s10 =	sld [smem:$0x3FA0];
	_ =	sdelay $0x3  }
0x37: {  	[smem:$0x3FA0] =	sst s10  }
0x38: {  	s10 =	sld [smem:$0x3FA1]  }
0x39: {  	_ = 	snop;
	(pc) =	sbr.ind lr, $3  }
0x3a: {  	_ = 	snop  }
0x3b: {  	_ = 	snop  }
0x3c: {  	p2 =	seq.s32 s10, $0x1;
	s10 =	sld [smem:$0x3FA0]  }
0x3d: {  	_ =	shalt  }
0x3e: {  	_ =	shalt  }
0x3f: {  	_ =	shalt  }
0x40: {  	_ =	shalt  }
0x41: {  	_ =	shalt  }
0x42: {  	_ =	shalt  }
0x43: {  	_ =	shalt  }
0x44: {  	_ =	shalt  }
0x45: {  	_ =	shalt  }
0x46: {  	_ =	shalt  }
0x47: {  	_ =	shalt  }
0x48: {  	_ =	shalt  }
0x49: {  	_ =	shalt  }
0x4a: {  	_ =	shalt  }
0x4b: {  	_ =	shalt  }
0x4c: {  	_ =	shalt  }
0x4d: {  	_ =	shalt  }
0x4e: {  	_ =	shalt  }
0x4f: {  	_ =	shalt  }
0x50: {  	_ =	shalt  }
0x51: {  	_ =	shalt  }
0x52: {  	_ =	shalt  }
0x53: {  	_ =	shalt  }
0x54: {  	_ =	shalt  }
0x55: {  	_ =	shalt  }
0x56: {  	_ =	shalt  }
0x57: {  	_ =	shalt  }
0x58: {  	_ =	shalt  }
0x59: {  	_ =	shalt  }
0x5a: {  	_ =	shalt  }
0x5b: {  	_ =	shalt  }
0x5c: {  	_ =	shalt  }
0x5d: {  	_ =	shalt  }
0x5e: {  	_ =	shalt  }
0x5f: {  	_ =	shalt  }
0x60: {  	_ =	shalt  }
0x61: {  	_ =	shalt  }
0x62: {  	_ =	shalt  }
0x63: {  	_ =	shalt  }
0x64: {  	_ =	shalt  }
0x65: {  	_ =	shalt  }
0x66: {  	_ =	shalt  }
0x67: {  	_ =	shalt  }
0x68: {  	_ =	shalt  }
0x69: {  	_ =	shalt  }
0x6a: {  	_ =	shalt  }
0x6b: {  	_ =	shalt  }
0x6c: {  	_ =	shalt  }
0x6d: {  	_ =	shalt  }
0x6e: {  	_ =	shalt  }
0x6f: {  	_ =	shalt  }
0x70: {  	_ =	shalt  }
0x71: {  	_ =	shalt  }
0x72: {  	_ =	shalt  }
0x73: {  	_ =	shalt  }
0x74: {  	_ =	shalt  }
0x75: {  	_ =	shalt  }
0x76: {  	_ =	shalt  }
0x77: {  	_ =	shalt  }
0x78: {  	_ =	shalt  }
0x79: {  	_ =	shalt  }
0x7a: {  	_ =	shalt  }
0x7b: {  	_ =	shalt  }
0x7c: {  	_ =	shalt  }
0x7d: {  	_ =	shalt  }
0x7e: {  	_ =	shalt  }
0x7f: {  	_ =	shalt  }
0x80: {  	_ =	shalt  }
0x81: {  	_ =	shalt  }
0x82: {  	_ =	shalt  }
0x83: {  	_ =	shalt  }
0x84: {  	_ =	shalt  }
0x85: {  	_ =	shalt  }
0x86: {  	_ =	shalt  }
0x87: {  	_ =	shalt  }
.Lfunc_end0:
.L_simem_size_0:
called_computation.2_lowered:
.L_overlay_start_0:
0x88: {  	s2 =	sld [smem:$0x3FD9]  }
0x89: {  	s3 =	sld [smem:$0x3FFE];
	_ =	sdelay $0x1  }
0x8a: {  	s1 =	srdreg.scid  }
0x8b: {  	s0 =	sand.u32 $0x1, s1  }
0x8c: {  	s16 =	sshll.u32 s0, $0xA;
	s2 =	sadd.s32 s3, s2  }
0x8d: {  	s2 =	sadd.s32 s2, s16  }
0x8e: {  	[smem:$0x3FAC] =	sst s2  }
0x8f: {  	_ = 	snop  }
0x90: {  	(tm) =	ssettm $0x1  }
0x91: {  	s17 =	sld [smem:$0x3FFB];
	_ =	sdelay $0x3  }
0x92: {  	_ =	strace s17  }
0x93: {  	s2 =	sld [smem:$0x3FFC];
	_ =	sdelay $0x3  }
0x94: {  	_ =	strace s2  }
0x95: {  	s2 =	sld [smem:$0x3FFD];
	_ =	sdelay $0x3  }
0x96: {  	_ =	strace s2  }
0x97: {  	_ =	strace $0x8FFFFFFF  }
0x98: {  	s18 =	sld [smem:$0x3FDB];
	_ =	sdelay $0x1  }
0x99: {  	s19 =	simm.s32 $_scs_section_size  }
0x9a: {  	s4 =	simm.s32 $_size__tile_overlayer_lowered;
	s5 =	simm.s32 $_tile_overlayer_lowered  }
0x9b: {  	s22 =	simm.s32 $0x1BFF;
	s21 =	sshll.u32 s5, $0x1;
	s2 =	sadd.s32 s19, s18  }
0x9c: {  	s6 =	simm.s32 $0x0;
	s20 =	sshll.u32 s4, $0x1;
	s4 =	sadd.s32 s21, s2  }
0x9d: {  	[timem:s6], [sflag:s22] =	dma.local [hbm:s4], s20  }
0x9e: {  	_ =	swait.ge [sflag:s22], s20  }
0x9f: {  	s3 =	ssub.s32 $0x0, s20;
	[sflag:s22] =	ssyncset.done $0x0  }
0xa0: {  	[sflag:s22] =	ssyncadd.s32 s3;
	_ =	sdelay $0x1  }
0xa1: {  	s23 =	simm.s32 $0x1B8B  }
0xa2: {  	_ =	swait.ge [sflag:s23], $0x1  }
0xa3: {  	[sflag:s23] =	ssyncset.done $0x0  }
0xa4: {  	s25 =	simm.s32 $0x1B8E;
	s24 =	sld [smem:$0x3FFE];
	[sflag:s23] =	ssyncadd.s32 $0xFFFFFFFF  }
0xa5: {  	s26 =	simm.s32 $execute0_lowered;
	[smem:$0x3FD2] =	sst s25  }
0xa6: {  	s4 =	sshll.u32 s26, $0x1;
	_ =	strace $0x8000004C;
	[dreg:$0x1] =	wrdreg $0xFFFFFFFF  }
0xa7: {  	s28 =	simm.s32 $_size_execute0_lowered;
	s2 =	sadd.s32 s2, s4;
	[dreg:$0x0] =	wrdreg $0x0  }
0xa8: {  	s4 =	sshll.u32 s28, $0x1;
	[dreg:$0x2] =	wrdreg s2  }
0xa9: {  	[dreg:$0x3] =	wrdreg s4  }
0xaa: {  	[dreg:$0x4] =	wrdreg $0xC0  }
0xab: {  	_ =	task [dreg:s6], $0x5FFFF  }
0xac: {  	[dreg:$0x1] =	wrdreg $0xFFFFFFFF  }
0xad: {  	[dreg:$0x0] =	wrdreg $0x60  }
0xae: {  	[dreg:$0x2] =	wrdreg s24  }
0xaf: {  	[dreg:$0x3] =	wrdreg $0xC3000  }
0xb0: {  	[dreg:$0x4] =	wrdreg $0x9  }
0xb1: {  	_ =	task.clear_ibuf [dreg:s6], $0x5FFFF;
	_ =	strace $0x9000004C  }
0xb2: {  	s29 =	simm.s32 $0x9;
	_ =	strace $0x8000004E  }
0xb3: {  	_ =	swait.ge [sflag:s29], $0x1  }
0xb4: {  	[sflag:s29] =	ssyncadd.s32 $0xFFFFFFFF  }
0xb5: {  	_ =	strace $0x9000004E  }
0xb6: {  	_ =	sfence  }
0xb7: {  	s30 =	sld [smem:$0x0];
	_ =	sdelay $0x2  }
0xb8: {  	s31 =	sshll.u32 s1, $0xD;
	s1 =	sshrl.u32 s1, $0x2  }
0xb9: {  	s3 =	sand.u32 $0x4000, s31;
	s1 =	sadd.s32 s1, s30  }
0xba: {  	s0 =	sor.u32 s3, s0;
	s1 =	sshll.u32 s1, $0x11  }
0xbb: {  	s0 =	sor.u32 s1, s0  }
0xbc: {  	s0 =	sadd.s32 $0x8F2B, s0  }
0xbd: {  	[sflag:s0] =	ssyncadd.remote.s32 $0x1  }
0xbe: {  	_ =	sfence.sel $0xFFFF  }
0xbf: {  	[dreg:$0x0] =	wrdreg $0xFFFFFFFF;
	(pc) =	sbr.abs _section_cstart, $3  }
0xc0: {  	[dreg:$0x1] =	wrdreg $0xFFFFFFFF  }
0xc1: {  	_ =	task.clear_ibuf [dreg:s6], $0x2FFFF;
	_ =	strace $0x9FFFFFFF  }
0xc2: {  	(tm) =	ssettm $0x7FFFFFFF  }
0xc3: {  	_ =	shalt  }
tec
execute0_lowered:
.L_overlay_start_1:
0x0: {  	(tag) =	ssettag $0x1  }
0x1: {  	s0 =	rddreg [dreg:$0x0]  }
0x2: {  	s1 =	rddreg [dreg:$0x1]  }
0x3: {  	s2 =	simm.s32 $0x0;
	s3 =	srdreg.scid;
	s14 =	stileid.u32  }
0x4: {  	s28 =	simm.s32 $0x280;
	s29 =	simm.s32 $0x2;
	s30 =	simm.s32 $0x4300  }
0x5: {  	s31 =	simm.s32 $0x7;
	[smem:$0x7FF] =	sst s2;
	s3 =	sand.u32 $0x1, s3  }
0x6: {  	s4 =	sadd.s32 $0x40200, s0;
	s11 =	smul.u32 $0x2700, s14;
	s6 =	sadd.s32 $0xF200, s0  }
0x7: {  	s8 =	sadd.s32 $0x5400, s0;
	s13 =	smul.u32 $0x4E000, s14;
	s22 =	sadd.s32 $0x138000, s1  }
0x8: {  	s23 =	sshll.u32 s14, $0x4;
	s25 =	smul.u32 $0x4E0, s14;
	p0 =	sne.s32 s14, $0x0  }
0x9: {  	_ =	strace $0x8000004D;
	s5 =	sshll.u32 s3, $0x4;
	s7 =	smul.u32 $0x27100, s3  }
0xa: {  	s9 =	ssub.s32 $0x2, s3;
	[dreg:$0xa] =	wrdreg s22;
	s24 =	sor.u32 $0x9C00, s23  }
0xb: {  	s3 =	smul.u32 $0x4E00, s3;
	s22 =	simm.s32 $0x200;
	s5 =	sor.u32 s14, s5  }
0xc: {  	[dreg:$0x3] =	wrdreg s11;
	s11 =	sadd.s32 s11, s0;
	s18 =	sshrl.u32 s13, $0x2  }
0xd: {  	s12 =	sshrl.u32 s9, $0x1;
	s10 =	smul.u32 $0x4E0, s5;
	s20 =	sadd.s32 s18, s1  }
0xe: {  	s7 =	sadd.s32 s7, s0;
	s21 =	sadd.s32 $0x19000, s11;
	[dreg:$0x8] =	wrdreg s20  }
0xf: {  	s9 =	ssub.s32 s9, s12;
	s0 =	sadd.s32 $0x40000, s0;
	[dreg:$0x9] =	wrdreg s21  }
0x10: {  	p1 =	sgt.u32 s5, $0x3;
	[dreg:$0xb] =	wrdreg s0;
	s0 =	sadd.s32 s8, s24  }
0x11: {  	s5 =	simm.s32 $0x8300;
	s7 =	sadd.s32 $0x67400, s7;
	[dreg:$0xd] =	wrdreg s0  }
0x12: {  	s26 =	smax.u32 s9, $0x1;
	s20 =	simm.s32 $0x180;
	[dreg:$0xe] =	wrdreg s7  }
0x13: {  	s21 =	simm.s32 $0x80;
	s16 =	sadd.s32 s6, s10;
	[dreg:$0xf] =	wrdreg s26  }
0x14: {  	s17 =	sadd.s32 s8, s10;
	s10 =	sor.u32 $0x10, s10;
	[dreg:$0x4] =	wrdreg s16  }
0x15: {  	s9 =	simm.s32 $0x6;
	[dreg:$0x5] =	wrdreg s17;
	s19 =	sadd.s32 s6, s10  }
0x16: {  	s26 =	simm.s32 $0x100;
	s10 =	sadd.s32 s8, s10;
	[dreg:$0x6] =	wrdreg s19  }
0x17: {  	s0 =	simm.s32 $0x4;
	s7 =	simm.s32 $0x5;
	[dreg:$0x7] =	wrdreg s10  }
0x18: {  	s10 =	sadd.s32 s6, s24;
	s6 =	sadd.s32 s3, s6;
	s3 =	sadd.s32 s3, s8  }
0x19: {  	s24 =	simm.s32 $0x300;
	s8 =	simm.s32 $0x9;
	[dreg:$0xc] =	wrdreg s10  }
0x1a: {  	s18 =	sadd.s32 s25, s6;
	s19 =	sadd.s32 s25, s3;
	s25 =	simm.s32 $0xA  }
0x1b: {  	s3 =	simm.s32 $0x3;
	s6 =	simm.s32 $0x8;
	s10 =	simm.s32 $0x0  }
.LBB2_1:
0x1c: {  	s11 =	rddreg [dreg:$0x4]  }
0x1d: {  	[tilespmem:s2], [sflag:$0x1] =	stream.linear.gather [hbm4b:s11+s2], $0x80, $0x38;
	[tilespmem:$0x1FB80] =	vst v63  }
0x1e: {  	s23 =	rddreg [dreg:$0x5]  }
0x1f: {  	[tilespmem:s20], [sflag:$0x4] =	stream.linear.gather [hbm4b:s23+s2], $0x80, $0x38;
	[tilespmem:$0x1FB80] =	vst v63  }
0x20: {  	s12 =	rddreg [dreg:$0x6]  }
0x21: {  	[tilespmem:s21], [sflag:$0x2] =	stream.linear.gather [hbm4b:s12+s2], $0x80, $0x38;
	[tilespmem:$0x1FB80] =	vst v63  }
0x22: {  	s13 =	rddreg [dreg:$0x7];
	s14 =	simm.s32 $0x1  }
0x23: {  	[tilespmem:s22], [sflag:$0x5] =	stream.linear.gather [hbm4b:s13+s2], $0x80, $0x38;
	[tilespmem:$0x1FB80] =	vst v63  }
0x24: {  	s15 =	stileid.u32;
	_ =	swait.ge [sflag:s14], $0x80  }
0x25: {  	s11 =	sshll.u32 s15, $0x6;
	[sflag:s14] =	ssyncset.done $0x0;
	s12 =	rddreg [dreg:$0x8]  }
0x26: {  	s16 =	rddreg [dreg:$0x9];
	[sflag:s14] =	ssyncadd.s32 $0xFFFFFF80;
	s13 =	sshrl.u32 s12, $0x3  }
0x27: {  	[tilespmem:s24], [sflag:$0x7] =	stream.indirect.gather [hbm4b:s4+s21], $0x80, s2, s21, $0xb8;
	[tilespmem:$0x1FB80] =	vst v63  }
0x28: {  	s11 =	sor.u32 $0x1C0A, s11;
	[dreg:$0x10] =	wrdreg s13  }
0x29: {  	[spmem:s13], [sflag:s11] =	dma.local [hbm:s16], $0x2700  }
0x2a: {  	_ =	swait.ge [sflag:s25], $0x2700  }
0x2b: {  	s12 =	rddreg [dreg:$0xa]  }
0x2c: {  	[sflag:s25] =	ssyncset.done $0x0;
	s13 =	sshrl.u32 @!p0 s12, $0x3;
	s12 =	rddreg [dreg:$0xb]  }
0x2d: {  	s14 =	simm.s32 @!p0 $0xA;
	[sflag:s25] =	ssyncadd.s32 $0xFFFFD900;
	[dreg:$0x11] =	wrdreg s13  }
0x2e: {  	[spmem:s13], [sflag:s11] =	dma.local @!p0 [hbm:s12], $0x100  }
0x2f: {  	_ =	swait.ge @!p0 [sflag:s14], $0x100  }
0x30: {  	[sflag:s14] =	ssyncset.done @!p0 $0x0  }
0x31: {  	s17 =	sadd.s32 $0x0, s18;
	[sflag:s14] =	ssyncadd.s32 @!p0 $0xFFFFFF00  }
0x32: {  	s15 =	sadd.s32 $0x0, s19;
	s14 =	sadd.s32 $0x20, s17;
	[bflag:$0x0] =	sbarrier.arrive $0xFFFF  }
0x33: {  	[tilespmem:s26], [sflag:$0x3] =	stream.linear.gather [hbm4b:s14+s2], $0x80, $0x38;
	[tilespmem:$0x1FB80] =	vst v63  }
0x34: {  	s23 =	sadd.s32 $0x20, s15  }
0x35: {  	[tilespmem:s28], [sflag:$0x6] =	stream.linear.gather [hbm4b:s23+s2], $0x80, $0x38;
	[tilespmem:$0x1FB80] =	vst v63  }
0x36: {  	_ =	swait.ge [sflag:s29], $0x80  }
0x37: {  	[sflag:s29] =	ssyncset.done $0x0  }
0x38: {  	[sflag:s29] =	ssyncadd.s32 $0xFFFFFF80  }
0x39: {  	[tilespmem:s30], [sflag:$0x8] =	stream.indirect.gather [hbm4b:s4+s21], $0x80, s21, s21, $0xb8;
	[tilespmem:$0x1FB80] =	vst v63  }
0x3a: {  	_ =	swait.ge [sflag:s31], $0x4000  }
0x3b: {  	[sflag:s31] =	ssyncset.done $0x0  }
0x3c: {  	[sflag:s31] =	ssyncadd.s32 $0xFFFFC000  }
0x3d: {  	_ =	swait.ge [sflag:s0], $0x80  }
0x3e: {  	[sflag:s0] =	ssyncset.done $0x0  }
0x3f: {  	[sflag:s0] =	ssyncadd.s32 $0xFFFFFF80  }
0x40: {  	[spmem:s1] =	stream.indirect.scatter.add.f32 [tilespmem:s24], [sflag:$0xA], $0x80, s20, s21, $0xb8;
	[tilespmem:$0x1FB80] =	vst v63  }
0x41: {  	p2 =	por $0x0, $0x0;
	_ =	swait.ge [sflag:s25], $0x4000  }
0x42: {  	s15 =	sadd.s32 @!p2 $0x0, s19;
	s14 =	sadd.s32 @!p2 $0x0, s18;
	[sflag:s25] =	ssyncset.done $0x0  }
0x43: {  	s17 =	sadd.s32 @!p2 $0x30, s14;
	s23 =	simm.s32 @!p2 $0x0;
	[sflag:s25] =	ssyncadd.s32 $0xFFFFC000  }
0x44: {  	[tilespmem:s23], [sflag:$0x1] =	stream.linear.gather @!p2 [hbm4b:s17+s23], $0x80, $0x38;
	[tilespmem:$0x1FB80] =	vst v63  }
0x45: {  	s16 =	simm.s32 @!p2 $0x180;
	s17 =	sadd.s32 @!p2 $0x30, s15  }
0x46: {  	[tilespmem:s16], [sflag:$0x4] =	stream.linear.gather @!p2 [hbm4b:s17+s23], $0x80, $0x38;
	[tilespmem:$0x1FB80] =	vst v63  }
0x47: {  	_ =	swait.ge [sflag:s3], $0x80  }
0x48: {  	[sflag:s3] =	ssyncset.done $0x0  }
0x49: {  	[sflag:s3] =	ssyncadd.s32 $0xFFFFFF80  }
0x4a: {  	[tilespmem:s5], [sflag:$0x9] =	stream.indirect.gather [hbm4b:s4+s21], $0x80, s26, s21, $0xb8;
	[tilespmem:$0x1FB80] =	vst v63  }
0x4b: {  	_ =	swait.ge [sflag:s6], $0x4000  }
0x4c: {  	[sflag:s6] =	ssyncset.done $0x0  }
0x4d: {  	[sflag:s6] =	ssyncadd.s32 $0xFFFFC000  }
0x4e: {  	_ =	swait.ge [sflag:s7], $0x80  }
0x4f: {  	[sflag:s7] =	ssyncset.done $0x0  }
0x50: {  	[sflag:s7] =	ssyncadd.s32 $0xFFFFFF80  }
0x51: {  	[spmem:s1] =	stream.indirect.scatter.add.f32 [tilespmem:s30], [sflag:$0xA], $0x80, s22, s21, $0xb8;
	[tilespmem:$0x1FB80] =	vst v63  }
0x52: {  	_ =	swait.ge [sflag:s25], $0x4000  }
0x53: {  	[sflag:s25] =	ssyncset.done $0x0  }
0x54: {  	s14 =	sadd.s32 @!p2 $0x40, s14;
	s16 =	simm.s32 @!p2 $0x80;
	[sflag:s25] =	ssyncadd.s32 $0xFFFFC000  }
0x55: {  	[tilespmem:s16], [sflag:$0x2] =	stream.linear.gather @!p2 [hbm4b:s14+s23], $0x80, $0x38;
	[tilespmem:$0x1FB80] =	vst v63  }
0x56: {  	s14 =	sadd.s32 @!p2 $0x40, s15;
	s15 =	simm.s32 @!p2 $0x200  }
0x57: {  	[tilespmem:s15], [sflag:$0x5] =	stream.linear.gather @!p2 [hbm4b:s14+s23], $0x80, $0x38;
	[tilespmem:$0x1FB80] =	vst v63  }
0x58: {  	s14 =	simm.s32 @!p2 $0x1  }
0x59: {  	_ =	swait.ge @!p2 [sflag:s14], $0x80  }
0x5a: {  	[sflag:s14] =	ssyncset.done @!p2 $0x0  }
0x5b: {  	[sflag:s14] =	ssyncadd.s32 @!p2 $0xFFFFFF80;
	s14 =	simm.s32 @!p2 $0x300  }
0x5c: {  	[tilespmem:s14], [sflag:$0x7] =	stream.indirect.gather @!p2 [hbm4b:s4+s16], $0x80, s23, s16, $0xb8;
	[tilespmem:$0x1FB80] =	vst v63  }
0x5d: {  	_ =	swait.ge [sflag:s8], $0x4000  }
0x5e: {  	[sflag:s8] =	ssyncset.done $0x0  }
0x5f: {  	[sflag:s8] =	ssyncadd.s32 $0xFFFFC000  }
0x60: {  	_ =	swait.ge [sflag:s9], $0x80  }
0x61: {  	[sflag:s9] =	ssyncset.done $0x0  }
0x62: {  	[sflag:s9] =	ssyncadd.s32 $0xFFFFFF80  }
0x63: {  	[spmem:s1] =	stream.indirect.scatter.add.f32 [tilespmem:s5], [sflag:$0xA], $0x80, s28, s21, $0xb8;
	[tilespmem:$0x1FB80] =	vst v63  }
0x64: {  	s17 =	sadd.s32 $0x30, s18;
	_ =	swait.ge [sflag:s25], $0x4000  }
0x65: {  	s15 =	simm.s32 $0x60;
	s14 =	simm.s32 $0x30;
	[sflag:s25] =	ssyncset.done $0x0  }
.LBB2_2:
0x66: {  	s16 =	sadd.s32 $0x20, s17;
	s17 =	sadd.s32 s14, s19;
	[sflag:s25] =	ssyncadd.s32 $0xFFFFC000  }
0x67: {  	[tilespmem:s26], [sflag:$0x3] =	stream.linear.gather [hbm4b:s16+s2], $0x80, $0x38;
	[tilespmem:$0x1FB80] =	vst v63  }
0x68: {  	s16 =	sadd.s32 $0x20, s17;
	s17 =	smov.u32 s15;
	s15 =	sadd.s32 $0x30, s15  }
0x69: {  	[tilespmem:s28], [sflag:$0x6] =	stream.linear.gather [hbm4b:s16+s2], $0x80, $0x38;
	[tilespmem:$0x1FB80] =	vst v63  }
0x6a: {  	p2 =	sne.s32 s15, $0x4E0;
	_ =	swait.ge [sflag:s29], $0x80  }
0x6b: {  	[sflag:s29] =	ssyncset.done $0x0  }
0x6c: {  	[sflag:s29] =	ssyncadd.s32 $0xFFFFFF80  }
0x6d: {  	[tilespmem:s30], [sflag:$0x8] =	stream.indirect.gather [hbm4b:s4+s21], $0x80, s21, s21, $0xb8;
	[tilespmem:$0x1FB80] =	vst v63  }
0x6e: {  	_ =	swait.ge [sflag:s31], $0x4000  }
0x6f: {  	[sflag:s31] =	ssyncset.done $0x0  }
0x70: {  	[sflag:s31] =	ssyncadd.s32 $0xFFFFC000  }
0x71: {  	_ =	swait.ge [sflag:s0], $0x80  }
0x72: {  	[sflag:s0] =	ssyncset.done $0x0  }
0x73: {  	[sflag:s0] =	ssyncadd.s32 $0xFFFFFF80  }
0x74: {  	[spmem:s1] =	stream.indirect.scatter.add.f32 [tilespmem:s24], [sflag:$0xA], $0x80, s20, s21, $0xb8;
	[tilespmem:$0x1FB80] =	vst v63  }
0x75: {  	p3 =	seq.s32 s14, $0x4B0;
	_ =	swait.ge [sflag:s25], $0x4000  }
0x76: {  	s16 =	sadd.s32 @!p3 s14, s18;
	s14 =	sadd.s32 @!p3 s14, s19;
	[sflag:s25] =	ssyncset.done $0x0  }
0x77: {  	s12 =	simm.s32 @!p3 $0x0;
	s23 =	sadd.s32 @!p3 $0x30, s16;
	[sflag:s25] =	ssyncadd.s32 $0xFFFFC000  }
0x78: {  	[tilespmem:s12], [sflag:$0x1] =	stream.linear.gather @!p3 [hbm4b:s23+s12], $0x80, $0x38;
	[tilespmem:$0x1FB80] =	vst v63  }
0x79: {  	s13 =	simm.s32 @!p3 $0x180;
	s16 =	sadd.s32 @!p3 $0x40, s16;
	s23 =	sadd.s32 @!p3 $0x30, s14  }
0x7a: {  	[tilespmem:s13], [sflag:$0x4] =	stream.linear.gather @!p3 [hbm4b:s23+s12], $0x80, $0x38;
	[tilespmem:$0x1FB80] =	vst v63  }
0x7b: {  	s13 =	sadd.s32 @!p3 $0x40, s14;
	s14 =	smov.u32 s17;
	_ =	swait.ge [sflag:s3], $0x80  }
0x7c: {  	[sflag:s3] =	ssyncset.done $0x0  }
0x7d: {  	[sflag:s3] =	ssyncadd.s32 $0xFFFFFF80  }
0x7e: {  	[tilespmem:s5], [sflag:$0x9] =	stream.indirect.gather [hbm4b:s4+s21], $0x80, s26, s21, $0xb8;
	[tilespmem:$0x1FB80] =	vst v63  }
0x7f: {  	_ =	swait.ge [sflag:s6], $0x4000  }
0x80: {  	[sflag:s6] =	ssyncset.done $0x0  }
0x81: {  	[sflag:s6] =	ssyncadd.s32 $0xFFFFC000  }
0x82: {  	_ =	swait.ge [sflag:s7], $0x80  }
0x83: {  	[sflag:s7] =	ssyncset.done $0x0  }
0x84: {  	[sflag:s7] =	ssyncadd.s32 $0xFFFFFF80  }
0x85: {  	[spmem:s1] =	stream.indirect.scatter.add.f32 [tilespmem:s30], [sflag:$0xA], $0x80, s22, s21, $0xb8;
	[tilespmem:$0x1FB80] =	vst v63  }
0x86: {  	_ =	swait.ge [sflag:s25], $0x4000  }
0x87: {  	[sflag:s25] =	ssyncset.done $0x0  }
0x88: {  	s17 =	simm.s32 @!p3 $0x80;
	[sflag:s25] =	ssyncadd.s32 $0xFFFFC000  }
0x89: {  	[tilespmem:s17], [sflag:$0x2] =	stream.linear.gather @!p3 [hbm4b:s16+s12], $0x80, $0x38;
	[tilespmem:$0x1FB80] =	vst v63  }
0x8a: {  	s23 =	simm.s32 @!p3 $0x1;
	s16 =	simm.s32 @!p3 $0x200  }
0x8b: {  	[tilespmem:s16], [sflag:$0x5] =	stream.linear.gather @!p3 [hbm4b:s13+s12], $0x80, $0x38;
	[tilespmem:$0x1FB80] =	vst v63  }
0x8c: {  	_ =	swait.ge @!p3 [sflag:s23], $0x80  }
0x8d: {  	[sflag:s23] =	ssyncset.done @!p3 $0x0  }
0x8e: {  	s13 =	simm.s32 @!p3 $0x300;
	[sflag:s23] =	ssyncadd.s32 @!p3 $0xFFFFFF80  }
0x8f: {  	[tilespmem:s13], [sflag:$0x7] =	stream.indirect.gather @!p3 [hbm4b:s4+s17], $0x80, s12, s17, $0xb8;
	[tilespmem:$0x1FB80] =	vst v63  }
0x90: {  	_ =	swait.ge [sflag:s8], $0x4000  }
0x91: {  	[sflag:s8] =	ssyncset.done $0x0  }
0x92: {  	[sflag:s8] =	ssyncadd.s32 $0xFFFFC000  }
0x93: {  	_ =	swait.ge [sflag:s9], $0x80  }
.Ltmp0:
0x94: {  	[sflag:s9] =	ssyncset.done $0x0;
	(pc) =	sbr.rel @p2 .LBB2_2-.Ltmp0, $4  }
0x95: {  	[sflag:s9] =	ssyncadd.s32 $0xFFFFFF80  }
0x96: {  	[spmem:s1] =	stream.indirect.scatter.add.f32 [tilespmem:s5], [sflag:$0xA], $0x80, s28, s21, $0xb8;
	[tilespmem:$0x1FB80] =	vst v63  }
0x97: {  	_ =	swait.ge [sflag:s25], $0x4000  }
0x98: {  	s17 =	sadd.s32 s14, s18;
	[sflag:s25] =	ssyncset.done $0x0  }
0x99: {  	s12 =	sadd.s32 $0x20, s17;
	s13 =	sadd.s32 s14, s19;
	[sflag:s25] =	ssyncadd.s32 $0xFFFFC000  }
0x9a: {  	[tilespmem:s26], [sflag:$0x3] =	stream.linear.gather [hbm4b:s12+s2], $0x80, $0x38;
	[tilespmem:$0x1FB80] =	vst v63  }
0x9b: {  	s15 =	sadd.s32 $0x20, s13  }
0x9c: {  	[tilespmem:s28], [sflag:$0x6] =	stream.linear.gather [hbm4b:s15+s2], $0x80, $0x38;
	[tilespmem:$0x1FB80] =	vst v63  }
0x9d: {  	_ =	swait.ge [sflag:s29], $0x80  }
0x9e: {  	[sflag:s29] =	ssyncset.done $0x0  }
0x9f: {  	[sflag:s29] =	ssyncadd.s32 $0xFFFFFF80  }
0xa0: {  	[tilespmem:s30], [sflag:$0x8] =	stream.indirect.gather [hbm4b:s4+s21], $0x80, s21, s21, $0xb8;
	[tilespmem:$0x1FB80] =	vst v63  }
0xa1: {  	_ =	swait.ge [sflag:s31], $0x4000  }
0xa2: {  	[sflag:s31] =	ssyncset.done $0x0  }
0xa3: {  	[sflag:s31] =	ssyncadd.s32 $0xFFFFC000  }
0xa4: {  	_ =	swait.ge [sflag:s0], $0x80  }
0xa5: {  	[sflag:s0] =	ssyncset.done $0x0  }
0xa6: {  	[sflag:s0] =	ssyncadd.s32 $0xFFFFFF80  }
0xa7: {  	[spmem:s1] =	stream.indirect.scatter.add.f32 [tilespmem:s24], [sflag:$0xA], $0x80, s20, s21, $0xb8;
	[tilespmem:$0x1FB80] =	vst v63  }
0xa8: {  	p2 =	seq.s32 s14, $0x4B0;
	_ =	swait.ge [sflag:s25], $0x4000  }
0xa9: {  	s12 =	sadd.s32 @!p2 s14, s18;
	s13 =	sadd.s32 @!p2 s14, s19;
	[sflag:s25] =	ssyncset.done $0x0  }
0xaa: {  	s14 =	sadd.s32 @!p2 $0x30, s12;
	s15 =	simm.s32 @!p2 $0x0;
	[sflag:s25] =	ssyncadd.s32 $0xFFFFC000  }
0xab: {  	[tilespmem:s15], [sflag:$0x1] =	stream.linear.gather @!p2 [hbm4b:s14+s15], $0x80, $0x38;
	[tilespmem:$0x1FB80] =	vst v63  }
0xac: {  	s16 =	simm.s32 @!p2 $0x180;
	s14 =	sadd.s32 @!p2 $0x30, s13  }
0xad: {  	[tilespmem:s16], [sflag:$0x4] =	stream.linear.gather @!p2 [hbm4b:s14+s15], $0x80, $0x38;
	[tilespmem:$0x1FB80] =	vst v63  }
0xae: {  	_ =	swait.ge [sflag:s3], $0x80  }
0xaf: {  	[sflag:s3] =	ssyncset.done $0x0  }
0xb0: {  	[sflag:s3] =	ssyncadd.s32 $0xFFFFFF80  }
0xb1: {  	[tilespmem:s5], [sflag:$0x9] =	stream.indirect.gather [hbm4b:s4+s21], $0x80, s26, s21, $0xb8;
	[tilespmem:$0x1FB80] =	vst v63  }
0xb2: {  	_ =	swait.ge [sflag:s6], $0x4000  }
0xb3: {  	[sflag:s6] =	ssyncset.done $0x0  }
0xb4: {  	[sflag:s6] =	ssyncadd.s32 $0xFFFFC000  }
0xb5: {  	_ =	swait.ge [sflag:s7], $0x80  }
0xb6: {  	[sflag:s7] =	ssyncset.done $0x0  }
0xb7: {  	[sflag:s7] =	ssyncadd.s32 $0xFFFFFF80  }
0xb8: {  	[spmem:s1] =	stream.indirect.scatter.add.f32 [tilespmem:s30], [sflag:$0xA], $0x80, s22, s21, $0xb8;
	[tilespmem:$0x1FB80] =	vst v63  }
0xb9: {  	_ =	swait.ge [sflag:s25], $0x4000  }
0xba: {  	[sflag:s25] =	ssyncset.done $0x0  }
0xbb: {  	s12 =	sadd.s32 @!p2 $0x40, s12;
	s14 =	simm.s32 @!p2 $0x80;
	[sflag:s25] =	ssyncadd.s32 $0xFFFFC000  }
0xbc: {  	[tilespmem:s14], [sflag:$0x2] =	stream.linear.gather @!p2 [hbm4b:s12+s15], $0x80, $0x38;
	[tilespmem:$0x1FB80] =	vst v63  }
0xbd: {  	s12 =	sadd.s32 @!p2 $0x40, s13;
	s13 =	simm.s32 @!p2 $0x200  }
0xbe: {  	[tilespmem:s13], [sflag:$0x5] =	stream.linear.gather @!p2 [hbm4b:s12+s15], $0x80, $0x38;
	[tilespmem:$0x1FB80] =	vst v63  }
0xbf: {  	s12 =	simm.s32 @!p2 $0x1  }
0xc0: {  	_ =	swait.ge @!p2 [sflag:s12], $0x80  }
0xc1: {  	[sflag:s12] =	ssyncset.done @!p2 $0x0  }
0xc2: {  	[sflag:s12] =	ssyncadd.s32 @!p2 $0xFFFFFF80;
	s12 =	simm.s32 @!p2 $0x300  }
0xc3: {  	[tilespmem:s12], [sflag:$0x7] =	stream.indirect.gather @!p2 [hbm4b:s4+s14], $0x80, s15, s14, $0xb8;
	[tilespmem:$0x1FB80] =	vst v63  }
0xc4: {  	_ =	swait.ge [sflag:s8], $0x4000  }
0xc5: {  	[sflag:s8] =	ssyncset.done $0x0  }
0xc6: {  	[sflag:s8] =	ssyncadd.s32 $0xFFFFC000  }
0xc7: {  	_ =	swait.ge [sflag:s9], $0x80  }
0xc8: {  	[sflag:s9] =	ssyncset.done $0x0  }
0xc9: {  	[sflag:s9] =	ssyncadd.s32 $0xFFFFFF80  }
0xca: {  	[spmem:s1] =	stream.indirect.scatter.add.f32 [tilespmem:s5], [sflag:$0xA], $0x80, s28, s21, $0xb8;
	[tilespmem:$0x1FB80] =	vst v63  }
0xcb: {  	_ =	swait.ge [sflag:s25], $0x4000  }
0xcc: {  	[sflag:s25] =	ssyncset.done $0x0  }
0xcd: {  	s12 =	simm.s32 @!p1 $0x0;
	s13 =	rddreg [dreg:$0xc];
	[sflag:s25] =	ssyncadd.s32 $0xFFFFC000  }
0xce: {  	[tilespmem:s12], [sflag:$0x1] =	stream.linear.gather @!p1 [hbm4b:s13+s12], $0x80, $0x38;
	[tilespmem:$0x1FB80] =	vst v63  }
0xcf: {  	s14 =	rddreg [dreg:$0xd];
	s13 =	simm.s32 @!p1 $0x180  }
0xd0: {  	[tilespmem:s13], [sflag:$0x4] =	stream.linear.gather @!p1 [hbm4b:s14+s12], $0x80, $0x38;
	[tilespmem:$0x1FB80] =	vst v63  }
0xd1: {  	s14 =	simm.s32 @!p1 $0x1  }
0xd2: {  	_ =	swait.ge @!p1 [sflag:s14], $0x80  }
0xd3: {  	[sflag:s14] =	ssyncset.done @!p1 $0x0  }
0xd4: {  	s15 =	simm.s32 @!p1 $0x300;
	[sflag:s14] =	ssyncadd.s32 @!p1 $0xFFFFFF80;
	s14 =	simm.s32 @!p1 $0x80  }
0xd5: {  	[tilespmem:s15], [sflag:$0x7] =	stream.indirect.gather @!p1 [hbm4b:s4+s14], $0x80, s12, s14, $0xb8;
	[tilespmem:$0x1FB80] =	vst v63  }
0xd6: {  	s12 =	simm.s32 @!p1 $0x7  }
0xd7: {  	_ =	swait.ge @!p1 [sflag:s12], $0x4000  }
0xd8: {  	[sflag:s12] =	ssyncset.done @!p1 $0x0  }
0xd9: {  	[sflag:s12] =	ssyncadd.s32 @!p1 $0xFFFFC000;
	s12 =	simm.s32 @!p1 $0x4  }
0xda: {  	_ =	swait.ge @!p1 [sflag:s12], $0x80  }
0xdb: {  	[sflag:s12] =	ssyncset.done @!p1 $0x0  }
0xdc: {  	[sflag:s12] =	ssyncadd.s32 @!p1 $0xFFFFFF80;
	s12 =	simm.s32 @!p1 $0xA  }
0xdd: {  	[spmem:s1] =	stream.indirect.scatter.add.f32 @!p1 [tilespmem:s15], [sflag:$0xA], $0x80, s13, s14, $0xb8;
	[tilespmem:$0x1FB80] =	vst v63  }
0xde: {  	_ =	swait.ge @!p1 [sflag:s12], $0x4000  }
0xdf: {  	[sflag:s12] =	ssyncset.done @!p1 $0x0  }
0xe0: {  	[sflag:s12] =	ssyncadd.s32 @!p1 $0xFFFFC000  }
0xe1: {  	[bflag:$0x0] =	sbarrier.arrive $0xFFFF  }
0xe2: {  	s16 =	rddreg [dreg:$0x3]  }
0xe3: {  	s13 =	rddreg [dreg:$0xe]  }
0xe4: {  	s17 =	rddreg [dreg:$0x10];
	s12 =	sadd.s32 s16, s13  }
0xe5: {  	[hbm:s12], [sflag:s11] =	dma.local [spmem:s17], $0x2700  }
0xe6: {  	_ =	swait.ge [sflag:s25], $0x2700  }
0xe7: {  	[sflag:s25] =	ssyncset.done $0x0  }
0xe8: {  	s12 =	sadd.s32 @!p0 $0x27000, s13;
	s13 =	rddreg [dreg:$0x11];
	[sflag:s25] =	ssyncadd.s32 $0xFFFFD900  }
0xe9: {  	[hbm:s12], [sflag:s11] =	dma.local @!p0 [spmem:s13], $0x100  }
0xea: {  	s11 =	simm.s32 @!p0 $0xA  }
0xeb: {  	_ =	swait.ge @!p0 [sflag:s11], $0x100  }
0xec: {  	s10 =	sadd.s32 $0x1, s10;
	s23 =	rddreg [dreg:$0xf]  }
0xed: {  	p2 =	sne.s32 s10, s23  }
.Ltmp1:
0xee: {  	_ = 	snop;
	(pc) =	sbr.rel @p2 .LBB2_1-.Ltmp1, $3  }
0xef: {  	_ =	sdelay $0x1  }
0xf0: {  	[sflag:s11] =	ssyncset.done @!p0 $0x0  }
0xf1: {  	[sflag:s11] =	ssyncadd.s32 @!p0 $0xFFFFFF00  }
0xf2: {  	_ =	sfence.sel $0x180000  }
0xf3: {  	[bflag:$0x0] =	sbarrier.arrive $0xFFFF  }
0xf4: {  	_ =	strace $0x9000004D  }
0xf5: {  	[bflag:$0x2] =	sbarrier.arrive $0xFFFF  }
0xf6: {  	s0 =	rddreg [dreg:$0x2]  }
0xf7: {  	s0 =	sadd.s32 @!p0 $0x100000, s0  }
0xf8: {  	[sflag:s0] =	ssyncadd.tile.s32 @!p0 $0x1;
	_ =	shalt  }
.Lfunc_end2:
_tile_overlayer_lowered:
.L_overlay_start_2:
0xf9: {  	(tag) =	ssettag $0x2  }
0xfa: {  	s0 =	rddreg [dreg:$0x0];
	s2 =	stileid.u32  }
0xfb: {  	s1 =	rddreg [dreg:$0x1];
	p0 =	sne.s32 s2, $0x0  }
0xfc: {  	s3 =	rddreg [dreg:$0x2];
	[bflag:$0x3] =	sbarrier.arrive $0xFFFF;
	s2 =	simm.s32 @!p0 $0x1C0A  }
0xfd: {  	[timem:s3], [sflag:s2] =	dma.local @!p0 [hbm:s0], s1  }
0xfe: {  	s0 =	simm.s32 @!p0 $0xA  }
0xff: {  	_ =	swait.ge @!p0 [sflag:s0], s1  }
0x100: {  	s1 =	ssub.s32 @!p0 $0x0, s1;
	[sflag:s0] =	ssyncset.done @!p0 $0x0  }
0x101: {  	[sflag:s0] =	ssyncadd.s32 @!p0 s1  }
0x102: {  	[bflag:$0x3] =	sbarrier.arrive $0xFFFF  }
0x103: {  	_ =	shalt  }

// kernel: kernel.8.cloned.1.call-start
scs
__scs_entry_jumppad:
0x0: {  	(pc) =	sbr.rel $0x88, $3  }
0x1: {  	(tag) =	ssettag $0x0;
	lr =	simm.s32 $0x1  }
0x2: {  	[smem:$0x3F85] =	sst lr;
	_ =	strace $0xD0000000  }
0x3: {  	_ = 	snop  }
0x4: {  	_ = 	snop  }
0x5: {  	_ = 	snop  }
0x6: {  	_ = 	snop  }
0x7: {  	_ = 	snop  }
__scs_overlays_trampoline_lowered:
0x8: {  	[smem:$0x3F94] =	sst s0  }
0x9: {  	[smem:$0x3F95] =	sst s1  }
0xa: {  	[smem:$0x3F96] =	sst s2  }
0xb: {  	[smem:$0x3F97] =	sst s3  }
0xc: {  	[smem:$0x3F98] =	sst s4  }
0xd: {  	[smem:$0x3F99] =	sst s5  }
0xe: {  	[smem:$0x3F9A] =	sst s6  }
0xf: {  	[smem:$0x3F9B] =	sst s7  }
0x10: {  	[smem:$0x3F9C] =	sst s8  }
0x11: {  	[smem:$0x3F9D] =	sst s9;
	s0 =	simm.s32 @!p0 $0x0  }
0x12: {  	s1 =	sld [smem:$0x3F83];
	s0 =	simm.s32 @p0 $0x1  }
0x13: {  	[smem:$0x3F9E] =	sst s0;
	s0 =	simm.s32 @!p1 $0x0  }
0x14: {  	s2 =	sld [smem:$0x3F82];
	s0 =	simm.s32 @p1 $0x1  }
0x15: {  	[smem:$0x3F9F] =	sst s0;
	s0 =	simm.s32 @!p2 $0x0  }
0x16: {  	s3 =	sld [smem:$0x3FDB];
	s0 =	simm.s32 @p2 $0x1  }
0x17: {  	s4 =	simm.s32 $0x1BF5;
	[smem:$0x3FA1] =	sst s0  }
0x18: {  	s0 =	sld [smem:$0x3F84];
	_ =	swait.ge [sflag:s4], $0x0  }
0x19: {  	s7 =	sld [smem:$0x3F85]  }
0x1a: {  	s8 =	sadd.s32 $0xFFFFE003, lr  }
0x1b: {  	s9 =	sadd.s32 $0xFFFFFEF7, lr;
	s5 =	simm.s32 $0xFFFFFFFF;
	p2 =	slt.u32 s8, $0xFFFFF086  }
0x1c: {  	p1 =	slt.u32 s9, $0xF7A;
	s5 =	simm.s32 @!p2 $0x0  }
0x1d: {  	s5 =	simm.s32 @p1 $0x1;
	p0 =	seq.s32 s7, s2  }
0x1e: {  	s7 =	smul.u32 @!p0 $0xF7A, s2;
	p2 =	seq.s32 @!p0 s5, $0x0  }
0x1f: {  	s9 =	smul.u32 $0xF7A, s1;
	s8 =	simm.s32 @!p0 $0x1BF5;
	p2 =	por !p2, p0  }
0x20: {  	[sflag:s8] =	ssyncset.s32 @!p0 $0xFFFFF086;
	s6 =	sadd.s32 @!p0 s3, s7;
	s7 =	simm.s32 @!p0 $0x108  }
0x21: {  	s3 =	sadd.s32 s3, s9;
	s6 =	sadd.s32 @!p0 $0x88, s6;
	s7 =	simm.s32 @p2 $0x1082  }
0x22: {  	[simem:s7], [sflag:s8] =	dma.local @!p0 [hbm:s6], $0xF7A  }
0x23: {  	s9 =	sor.u32 $0xD0000000, s2;
	s6 =	simm.s32 $0x108;
	_ =	swait.ge @!p0 [sflag:s8], $0x0  }
0x24: {  	s3 =	sadd.s32 $0x88, s3;
	s6 =	simm.s32 @!p1 $0x1082;
	[sflag:s4] =	ssyncset.s32 $0xFFFFF086  }
0x25: {  	[simem:s6], [sflag:s4] =	dma.local [hbm:s3], $0xF7A  }
0x26: {  	[smem:$0x3F85] =	sst s1;
	(tag) =	ssettag s2;
	_ =	strace s9  }
0x27: {  	s1 =	sld [smem:$0x3F95]  }
0x28: {  	s2 =	sld [smem:$0x3F96]  }
0x29: {  	s4 =	sld [smem:$0x3F98]  }
0x2a: {  	p0 =	seq.s32 s5, $0x0;
	s5 =	sld [smem:$0x3F99]  }
0x2b: {  	s6 =	sld [smem:$0x3F9A]  }
0x2c: {  	s7 =	sld [smem:$0x3F9B]  }
0x2d: {  	s3 =	simm.s32 $0x108;
	s8 =	sld [smem:$0x3F9C]  }
0x2e: {  	s3 =	simm.s32 @!p0 $0x1082;
	s9 =	sld [smem:$0x3F9D]  }
0x2f: {  	lr =	sadd.s32 s0, s3;
	s0 =	sld [smem:$0x3F94]  }
0x30: {  	s3 =	sld [smem:$0x3F97]  }
0x31: {  	[smem:$0x3FA0] =	sst s10  }
0x32: {  	s10 =	sld [smem:$0x3F9E];
	_ =	sdelay $0x3  }
0x33: {  	p0 =	seq.s32 s10, $0x1;
	s10 =	sld [smem:$0x3FA0];
	_ =	sdelay $0x3  }
0x34: {  	[smem:$0x3FA0] =	sst s10  }
0x35: {  	s10 =	sld [smem:$0x3F9F];
	_ =	sdelay $0x3  }
0x36: {  	p1 =	seq.s32 s10, $0x1;
	s10 =	sld [smem:$0x3FA0];
	_ =	sdelay $0x3  }
0x37: {  	[smem:$0x3FA0] =	sst s10  }
0x38: {  	s10 =	sld [smem:$0x3FA1]  }
0x39: {  	_ = 	snop;
	(pc) =	sbr.ind lr, $3  }
0x3a: {  	_ = 	snop  }
0x3b: {  	_ = 	snop  }
0x3c: {  	p2 =	seq.s32 s10, $0x1;
	s10 =	sld [smem:$0x3FA0]  }
0x3d: {  	_ =	shalt  }
0x3e: {  	_ =	shalt  }
0x3f: {  	_ =	shalt  }
0x40: {  	_ =	shalt  }
0x41: {  	_ =	shalt  }
0x42: {  	_ =	shalt  }
0x43: {  	_ =	shalt  }
0x44: {  	_ =	shalt  }
0x45: {  	_ =	shalt  }
0x46: {  	_ =	shalt  }
0x47: {  	_ =	shalt  }
0x48: {  	_ =	shalt  }
0x49: {  	_ =	shalt  }
0x4a: {  	_ =	shalt  }
0x4b: {  	_ =	shalt  }
0x4c: {  	_ =	shalt  }
0x4d: {  	_ =	shalt  }
0x4e: {  	_ =	shalt  }
0x4f: {  	_ =	shalt  }
0x50: {  	_ =	shalt  }
0x51: {  	_ =	shalt  }
0x52: {  	_ =	shalt  }
0x53: {  	_ =	shalt  }
0x54: {  	_ =	shalt  }
0x55: {  	_ =	shalt  }
0x56: {  	_ =	shalt  }
0x57: {  	_ =	shalt  }
0x58: {  	_ =	shalt  }
0x59: {  	_ =	shalt  }
0x5a: {  	_ =	shalt  }
0x5b: {  	_ =	shalt  }
0x5c: {  	_ =	shalt  }
0x5d: {  	_ =	shalt  }
0x5e: {  	_ =	shalt  }
0x5f: {  	_ =	shalt  }
0x60: {  	_ =	shalt  }
0x61: {  	_ =	shalt  }
0x62: {  	_ =	shalt  }
0x63: {  	_ =	shalt  }
0x64: {  	_ =	shalt  }
0x65: {  	_ =	shalt  }
0x66: {  	_ =	shalt  }
0x67: {  	_ =	shalt  }
0x68: {  	_ =	shalt  }
0x69: {  	_ =	shalt  }
0x6a: {  	_ =	shalt  }
0x6b: {  	_ =	shalt  }
0x6c: {  	_ =	shalt  }
0x6d: {  	_ =	shalt  }
0x6e: {  	_ =	shalt  }
0x6f: {  	_ =	shalt  }
0x70: {  	_ =	shalt  }
0x71: {  	_ =	shalt  }
0x72: {  	_ =	shalt  }
0x73: {  	_ =	shalt  }
0x74: {  	_ =	shalt  }
0x75: {  	_ =	shalt  }
0x76: {  	_ =	shalt  }
0x77: {  	_ =	shalt  }
0x78: {  	_ =	shalt  }
0x79: {  	_ =	shalt  }
0x7a: {  	_ =	shalt  }
0x7b: {  	_ =	shalt  }
0x7c: {  	_ =	shalt  }
0x7d: {  	_ =	shalt  }
0x7e: {  	_ =	shalt  }
0x7f: {  	_ =	shalt  }
0x80: {  	_ =	shalt  }
0x81: {  	_ =	shalt  }
0x82: {  	_ =	shalt  }
0x83: {  	_ =	shalt  }
0x84: {  	_ =	shalt  }
0x85: {  	_ =	shalt  }
0x86: {  	_ =	shalt  }
0x87: {  	_ =	shalt  }
.Lfunc_end0:
.L_simem_size_0:
called_computation_lowered:
.L_overlay_start_0:
0x88: {  	s2 =	sld [smem:$0x3FD9]  }
0x89: {  	s3 =	sld [smem:$0x3FFE];
	_ =	sdelay $0x1  }
0x8a: {  	s1 =	srdreg.scid  }
0x8b: {  	s0 =	sand.u32 $0x1, s1  }
0x8c: {  	s17 =	sshll.u32 s0, $0xA;
	s2 =	sadd.s32 s3, s2  }
0x8d: {  	s2 =	sadd.s32 s2, s17  }
0x8e: {  	[smem:$0x3FAC] =	sst s2  }
0x8f: {  	_ = 	snop  }
0x90: {  	s2 =	sld [smem:$0x3FC9];
	(tm) =	ssettm $0x1  }
0x91: {  	s18 =	sld [smem:$0x3FFB];
	_ =	sdelay $0x3  }
0x92: {  	_ =	strace s18  }
0x93: {  	s3 =	sld [smem:$0x3FFC];
	_ =	sdelay $0x3  }
0x94: {  	_ =	strace s3  }
0x95: {  	s3 =	sld [smem:$0x3FFD];
	_ =	sdelay $0x3  }
0x96: {  	_ =	strace s3  }
0x97: {  	_ =	strace $0x8FFFFFFF  }
0x98: {  	s19 =	sld [smem:$0x3FDB];
	_ =	sdelay $0x1  }
0x99: {  	s4 =	simm.s32 $_scs_section_size  }
0x9a: {  	s5 =	simm.s32 $_size__tile_overlayer_lowered;
	s6 =	simm.s32 $_tile_overlayer_lowered  }
0x9b: {  	s22 =	simm.s32 $0x1BFF;
	s21 =	sshll.u32 s6, $0x1;
	s3 =	sadd.s32 s4, s19  }
0x9c: {  	s7 =	simm.s32 $0x0;
	s20 =	sshll.u32 s5, $0x1;
	s5 =	sadd.s32 s21, s3  }
0x9d: {  	[timem:s7], [sflag:s22] =	dma.local [hbm:s5], s20  }
0x9e: {  	_ =	swait.ge [sflag:s22], s20  }
0x9f: {  	s4 =	ssub.s32 $0x0, s20;
	[sflag:s22] =	ssyncset.done $0x0  }
0xa0: {  	[sflag:s22] =	ssyncadd.s32 s4;
	_ =	sdelay $0x1  }
0xa1: {  	s23 =	simm.s32 $0x1B8B  }
0xa2: {  	_ =	swait.ge [sflag:s23], $0x1  }
0xa3: {  	[sflag:s23] =	ssyncset.done $0x0  }
0xa4: {  	s25 =	simm.s32 $0x1B8E;
	s24 =	sld [smem:$0x3FFE];
	[sflag:s23] =	ssyncadd.s32 $0xFFFFFFFF  }
0xa5: {  	s26 =	simm.s32 $execute0_lowered;
	[smem:$0x3FD2] =	sst s25  }
0xa6: {  	s5 =	sshll.u32 s26, $0x1;
	_ =	strace $0x80000046;
	[dreg:$0x1] =	wrdreg $0xFFFFFFFF  }
0xa7: {  	s28 =	simm.s32 $_size_execute0_lowered;
	s3 =	sadd.s32 s3, s5;
	[dreg:$0x0] =	wrdreg $0x0  }
0xa8: {  	s5 =	sshll.u32 s28, $0x1;
	[dreg:$0x2] =	wrdreg s3  }
0xa9: {  	[dreg:$0x3] =	wrdreg s5  }
0xaa: {  	[dreg:$0x4] =	wrdreg $0xC0  }
0xab: {  	_ =	task [dreg:s7], $0x5FFFF  }
0xac: {  	[dreg:$0x1] =	wrdreg $0xFFFFFFFF  }
0xad: {  	[dreg:$0x0] =	wrdreg $0x60  }
0xae: {  	[dreg:$0x2] =	wrdreg s2  }
0xaf: {  	[dreg:$0x3] =	wrdreg s24  }
0xb0: {  	[dreg:$0x4] =	wrdreg $0xC3000  }
0xb1: {  	[dreg:$0x5] =	wrdreg $0x9  }
0xb2: {  	_ =	task.clear_ibuf [dreg:s7], $0x6FFFF;
	_ =	strace $0x90000046  }
0xb3: {  	s29 =	simm.s32 $0x9;
	_ =	strace $0x80000048  }
0xb4: {  	_ =	swait.ge [sflag:s29], $0x1  }
0xb5: {  	[sflag:s29] =	ssyncadd.s32 $0xFFFFFFFF  }
0xb6: {  	_ =	strace $0x90000048  }
0xb7: {  	_ =	sfence  }
0xb8: {  	s30 =	sld [smem:$0x0];
	_ =	sdelay $0x2  }
0xb9: {  	s31 =	sshll.u32 s1, $0xD;
	s1 =	sshrl.u32 s1, $0x2  }
0xba: {  	s3 =	sand.u32 $0x4000, s31;
	s1 =	sadd.s32 s1, s30  }
0xbb: {  	s0 =	sor.u32 s3, s0;
	s1 =	sshll.u32 s1, $0x11  }
0xbc: {  	s0 =	sor.u32 s1, s0  }
0xbd: {  	s0 =	sadd.s32 $0x8F2B, s0  }
0xbe: {  	[sflag:s0] =	ssyncadd.remote.s32 $0x1  }
0xbf: {  	_ =	sfence.sel $0xFFFF  }
0xc0: {  	[dreg:$0x0] =	wrdreg $0xFFFFFFFF;
	(pc) =	sbr.abs _section_cstart, $3  }
0xc1: {  	[dreg:$0x1] =	wrdreg $0xFFFFFFFF  }
0xc2: {  	_ =	task.clear_ibuf [dreg:s7], $0x2FFFF;
	_ =	strace $0x9FFFFFFF  }
0xc3: {  	(tm) =	ssettm $0x7FFFFFFF  }
tec
execute0_lowered:
.L_overlay_start_1:
0x0: {  	(tag) =	ssettag $0x1  }
0x1: {  	s1 =	rddreg [dreg:$0x0]  }
0x2: {  	s0 =	rddreg [dreg:$0x1]  }
0x3: {  	s2 =	rddreg [dreg:$0x2];
	s3 =	simm.s32 $0x0;
	s4 =	srdreg.scid  }
0x4: {  	s14 =	stileid.u32;
	s28 =	simm.s32 $0x280;
	s29 =	simm.s32 $0x2  }
0x5: {  	s30 =	simm.s32 $0x4300;
	s31 =	simm.s32 $0x7;
	[smem:$0x7FF] =	sst s3  }
0x6: {  	s4 =	sand.u32 $0x1, s4;
	s11 =	smul.u32 $0x2700, s14;
	s6 =	sadd.s32 $0xF200, s0  }
0x7: {  	s8 =	sadd.s32 $0x5400, s0;
	s13 =	smul.u32 $0x4E000, s14;
	s22 =	sadd.s32 $0x138000, s2  }
0x8: {  	s23 =	sshll.u32 s14, $0x4;
	s25 =	smul.u32 $0x4E0, s14;
	p0 =	sne.s32 s14, $0x0  }
0x9: {  	_ =	strace $0x80000047;
	s5 =	sshll.u32 s4, $0x4;
	s7 =	smul.u32 $0x27100, s4  }
0xa: {  	s9 =	ssub.s32 $0x2, s4;
	[dreg:$0xb] =	wrdreg s22;
	s24 =	sor.u32 $0x9C00, s23  }
0xb: {  	s4 =	smul.u32 $0x4E00, s4;
	s22 =	simm.s32 $0x200;
	s5 =	sor.u32 s14, s5  }
0xc: {  	[dreg:$0x4] =	wrdreg s11;
	s11 =	sadd.s32 s11, s0;
	s18 =	sshrl.u32 s13, $0x2  }
0xd: {  	s12 =	sshrl.u32 s9, $0x1;
	s10 =	smul.u32 $0x4E0, s5;
	s20 =	sadd.s32 s18, s2  }
0xe: {  	s7 =	sadd.s32 s7, s0;
	s21 =	sadd.s32 $0x19000, s11;
	[dreg:$0x9] =	wrdreg s20  }
0xf: {  	s9 =	ssub.s32 s9, s12;
	s0 =	sadd.s32 $0x40000, s0;
	[dreg:$0xa] =	wrdreg s21  }
0x10: {  	p1 =	sgt.u32 s5, $0x3;
	[dreg:$0xc] =	wrdreg s0;
	s0 =	sadd.s32 s8, s24  }
0x11: {  	s5 =	simm.s32 $0x8300;
	s7 =	sadd.s32 $0x40200, s7;
	[dreg:$0xe] =	wrdreg s0  }
0x12: {  	s26 =	smax.u32 s9, $0x1;
	s20 =	simm.s32 $0x180;
	[dreg:$0xf] =	wrdreg s7  }
0x13: {  	s21 =	simm.s32 $0x80;
	s16 =	sadd.s32 s6, s10;
	[dreg:$0x10] =	wrdreg s26  }
0x14: {  	s17 =	sadd.s32 s8, s10;
	s10 =	sor.u32 $0x10, s10;
	[dreg:$0x5] =	wrdreg s16  }
0x15: {  	s9 =	simm.s32 $0x6;
	[dreg:$0x6] =	wrdreg s17;
	s19 =	sadd.s32 s6, s10  }
0x16: {  	s26 =	simm.s32 $0x100;
	s10 =	sadd.s32 s8, s10;
	[dreg:$0x7] =	wrdreg s19  }
0x17: {  	s0 =	simm.s32 $0x4;
	s7 =	simm.s32 $0x5;
	[dreg:$0x8] =	wrdreg s10  }
0x18: {  	s10 =	sadd.s32 s6, s24;
	s6 =	sadd.s32 s4, s6;
	s4 =	sadd.s32 s4, s8  }
0x19: {  	s24 =	simm.s32 $0x300;
	s8 =	simm.s32 $0x9;
	[dreg:$0xd] =	wrdreg s10  }
0x1a: {  	s18 =	sadd.s32 s25, s6;
	s19 =	sadd.s32 s25, s4;
	s25 =	simm.s32 $0xA  }
0x1b: {  	s4 =	simm.s32 $0x3;
	s6 =	simm.s32 $0x8;
	s10 =	simm.s32 $0x0  }
.LBB2_1:
0x1c: {  	s11 =	rddreg [dreg:$0x5]  }
0x1d: {  	[tilespmem:s3], [sflag:$0x1] =	stream.linear.gather [hbm4b:s11+s3], $0x80, $0x38;
	[tilespmem:$0x1FB80] =	vst v63  }
0x1e: {  	s23 =	rddreg [dreg:$0x6]  }
0x1f: {  	[tilespmem:s20], [sflag:$0x4] =	stream.linear.gather [hbm4b:s23+s3], $0x80, $0x38;
	[tilespmem:$0x1FB80] =	vst v63  }
0x20: {  	s12 =	rddreg [dreg:$0x7]  }
0x21: {  	[tilespmem:s21], [sflag:$0x2] =	stream.linear.gather [hbm4b:s12+s3], $0x80, $0x38;
	[tilespmem:$0x1FB80] =	vst v63  }
0x22: {  	s13 =	rddreg [dreg:$0x8];
	s14 =	simm.s32 $0x1  }
0x23: {  	[tilespmem:s22], [sflag:$0x5] =	stream.linear.gather [hbm4b:s13+s3], $0x80, $0x38;
	[tilespmem:$0x1FB80] =	vst v63  }
0x24: {  	s15 =	stileid.u32;
	_ =	swait.ge [sflag:s14], $0x80  }
0x25: {  	s11 =	sshll.u32 s15, $0x6;
	[sflag:s14] =	ssyncset.done $0x0;
	s12 =	rddreg [dreg:$0x9]  }
0x26: {  	s16 =	rddreg [dreg:$0xa];
	[sflag:s14] =	ssyncadd.s32 $0xFFFFFF80;
	s13 =	sshrl.u32 s12, $0x3  }
0x27: {  	[tilespmem:s24], [sflag:$0x7] =	stream.indirect.gather [hbm4b:s1+s21], $0x80, s3, s21, $0xb8;
	[tilespmem:$0x1FB80] =	vst v63  }
0x28: {  	s11 =	sor.u32 $0x1C0A, s11;
	[dreg:$0x11] =	wrdreg s13  }
0x29: {  	[spmem:s13], [sflag:s11] =	dma.local [hbm:s16], $0x2700  }
0x2a: {  	_ =	swait.ge [sflag:s25], $0x2700  }
0x2b: {  	s12 =	rddreg [dreg:$0xb]  }
0x2c: {  	[sflag:s25] =	ssyncset.done $0x0;
	s13 =	sshrl.u32 @!p0 s12, $0x3;
	s12 =	rddreg [dreg:$0xc]  }
0x2d: {  	s14 =	simm.s32 @!p0 $0xA;
	[sflag:s25] =	ssyncadd.s32 $0xFFFFD900;
	[dreg:$0x12] =	wrdreg s13  }
0x2e: {  	[spmem:s13], [sflag:s11] =	dma.local @!p0 [hbm:s12], $0x100  }
0x2f: {  	_ =	swait.ge @!p0 [sflag:s14], $0x100  }
0x30: {  	[sflag:s14] =	ssyncset.done @!p0 $0x0  }
0x31: {  	s17 =	sadd.s32 $0x0, s18;
	[sflag:s14] =	ssyncadd.s32 @!p0 $0xFFFFFF00  }
0x32: {  	s15 =	sadd.s32 $0x0, s19;
	s14 =	sadd.s32 $0x20, s17;
	[bflag:$0x0] =	sbarrier.arrive $0xFFFF  }
0x33: {  	[tilespmem:s26], [sflag:$0x3] =	stream.linear.gather [hbm4b:s14+s3], $0x80, $0x38;
	[tilespmem:$0x1FB80] =	vst v63  }
0x34: {  	s23 =	sadd.s32 $0x20, s15  }
0x35: {  	[tilespmem:s28], [sflag:$0x6] =	stream.linear.gather [hbm4b:s23+s3], $0x80, $0x38;
	[tilespmem:$0x1FB80] =	vst v63  }
0x36: {  	_ =	swait.ge [sflag:s29], $0x80  }
0x37: {  	[sflag:s29] =	ssyncset.done $0x0  }
0x38: {  	[sflag:s29] =	ssyncadd.s32 $0xFFFFFF80  }
0x39: {  	[tilespmem:s30], [sflag:$0x8] =	stream.indirect.gather [hbm4b:s1+s21], $0x80, s21, s21, $0xb8;
	[tilespmem:$0x1FB80] =	vst v63  }
0x3a: {  	_ =	swait.ge [sflag:s31], $0x4000  }
0x3b: {  	[sflag:s31] =	ssyncset.done $0x0  }
0x3c: {  	[sflag:s31] =	ssyncadd.s32 $0xFFFFC000  }
0x3d: {  	_ =	swait.ge [sflag:s0], $0x80  }
0x3e: {  	[sflag:s0] =	ssyncset.done $0x0  }
0x3f: {  	[sflag:s0] =	ssyncadd.s32 $0xFFFFFF80  }
0x40: {  	[spmem:s2] =	stream.indirect.scatter.add.f32 [tilespmem:s24], [sflag:$0xA], $0x80, s20, s21, $0xb8;
	[tilespmem:$0x1FB80] =	vst v63  }
0x41: {  	p2 =	por $0x0, $0x0;
	_ =	swait.ge [sflag:s25], $0x4000  }
0x42: {  	s15 =	sadd.s32 @!p2 $0x0, s19;
	s14 =	sadd.s32 @!p2 $0x0, s18;
	[sflag:s25] =	ssyncset.done $0x0  }
0x43: {  	s17 =	sadd.s32 @!p2 $0x30, s14;
	s23 =	simm.s32 @!p2 $0x0;
	[sflag:s25] =	ssyncadd.s32 $0xFFFFC000  }
0x44: {  	[tilespmem:s23], [sflag:$0x1] =	stream.linear.gather @!p2 [hbm4b:s17+s23], $0x80, $0x38;
	[tilespmem:$0x1FB80] =	vst v63  }
0x45: {  	s16 =	simm.s32 @!p2 $0x180;
	s17 =	sadd.s32 @!p2 $0x30, s15  }
0x46: {  	[tilespmem:s16], [sflag:$0x4] =	stream.linear.gather @!p2 [hbm4b:s17+s23], $0x80, $0x38;
	[tilespmem:$0x1FB80] =	vst v63  }
0x47: {  	_ =	swait.ge [sflag:s4], $0x80  }
0x48: {  	[sflag:s4] =	ssyncset.done $0x0  }
0x49: {  	[sflag:s4] =	ssyncadd.s32 $0xFFFFFF80  }
0x4a: {  	[tilespmem:s5], [sflag:$0x9] =	stream.indirect.gather [hbm4b:s1+s21], $0x80, s26, s21, $0xb8;
	[tilespmem:$0x1FB80] =	vst v63  }
0x4b: {  	_ =	swait.ge [sflag:s6], $0x4000  }
0x4c: {  	[sflag:s6] =	ssyncset.done $0x0  }
0x4d: {  	[sflag:s6] =	ssyncadd.s32 $0xFFFFC000  }
0x4e: {  	_ =	swait.ge [sflag:s7], $0x80  }
0x4f: {  	[sflag:s7] =	ssyncset.done $0x0  }
0x50: {  	[sflag:s7] =	ssyncadd.s32 $0xFFFFFF80  }
0x51: {  	[spmem:s2] =	stream.indirect.scatter.add.f32 [tilespmem:s30], [sflag:$0xA], $0x80, s22, s21, $0xb8;
	[tilespmem:$0x1FB80] =	vst v63  }
0x52: {  	_ =	swait.ge [sflag:s25], $0x4000  }
0x53: {  	[sflag:s25] =	ssyncset.done $0x0  }
0x54: {  	s14 =	sadd.s32 @!p2 $0x40, s14;
	s16 =	simm.s32 @!p2 $0x80;
	[sflag:s25] =	ssyncadd.s32 $0xFFFFC000  }
0x55: {  	[tilespmem:s16], [sflag:$0x2] =	stream.linear.gather @!p2 [hbm4b:s14+s23], $0x80, $0x38;
	[tilespmem:$0x1FB80] =	vst v63  }
0x56: {  	s14 =	sadd.s32 @!p2 $0x40, s15;
	s15 =	simm.s32 @!p2 $0x200  }
0x57: {  	[tilespmem:s15], [sflag:$0x5] =	stream.linear.gather @!p2 [hbm4b:s14+s23], $0x80, $0x38;
	[tilespmem:$0x1FB80] =	vst v63  }
0x58: {  	s14 =	simm.s32 @!p2 $0x1  }
0x59: {  	_ =	swait.ge @!p2 [sflag:s14], $0x80  }
0x5a: {  	[sflag:s14] =	ssyncset.done @!p2 $0x0  }
0x5b: {  	[sflag:s14] =	ssyncadd.s32 @!p2 $0xFFFFFF80;
	s14 =	simm.s32 @!p2 $0x300  }
0x5c: {  	[tilespmem:s14], [sflag:$0x7] =	stream.indirect.gather @!p2 [hbm4b:s1+s16], $0x80, s23, s16, $0xb8;
	[tilespmem:$0x1FB80] =	vst v63  }
0x5d: {  	_ =	swait.ge [sflag:s8], $0x4000  }
0x5e: {  	[sflag:s8] =	ssyncset.done $0x0  }
0x5f: {  	[sflag:s8] =	ssyncadd.s32 $0xFFFFC000  }
0x60: {  	_ =	swait.ge [sflag:s9], $0x80  }
0x61: {  	[sflag:s9] =	ssyncset.done $0x0  }
0x62: {  	[sflag:s9] =	ssyncadd.s32 $0xFFFFFF80  }
0x63: {  	[spmem:s2] =	stream.indirect.scatter.add.f32 [tilespmem:s5], [sflag:$0xA], $0x80, s28, s21, $0xb8;
	[tilespmem:$0x1FB80] =	vst v63  }
0x64: {  	s17 =	sadd.s32 $0x30, s18;
	_ =	swait.ge [sflag:s25], $0x4000  }
0x65: {  	s15 =	simm.s32 $0x60;
	s14 =	simm.s32 $0x30;
	[sflag:s25] =	ssyncset.done $0x0  }
.LBB2_2:
0x66: {  	s16 =	sadd.s32 $0x20, s17;
	s17 =	sadd.s32 s14, s19;
	[sflag:s25] =	ssyncadd.s32 $0xFFFFC000  }
0x67: {  	[tilespmem:s26], [sflag:$0x3] =	stream.linear.gather [hbm4b:s16+s3], $0x80, $0x38;
	[tilespmem:$0x1FB80] =	vst v63  }
0x68: {  	s16 =	sadd.s32 $0x20, s17;
	s17 =	smov.u32 s15;
	s15 =	sadd.s32 $0x30, s15  }
0x69: {  	[tilespmem:s28], [sflag:$0x6] =	stream.linear.gather [hbm4b:s16+s3], $0x80, $0x38;
	[tilespmem:$0x1FB80] =	vst v63  }
0x6a: {  	p2 =	sne.s32 s15, $0x4E0;
	_ =	swait.ge [sflag:s29], $0x80  }
0x6b: {  	[sflag:s29] =	ssyncset.done $0x0  }
0x6c: {  	[sflag:s29] =	ssyncadd.s32 $0xFFFFFF80  }
0x6d: {  	[tilespmem:s30], [sflag:$0x8] =	stream.indirect.gather [hbm4b:s1+s21], $0x80, s21, s21, $0xb8;
	[tilespmem:$0x1FB80] =	vst v63  }
0x6e: {  	_ =	swait.ge [sflag:s31], $0x4000  }
0x6f: {  	[sflag:s31] =	ssyncset.done $0x0  }
0x70: {  	[sflag:s31] =	ssyncadd.s32 $0xFFFFC000  }
0x71: {  	_ =	swait.ge [sflag:s0], $0x80  }
0x72: {  	[sflag:s0] =	ssyncset.done $0x0  }
0x73: {  	[sflag:s0] =	ssyncadd.s32 $0xFFFFFF80  }
0x74: {  	[spmem:s2] =	stream.indirect.scatter.add.f32 [tilespmem:s24], [sflag:$0xA], $0x80, s20, s21, $0xb8;
	[tilespmem:$0x1FB80] =	vst v63  }
0x75: {  	p3 =	seq.s32 s14, $0x4B0;
	_ =	swait.ge [sflag:s25], $0x4000  }
0x76: {  	s16 =	sadd.s32 @!p3 s14, s18;
	s14 =	sadd.s32 @!p3 s14, s19;
	[sflag:s25] =	ssyncset.done $0x0  }
0x77: {  	s12 =	simm.s32 @!p3 $0x0;
	s23 =	sadd.s32 @!p3 $0x30, s16;
	[sflag:s25] =	ssyncadd.s32 $0xFFFFC000  }
0x78: {  	[tilespmem:s12], [sflag:$0x1] =	stream.linear.gather @!p3 [hbm4b:s23+s12], $0x80, $0x38;
	[tilespmem:$0x1FB80] =	vst v63  }
0x79: {  	s13 =	simm.s32 @!p3 $0x180;
	s16 =	sadd.s32 @!p3 $0x40, s16;
	s23 =	sadd.s32 @!p3 $0x30, s14  }
0x7a: {  	[tilespmem:s13], [sflag:$0x4] =	stream.linear.gather @!p3 [hbm4b:s23+s12], $0x80, $0x38;
	[tilespmem:$0x1FB80] =	vst v63  }
0x7b: {  	s13 =	sadd.s32 @!p3 $0x40, s14;
	s14 =	smov.u32 s17;
	_ =	swait.ge [sflag:s4], $0x80  }
0x7c: {  	[sflag:s4] =	ssyncset.done $0x0  }
0x7d: {  	[sflag:s4] =	ssyncadd.s32 $0xFFFFFF80  }
0x7e: {  	[tilespmem:s5], [sflag:$0x9] =	stream.indirect.gather [hbm4b:s1+s21], $0x80, s26, s21, $0xb8;
	[tilespmem:$0x1FB80] =	vst v63  }
0x7f: {  	_ =	swait.ge [sflag:s6], $0x4000  }
0x80: {  	[sflag:s6] =	ssyncset.done $0x0  }
0x81: {  	[sflag:s6] =	ssyncadd.s32 $0xFFFFC000  }
0x82: {  	_ =	swait.ge [sflag:s7], $0x80  }
0x83: {  	[sflag:s7] =	ssyncset.done $0x0  }
0x84: {  	[sflag:s7] =	ssyncadd.s32 $0xFFFFFF80  }
0x85: {  	[spmem:s2] =	stream.indirect.scatter.add.f32 [tilespmem:s30], [sflag:$0xA], $0x80, s22, s21, $0xb8;
	[tilespmem:$0x1FB80] =	vst v63  }
0x86: {  	_ =	swait.ge [sflag:s25], $0x4000  }
0x87: {  	[sflag:s25] =	ssyncset.done $0x0  }
0x88: {  	s17 =	simm.s32 @!p3 $0x80;
	[sflag:s25] =	ssyncadd.s32 $0xFFFFC000  }
0x89: {  	[tilespmem:s17], [sflag:$0x2] =	stream.linear.gather @!p3 [hbm4b:s16+s12], $0x80, $0x38;
	[tilespmem:$0x1FB80] =	vst v63  }
0x8a: {  	s23 =	simm.s32 @!p3 $0x1;
	s16 =	simm.s32 @!p3 $0x200  }
0x8b: {  	[tilespmem:s16], [sflag:$0x5] =	stream.linear.gather @!p3 [hbm4b:s13+s12], $0x80, $0x38;
	[tilespmem:$0x1FB80] =	vst v63  }
0x8c: {  	_ =	swait.ge @!p3 [sflag:s23], $0x80  }
0x8d: {  	[sflag:s23] =	ssyncset.done @!p3 $0x0  }
0x8e: {  	s13 =	simm.s32 @!p3 $0x300;
	[sflag:s23] =	ssyncadd.s32 @!p3 $0xFFFFFF80  }
0x8f: {  	[tilespmem:s13], [sflag:$0x7] =	stream.indirect.gather @!p3 [hbm4b:s1+s17], $0x80, s12, s17, $0xb8;
	[tilespmem:$0x1FB80] =	vst v63  }
0x90: {  	_ =	swait.ge [sflag:s8], $0x4000  }
0x91: {  	[sflag:s8] =	ssyncset.done $0x0  }
0x92: {  	[sflag:s8] =	ssyncadd.s32 $0xFFFFC000  }
0x93: {  	_ =	swait.ge [sflag:s9], $0x80  }
.Ltmp0:
0x94: {  	[sflag:s9] =	ssyncset.done $0x0;
	(pc) =	sbr.rel @p2 .LBB2_2-.Ltmp0, $4  }
0x95: {  	[sflag:s9] =	ssyncadd.s32 $0xFFFFFF80  }
0x96: {  	[spmem:s2] =	stream.indirect.scatter.add.f32 [tilespmem:s5], [sflag:$0xA], $0x80, s28, s21, $0xb8;
	[tilespmem:$0x1FB80] =	vst v63  }
0x97: {  	_ =	swait.ge [sflag:s25], $0x4000  }
0x98: {  	s17 =	sadd.s32 s14, s18;
	[sflag:s25] =	ssyncset.done $0x0  }
0x99: {  	s12 =	sadd.s32 $0x20, s17;
	s13 =	sadd.s32 s14, s19;
	[sflag:s25] =	ssyncadd.s32 $0xFFFFC000  }
0x9a: {  	[tilespmem:s26], [sflag:$0x3] =	stream.linear.gather [hbm4b:s12+s3], $0x80, $0x38;
	[tilespmem:$0x1FB80] =	vst v63  }
0x9b: {  	s15 =	sadd.s32 $0x20, s13  }
0x9c: {  	[tilespmem:s28], [sflag:$0x6] =	stream.linear.gather [hbm4b:s15+s3], $0x80, $0x38;
	[tilespmem:$0x1FB80] =	vst v63  }
0x9d: {  	_ =	swait.ge [sflag:s29], $0x80  }
0x9e: {  	[sflag:s29] =	ssyncset.done $0x0  }
0x9f: {  	[sflag:s29] =	ssyncadd.s32 $0xFFFFFF80  }
0xa0: {  	[tilespmem:s30], [sflag:$0x8] =	stream.indirect.gather [hbm4b:s1+s21], $0x80, s21, s21, $0xb8;
	[tilespmem:$0x1FB80] =	vst v63  }
0xa1: {  	_ =	swait.ge [sflag:s31], $0x4000  }
0xa2: {  	[sflag:s31] =	ssyncset.done $0x0  }
0xa3: {  	[sflag:s31] =	ssyncadd.s32 $0xFFFFC000  }
0xa4: {  	_ =	swait.ge [sflag:s0], $0x80  }
0xa5: {  	[sflag:s0] =	ssyncset.done $0x0  }
0xa6: {  	[sflag:s0] =	ssyncadd.s32 $0xFFFFFF80  }
0xa7: {  	[spmem:s2] =	stream.indirect.scatter.add.f32 [tilespmem:s24], [sflag:$0xA], $0x80, s20, s21, $0xb8;
	[tilespmem:$0x1FB80] =	vst v63  }
0xa8: {  	p2 =	seq.s32 s14, $0x4B0;
	_ =	swait.ge [sflag:s25], $0x4000  }
0xa9: {  	s12 =	sadd.s32 @!p2 s14, s18;
	s13 =	sadd.s32 @!p2 s14, s19;
	[sflag:s25] =	ssyncset.done $0x0  }
0xaa: {  	s14 =	sadd.s32 @!p2 $0x30, s12;
	s15 =	simm.s32 @!p2 $0x0;
	[sflag:s25] =	ssyncadd.s32 $0xFFFFC000  }
0xab: {  	[tilespmem:s15], [sflag:$0x1] =	stream.linear.gather @!p2 [hbm4b:s14+s15], $0x80, $0x38;
	[tilespmem:$0x1FB80] =	vst v63  }
0xac: {  	s16 =	simm.s32 @!p2 $0x180;
	s14 =	sadd.s32 @!p2 $0x30, s13  }
0xad: {  	[tilespmem:s16], [sflag:$0x4] =	stream.linear.gather @!p2 [hbm4b:s14+s15], $0x80, $0x38;
	[tilespmem:$0x1FB80] =	vst v63  }
0xae: {  	_ =	swait.ge [sflag:s4], $0x80  }
0xaf: {  	[sflag:s4] =	ssyncset.done $0x0  }
0xb0: {  	[sflag:s4] =	ssyncadd.s32 $0xFFFFFF80  }
0xb1: {  	[tilespmem:s5], [sflag:$0x9] =	stream.indirect.gather [hbm4b:s1+s21], $0x80, s26, s21, $0xb8;
	[tilespmem:$0x1FB80] =	vst v63  }
0xb2: {  	_ =	swait.ge [sflag:s6], $0x4000  }
0xb3: {  	[sflag:s6] =	ssyncset.done $0x0  }
0xb4: {  	[sflag:s6] =	ssyncadd.s32 $0xFFFFC000  }
0xb5: {  	_ =	swait.ge [sflag:s7], $0x80  }
0xb6: {  	[sflag:s7] =	ssyncset.done $0x0  }
0xb7: {  	[sflag:s7] =	ssyncadd.s32 $0xFFFFFF80  }
0xb8: {  	[spmem:s2] =	stream.indirect.scatter.add.f32 [tilespmem:s30], [sflag:$0xA], $0x80, s22, s21, $0xb8;
	[tilespmem:$0x1FB80] =	vst v63  }
0xb9: {  	_ =	swait.ge [sflag:s25], $0x4000  }
0xba: {  	[sflag:s25] =	ssyncset.done $0x0  }
0xbb: {  	s12 =	sadd.s32 @!p2 $0x40, s12;
	s14 =	simm.s32 @!p2 $0x80;
	[sflag:s25] =	ssyncadd.s32 $0xFFFFC000  }
0xbc: {  	[tilespmem:s14], [sflag:$0x2] =	stream.linear.gather @!p2 [hbm4b:s12+s15], $0x80, $0x38;
	[tilespmem:$0x1FB80] =	vst v63  }
0xbd: {  	s12 =	sadd.s32 @!p2 $0x40, s13;
	s13 =	simm.s32 @!p2 $0x200  }
0xbe: {  	[tilespmem:s13], [sflag:$0x5] =	stream.linear.gather @!p2 [hbm4b:s12+s15], $0x80, $0x38;
	[tilespmem:$0x1FB80] =	vst v63  }
0xbf: {  	s12 =	simm.s32 @!p2 $0x1  }
0xc0: {  	_ =	swait.ge @!p2 [sflag:s12], $0x80  }
0xc1: {  	[sflag:s12] =	ssyncset.done @!p2 $0x0  }
0xc2: {  	[sflag:s12] =	ssyncadd.s32 @!p2 $0xFFFFFF80;
	s12 =	simm.s32 @!p2 $0x300  }
0xc3: {  	[tilespmem:s12], [sflag:$0x7] =	stream.indirect.gather @!p2 [hbm4b:s1+s14], $0x80, s15, s14, $0xb8;
	[tilespmem:$0x1FB80] =	vst v63  }
0xc4: {  	_ =	swait.ge [sflag:s8], $0x4000  }
0xc5: {  	[sflag:s8] =	ssyncset.done $0x0  }
0xc6: {  	[sflag:s8] =	ssyncadd.s32 $0xFFFFC000  }
0xc7: {  	_ =	swait.ge [sflag:s9], $0x80  }
0xc8: {  	[sflag:s9] =	ssyncset.done $0x0  }
0xc9: {  	[sflag:s9] =	ssyncadd.s32 $0xFFFFFF80  }
0xca: {  	[spmem:s2] =	stream.indirect.scatter.add.f32 [tilespmem:s5], [sflag:$0xA], $0x80, s28, s21, $0xb8;
	[tilespmem:$0x1FB80] =	vst v63  }
0xcb: {  	_ =	swait.ge [sflag:s25], $0x4000  }
0xcc: {  	[sflag:s25] =	ssyncset.done $0x0  }
0xcd: {  	s12 =	simm.s32 @!p1 $0x0;
	s13 =	rddreg [dreg:$0xd];
	[sflag:s25] =	ssyncadd.s32 $0xFFFFC000  }
0xce: {  	[tilespmem:s12], [sflag:$0x1] =	stream.linear.gather @!p1 [hbm4b:s13+s12], $0x80, $0x38;
	[tilespmem:$0x1FB80] =	vst v63  }
0xcf: {  	s14 =	rddreg [dreg:$0xe];
	s13 =	simm.s32 @!p1 $0x180  }
0xd0: {  	[tilespmem:s13], [sflag:$0x4] =	stream.linear.gather @!p1 [hbm4b:s14+s12], $0x80, $0x38;
	[tilespmem:$0x1FB80] =	vst v63  }
0xd1: {  	s14 =	simm.s32 @!p1 $0x1  }
0xd2: {  	_ =	swait.ge @!p1 [sflag:s14], $0x80  }
0xd3: {  	[sflag:s14] =	ssyncset.done @!p1 $0x0  }
0xd4: {  	s15 =	simm.s32 @!p1 $0x300;
	[sflag:s14] =	ssyncadd.s32 @!p1 $0xFFFFFF80;
	s14 =	simm.s32 @!p1 $0x80  }
0xd5: {  	[tilespmem:s15], [sflag:$0x7] =	stream.indirect.gather @!p1 [hbm4b:s1+s14], $0x80, s12, s14, $0xb8;
	[tilespmem:$0x1FB80] =	vst v63  }
0xd6: {  	s12 =	simm.s32 @!p1 $0x7  }
0xd7: {  	_ =	swait.ge @!p1 [sflag:s12], $0x4000  }
0xd8: {  	[sflag:s12] =	ssyncset.done @!p1 $0x0  }
0xd9: {  	[sflag:s12] =	ssyncadd.s32 @!p1 $0xFFFFC000;
	s12 =	simm.s32 @!p1 $0x4  }
0xda: {  	_ =	swait.ge @!p1 [sflag:s12], $0x80  }
0xdb: {  	[sflag:s12] =	ssyncset.done @!p1 $0x0  }
0xdc: {  	[sflag:s12] =	ssyncadd.s32 @!p1 $0xFFFFFF80;
	s12 =	simm.s32 @!p1 $0xA  }
0xdd: {  	[spmem:s2] =	stream.indirect.scatter.add.f32 @!p1 [tilespmem:s15], [sflag:$0xA], $0x80, s13, s14, $0xb8;
	[tilespmem:$0x1FB80] =	vst v63  }
0xde: {  	_ =	swait.ge @!p1 [sflag:s12], $0x4000  }
0xdf: {  	[sflag:s12] =	ssyncset.done @!p1 $0x0  }
0xe0: {  	[sflag:s12] =	ssyncadd.s32 @!p1 $0xFFFFC000  }
0xe1: {  	[bflag:$0x0] =	sbarrier.arrive $0xFFFF  }
0xe2: {  	s16 =	rddreg [dreg:$0x4]  }
0xe3: {  	s13 =	rddreg [dreg:$0xf]  }
0xe4: {  	s17 =	rddreg [dreg:$0x11];
	s12 =	sadd.s32 s16, s13  }
0xe5: {  	[hbm:s12], [sflag:s11] =	dma.local [spmem:s17], $0x2700  }
0xe6: {  	_ =	swait.ge [sflag:s25], $0x2700  }
0xe7: {  	[sflag:s25] =	ssyncset.done $0x0  }
0xe8: {  	s12 =	sadd.s32 @!p0 $0x27000, s13;
	s13 =	rddreg [dreg:$0x12];
	[sflag:s25] =	ssyncadd.s32 $0xFFFFD900  }
0xe9: {  	[hbm:s12], [sflag:s11] =	dma.local @!p0 [spmem:s13], $0x100  }
0xea: {  	s11 =	simm.s32 @!p0 $0xA  }
0xeb: {  	_ =	swait.ge @!p0 [sflag:s11], $0x100  }
0xec: {  	s10 =	sadd.s32 $0x1, s10;
	s23 =	rddreg [dreg:$0x10]  }
0xed: {  	p2 =	sne.s32 s10, s23  }
.Ltmp1:
0xee: {  	_ = 	snop;
	(pc) =	sbr.rel @p2 .LBB2_1-.Ltmp1, $3  }
0xef: {  	_ =	sdelay $0x1  }
0xf0: {  	[sflag:s11] =	ssyncset.done @!p0 $0x0  }
0xf1: {  	[sflag:s11] =	ssyncadd.s32 @!p0 $0xFFFFFF00  }
0xf2: {  	_ =	sfence.sel $0x180000  }
0xf3: {  	[bflag:$0x0] =	sbarrier.arrive $0xFFFF  }
0xf4: {  	_ =	strace $0x90000047  }
0xf5: {  	[bflag:$0x2] =	sbarrier.arrive $0xFFFF  }
0xf6: {  	s0 =	rddreg [dreg:$0x3]  }
0xf7: {  	s0 =	sadd.s32 @!p0 $0x100000, s0  }
0xf8: {  	[sflag:s0] =	ssyncadd.tile.s32 @!p0 $0x1;
	_ =	shalt  }
.Lfunc_end2:
_tile_overlayer_lowered:
.L_overlay_start_2:
0xf9: {  	(tag) =	ssettag $0x2  }
0xfa: {  	s0 =	rddreg [dreg:$0x0];
	s2 =	stileid.u32  }
0xfb: {  	s1 =	rddreg [dreg:$0x1];
	p0 =	sne.s32 s2, $0x0  }
0xfc: {  	s3 =	rddreg [dreg:$0x2];
	[bflag:$0x3] =	sbarrier.arrive $0xFFFF;
	s2 =	simm.s32 @!p0 $0x1C0A  }
0xfd: {  	[timem:s3], [sflag:s2] =	dma.local @!p0 [hbm:s0], s1  }
0xfe: {  	s0 =	simm.s32 @!p0 $0xA  }
0xff: {  	_ =	swait.ge @!p0 [sflag:s0], s1  }
0x100: {  	s1 =	ssub.s32 @!p0 $0x0, s1;
	[sflag:s0] =	ssyncset.done @!p0 $0x0  }
0x101: {  	[sflag:s0] =	ssyncadd.s32 @!p0 s1  }
0x102: {  	[bflag:$0x3] =	sbarrier.arrive $0xFFFF  }
0x103: {  	_ =	shalt  }

</sc_bundles>
